<compile_context>
chip_gen: v7x
topology: tpu7x:2x2x1
jax: 0.10.2.dev20260603
libtpu: 0.0.44.dev20260713+nightly
codegen_flags: <defaults>
</compile_context>

<pallas_src>
import functools

import jax
import jax.numpy as jnp
from jax import lax
from jax.experimental import pallas as pl
from jax.experimental.pallas import tpu as pltpu
from jax.experimental.pallas import tpu_sc as plsc

N = 10000
E = 320000
H = 128
DE = 4
L = 2
NC = 4
CS = 32
NOPS = 7
OUT = 10
GW = NC * NOPS * CS
NG = NC * NOPS

NCORE = 2
NSUB = 16
NW = NCORE * NSUB
ECH = 128
EPT = 10240
NCHUNK = EPT // ECH
E2 = NW * EPT
SLAB = 4
NSLAB = NCHUNK // SLAB
NP = 10240
RPT = NP // NSUB

BLK = 400
NBLK = N // BLK

_f32 = jnp.float32



def _sc_h_body(h_hbm, idx_hbm, zh_hbm, outh,
               idx_v, rows_v, acc_h, sem_a, sem_b):
    cid = lax.axis_index("c")
    sid = lax.axis_index("s")
    wid = cid * NSUB + sid
    row0 = sid * RPT
    pltpu.sync_copy(zh_hbm.at[pl.ds(row0, RPT)], acc_h.at[pl.ds(row0, RPT)])
    plsc.subcore_barrier()

    def _rbuf(k):
        return rows_v.at[pl.ds(k * ECH, ECH)]

    sems = (sem_a, sem_b)
    CH8 = 2 * SLAB
    DEPTH = 2

    def _pair(p, carry):
        base = (wid * NCHUNK + p * CH8) * 2
        pltpu.sync_copy(idx_hbm.at[pl.ds(base, 2 * CH8)], idx_v)

        def _issue(j):
            return pltpu.async_copy(h_hbm.at[idx_v.at[2 * j]],
                                    _rbuf(j % DEPTH), sems[j % DEPTH])

        cps = [None] * CH8
        for j in range(DEPTH - 1):
            cps[j] = _issue(j)
        for j in range(CH8):
            if j + DEPTH - 1 < CH8:
                cps[j + DEPTH - 1] = _issue(j + DEPTH - 1)
            cps[j].wait()
            pltpu.sync_copy(_rbuf(j % DEPTH),
                            acc_h.at[idx_v.at[2 * j + 1]], add=True)
        return carry

    lax.fori_loop(0, NSLAB // 2, _pair, 0)
    plsc.subcore_barrier()
    pltpu.sync_copy(acc_h.at[pl.ds(row0, RPT)], outh.at[cid, pl.ds(row0, RPT)])


def _sc_m_body(ea_hbm, idx_hbm, zh_hbm, outm,
               idx_v, rows_v, acc_m, sem_a, sem_b):
    cid = lax.axis_index("c")
    sid = lax.axis_index("s")
    wid = cid * NSUB + sid
    row0 = sid * RPT
    pltpu.sync_copy(zh_hbm.at[pl.ds(row0, RPT)], acc_m.at[pl.ds(row0, RPT)])
    plsc.subcore_barrier()

    def _rbuf(k):
        return rows_v.at[pl.ds(k * ECH, ECH)]

    sems = (sem_a, sem_b)
    CH8 = 2 * SLAB
    DEPTH = 2

    def _pair(p, carry):
        base = (wid * NCHUNK + p * CH8) * 2
        pltpu.sync_copy(idx_hbm.at[pl.ds(base, 2 * CH8)], idx_v)

        def _issue(j):
            erow = (wid * NCHUNK + p * CH8 + j) * ECH
            return pltpu.async_copy(ea_hbm.at[pl.ds(erow, ECH)],
                                    _rbuf(j % DEPTH), sems[j % DEPTH])

        cps = [None] * CH8
        for j in range(DEPTH - 1):
            cps[j] = _issue(j)
        for j in range(CH8):
            if j + DEPTH - 1 < CH8:
                cps[j + DEPTH - 1] = _issue(j + DEPTH - 1)
            cps[j].wait()
            pltpu.sync_copy(_rbuf(j % DEPTH),
                            acc_m.at[idx_v.at[2 * j + 1]], add=True)
        return carry

    lax.fori_loop(0, NSLAB // 2, _pair, 0)
    plsc.subcore_barrier()
    pltpu.sync_copy(acc_m.at[pl.ds(row0, RPT)], outm.at[cid, pl.ds(row0, RPT)])


_SC_MESH = plsc.VectorSubcoreMesh(core_axis_name="c", subcore_axis_name="s")

_SC_SCRATCH = [
    pltpu.VMEM((4 * SLAB, ECH), jnp.int32),
    pltpu.VMEM((2 * ECH, H), _f32),
    pltpu.VMEM_SHARED((NP, H), _f32),
    pltpu.SemaphoreType.DMA,
    pltpu.SemaphoreType.DMA,
]

_sc_scatter_h = functools.partial(
    pl.kernel,
    out_type=[jax.ShapeDtypeStruct((NCORE, NP, H), _f32)],
    mesh=_SC_MESH,
    scratch_types=_SC_SCRATCH,
)(_sc_h_body)

_sc_scatter_m = functools.partial(
    pl.kernel,
    out_type=[jax.ShapeDtypeStruct((NCORE, NP, H), _f32)],
    mesh=_SC_MESH,
    scratch_types=_SC_SCRATCH,
)(_sc_m_body)



def _proj_body(x_ref, w_ref, b_ref, o_ref):
    o_ref[...] = jnp.dot(x_ref[...], w_ref[...],
                         preferred_element_type=_f32) + b_ref[...]


def _mix_body(p_ref, m_ref, wcat_ref, wec_ref, bcat_ref, g_ref, bln_ref,
              wmix_ref, gmat_ref, gt_ref, sel_ref, e4_ref, hn_ref, st_ref):
    i = pl.program_id(0)
    P = p_ref[...]
    Sh = P[0] + P[1]
    Mp = m_ref[...]
    M = Mp[0] + Mp[1]
    deg = jnp.maximum(jnp.dot(M, e4_ref[...], preferred_element_type=_f32), 1.0)
    dinv = 1.0 / deg
    A = Sh * dinv
    Bm = M * dinv
    Rm = (jnp.dot(A, wcat_ref[...], preferred_element_type=_f32)
          + jnp.dot(Bm, wec_ref[...], preferred_element_type=_f32)
          + bcat_ref[...])
    mu = jnp.dot(Rm, gmat_ref[...], preferred_element_type=_f32) * (1.0 / CS)
    mq = jnp.dot(Rm * Rm, gmat_ref[...], preferred_element_type=_f32) * (1.0 / CS)
    mu_b = jnp.dot(mu, gt_ref[...], preferred_element_type=_f32)
    var_b = jnp.dot(mq, gt_ref[...], preferred_element_type=_f32) - mu_b * mu_b
    resn = (Rm - mu_b) * lax.rsqrt(var_b + 1e-5) * g_ref[...] + bln_ref[...]
    hn = jnp.dot(resn * wmix_ref[...], sel_ref[...], preferred_element_type=_f32)
    hn_ref[...] = hn

    @pl.when(i == 0)
    def _():
        st_ref[...] = jnp.zeros_like(st_ref)

    st_ref[...] += jnp.concatenate(
        [jnp.sum(hn, 0, keepdims=True), jnp.sum(hn * hn, 0, keepdims=True)], axis=0)


def _bn_body(hn_ref, st_ref, h_ref):
    st = st_ref[...]
    mu = st[0:1] * (1.0 / N)
    var = st[1:2] * (1.0 / N) - mu * mu
    h_ref[...] = jnp.maximum((hn_ref[...] - mu) * lax.rsqrt(var + 1e-5), 0.0)


def _final_body(h0_ref, h1_ref, hn_ref, st_ref, wt_ref, mt_ref, bc_ref,
                out_ref, ssum, smax):
    i = pl.program_id(0)

    @pl.when(i == 0)
    def _():
        ssum[...] = jnp.zeros_like(ssum)
        smax[...] = jnp.full_like(smax, -jnp.inf)

    st = st_ref[...]
    mu2 = st[0:1] * (1.0 / N)
    var2 = st[1:2] * (1.0 / N) - mu2 * mu2
    h2 = jnp.maximum((hn_ref[...] - mu2) * lax.rsqrt(var2 + 1e-5), 0.0)
    hs = (h0_ref[...], h1_ref[...], h2)
    for k in range(3):
        ssum[k:k + 1, :] += jnp.sum(hs[k], 0, keepdims=True)
        smax[k:k + 1, :] = jnp.maximum(smax[k:k + 1, :],
                                       jnp.max(hs[k], 0, keepdims=True))

    @pl.when(i == NBLK - 1)
    def _():
        Wm = wt_ref[...] * mt_ref[...]
        mean = ssum[...] * (1.0 / N)
        mx = smax[...]
        acc = bc_ref[...]
        for k in range(3):
            acc += jnp.dot(mean[k:k + 1, :], Wm[k], preferred_element_type=_f32)
        for k in range(3):
            acc += jnp.dot(mx[k:k + 1, :], Wm[k + 3], preferred_element_type=_f32)
        out_ref[...] = acc


def _const_spec(shape):
    return pl.BlockSpec(shape, lambda i: tuple(0 for _ in shape))


def _tc_proj(x, W_in, b_in2):
    return pl.pallas_call(
        _proj_body,
        grid=(NBLK,),
        in_specs=[pl.BlockSpec((BLK, H), lambda i: (i, 0)),
                  _const_spec((H, H)),
                  _const_spec((1, H))],
        out_specs=pl.BlockSpec((BLK, H), lambda i: (i, 0)),
        out_shape=jax.ShapeDtypeStruct((N, H), _f32),
    )(x, W_in, b_in2)


def _tc_mix(parts_h, parts_m, wcat, wec, bcat, gfull, bfull, wfull,
            gmat, gmatT, sel, e4):
    return pl.pallas_call(
        _mix_body,
        grid=(NBLK,),
        in_specs=[pl.BlockSpec((NCORE, BLK, H), lambda i: (0, i, 0)),
                  pl.BlockSpec((NCORE, BLK, H), lambda i: (0, i, 0)),
                  _const_spec((H, GW)),
                  _const_spec((H, GW)),
                  _const_spec((1, GW)),
                  _const_spec((1, GW)),
                  _const_spec((1, GW)),
                  _const_spec((1, GW)),
                  _const_spec((GW, NG)),
                  _const_spec((NG, GW)),
                  _const_spec((GW, NC * CS)),
                  _const_spec((H, 1))],
        out_specs=[pl.BlockSpec((BLK, H), lambda i: (i, 0)),
                   _const_spec((2, H))],
        out_shape=[jax.ShapeDtypeStruct((N, H), _f32),
                   jax.ShapeDtypeStruct((2, H), _f32)],
    )(parts_h, parts_m, wcat, wec, bcat, gfull, bfull, wfull, gmat, gmatT,
      sel, e4)


def _tc_bn(hn, st):
    return pl.pallas_call(
        _bn_body,
        grid=(NBLK,),
        in_specs=[pl.BlockSpec((BLK, H), lambda i: (i, 0)),
                  _const_spec((2, H))],
        out_specs=pl.BlockSpec((BLK, H), lambda i: (i, 0)),
        out_shape=jax.ShapeDtypeStruct((N, H), _f32),
    )(hn, st)


def _tc_final(h0, h1, hn1, st1, wT, mT, bc2):
    return pl.pallas_call(
        _final_body,
        grid=(NBLK,),
        in_specs=[pl.BlockSpec((BLK, H), lambda i: (i, 0)),
                  pl.BlockSpec((BLK, H), lambda i: (i, 0)),
                  pl.BlockSpec((BLK, H), lambda i: (i, 0)),
                  _const_spec((2, H)),
                  _const_spec((6, H, OUT)),
                  _const_spec((6, H, OUT)),
                  _const_spec((1, OUT))],
        out_specs=_const_spec((1, OUT)),
        out_shape=jax.ShapeDtypeStruct((1, OUT), _f32),
        scratch_shapes=[pltpu.VMEM((3, H), _f32), pltpu.VMEM((3, H), _f32)],
    )(h0, h1, hn1, st1, wT, mT, bc2)



def kernel(x, edge_index, edge_attr, W_in, b_in, We, Wops, bops, ln_g, ln_b,
           alpha, Wcls, mask, bcls):
    pad = E2 - E
    src_p = jnp.concatenate([edge_index[0], jnp.zeros((pad,), jnp.int32)])
    dst_p = jnp.concatenate(
        [edge_index[1], N + (jnp.arange(pad, dtype=jnp.int32) % (NP - N))])
    idx2 = jnp.stack([src_p.reshape(NW * NCHUNK, ECH),
                      dst_p.reshape(NW * NCHUNK, ECH)],
                     axis=1).reshape(NW * NCHUNK * 2, ECH)
    ea128 = jnp.concatenate(
        [jnp.concatenate([edge_attr, jnp.ones((E, 1), _f32),
                          jnp.zeros((E, H - DE - 1), _f32)], axis=1),
         jnp.zeros((pad, H), _f32)], axis=0)
    zh = jnp.zeros((NP, H), _f32)

    Wcat = Wops.transpose(0, 3, 1, 2, 4).reshape(L, H, GW)
    Wec = jnp.einsum('lodh,lcohs->lcods', We, Wops)
    Wec128 = jnp.concatenate(
        [Wec.transpose(0, 3, 1, 2, 4).reshape(L, DE, GW),
         jnp.zeros((L, H - DE, GW), _f32)], axis=1)
    bcat = bops.reshape(L, 1, GW)
    gfull = jnp.broadcast_to(ln_g[:, :, None, :], (L, NC, NOPS, CS)).reshape(L, 1, GW)
    bfull = jnp.broadcast_to(ln_b[:, :, None, :], (L, NC, NOPS, CS)).reshape(L, 1, GW)
    wfull = jnp.broadcast_to(jax.nn.softmax(alpha, -1)[..., None],
                             (L, NC, NOPS, CS)).reshape(L, 1, GW)
    ar = jnp.arange(GW)
    gmat = (ar[:, None] // CS == jnp.arange(NG)[None, :]).astype(_f32)
    gmatT = gmat.T
    cols = (ar // (NOPS * CS)) * CS + (ar % CS)
    sel = (cols[:, None] == jnp.arange(NC * CS)[None, :]).astype(_f32)
    e4 = (jnp.arange(H) == DE).astype(_f32)[:, None]
    wT = Wcls.T.reshape(2 * (L + 1), H, OUT)
    mT = mask.T.reshape(2 * (L + 1), H, OUT)
    bc2 = bcls[None, :]
    b_in2 = b_in[None, :]

    h0 = _tc_proj(x, W_in, b_in2)

    (parts_m,) = _sc_scatter_m(ea128, idx2, zh)
    (parts_h,) = _sc_scatter_h(h0, idx2, zh)
    hn0, st0 = _tc_mix(parts_h, parts_m, Wcat[0], Wec128[0], bcat[0], gfull[0],
                       bfull[0], wfull[0], gmat, gmatT, sel, e4)
    h1 = _tc_bn(hn0, st0)

    (parts_h2,) = _sc_scatter_h(h1, idx2, zh)
    hn1, st1 = _tc_mix(parts_h2, parts_m, Wcat[1], Wec128[1], bcat[1], gfull[1],
                       bfull[1], wfull[1], gmat, gmatT, sel, e4)

    out2 = _tc_final(h0, h1, hn1, st1, wT, mT, bc2)
    return out2[0]

# --- scband reference (transcript-rebuilt; emitter-appended) ---
"""Pipeline reference for scband-network-72885595013737 (READ-ONLY COPY).

The authoritative reference and input builder live on the scoring server;
editing this copy changes nothing except your own understanding.
"""

import jax, jax.numpy as jnp
import numpy as np

N = 10000
E = 320000
D_IN = 128
H = 128
D_EDGE = 4
L = 2
NC = 4
CS = 32
NOPS = 7
OUT = 10


def setup_inputs(seed: int = 0) -> dict:
    key = jax.random.key(seed)
    ks = jax.random.split(key, 16)
    inp = {}
    inp["x"] = jax.random.normal(ks[0], (N, D_IN), dtype=jnp.float32)
    inp["edge_index"] = jax.random.randint(ks[1], (2, E), 0, N, dtype=jnp.int32)
    inp["edge_attr"] = jax.random.normal(ks[2], (E, D_EDGE), dtype=jnp.float32)
    inp["W_in"] = jax.random.normal(ks[3], (D_IN, H), dtype=jnp.float32) * 0.05
    inp["b_in"] = jnp.zeros((H,), jnp.float32)
    inp["We"] = jax.random.normal(ks[4], (L, NOPS, D_EDGE, H), dtype=jnp.float32) * 0.05
    inp["Wops"] = jax.random.normal(ks[5], (L, NC, NOPS, H, CS), dtype=jnp.float32) * 0.05
    inp["bops"] = jnp.zeros((L, NC, NOPS, CS), jnp.float32)
    inp["ln_g"] = jnp.ones((L, NC, CS), jnp.float32)
    inp["ln_b"] = jnp.zeros((L, NC, CS), jnp.float32)
    inp["alpha"] = jax.random.normal(ks[6], (L, NC, NOPS), dtype=jnp.float32)
    inp["Wcls"] = jax.random.normal(ks[7], (OUT, H * (L + 1) * 2), dtype=jnp.float32) * 0.05
    inp["mask"] = (jax.random.uniform(ks[8], (OUT, H * (L + 1) * 2)) < (1.0 / NC)).astype(jnp.float32)
    inp["bcls"] = jnp.zeros((OUT,), jnp.float32)
    return inp


def reference(x, edge_index, edge_attr, W_in, b_in, We, Wops, bops, ln_g, ln_b, alpha, Wcls, mask, bcls):
    src = edge_index[0]
    dst = edge_index[1]
    deg = jnp.clip(jnp.zeros((N,), jnp.float32).at[dst].add(1.0), 1.0, None)
    # lin1: input projection (stand-in for atom/feature encoder)
    h = x @ W_in + b_in
    xs = [h]
    for l in range(L):
        # per-primitive message passing with bond (edge) encoder, shared across chunks
        aggs = []
        for o in range(NOPS):
            eenc = edge_attr @ We[l, o]                      # [E, H] bond encoder
            m = h[src] + eenc                                # gather + edge feature fuse
            agg = jnp.zeros((N, H), jnp.float32).at[dst].add(m) / deg[:, None]  # mean aggregate
            aggs.append(agg)
        chunk_outs = []
        for c in range(NC):
            # NaMixedOp: per-op output projection to chunk_size, stack over ops
            res = jnp.stack([aggs[o] @ Wops[l, c, o] + bops[l, c, o] for o in range(NOPS)], axis=1)  # [N, NOPS, CS]
            mu = res.mean(-1, keepdims=True)
            var = res.var(-1, keepdims=True)
            res = (res - mu) / jnp.sqrt(var + 1e-5) * ln_g[l, c] + ln_b[l, c]   # LayerNorm(out_dim)
            w = jax.nn.softmax(alpha[l, c])                  # architecture weights over ops
            chunk_outs.append((res * w[None, :, None]).sum(axis=1))             # weighted mix
        hn = jnp.concatenate(chunk_outs, axis=1)             # [N, H]
        # BatchNorm1d (batch statistics, eval-style affine identity)
        mu = hn.mean(axis=0)
        var = hn.var(axis=0)
        hn = (hn - mu) / jnp.sqrt(var + 1e-5)
        h = jax.nn.relu(hn)
        xs.append(h)
    feat = jnp.concatenate(xs, axis=1)                       # [N, H*(L+1)] jumping knowledge
    pooled = jnp.concatenate([feat.mean(axis=0), feat.max(axis=0)])  # Readout_trivial: mean||max
    out = (Wcls * mask) @ pooled + bcls                      # MixHead: masked linear classifier
    return out

if __name__ == "__main__":
    import jax
    _d = setup_inputs()
    print(jax.jit(kernel)(*tuple(_d.values())))

</pallas_src>

<mosaic_0001>
#map = affine_map<(d0, d1) -> (0, 0)>
#map1 = affine_map<(d0, d1) -> (0, 0, 0)>
module attributes {stable_mosaic.version = 14 : i64} {
  func.func @_sc_h_body(%arg0: i32, %arg1: i32, %arg2: memref<10000x128xf32, #tpu.memory_space<hbm>>, %arg3: memref<5120x128xi32, #tpu.memory_space<hbm>>, %arg4: memref<10240x128xf32, #tpu.memory_space<hbm>>, %arg5: memref<2x10240x128xf32, #tpu.memory_space<hbm>>, %arg6: memref<16x128xi32, #tpu.memory_space<vmem>>, %arg7: memref<256x128xf32, #tpu.memory_space<vmem>>, %arg8: memref<10240x128xf32, #tpu.memory_space<vmem_shared>>, %arg9: memref<!tpu.dma_semaphore, #tpu.memory_space<semaphore_mem>>, %arg10: memref<!tpu.dma_semaphore, #tpu.memory_space<semaphore_mem>>) attributes {dimension_semantics = [#tpu.dimension_semantics<core_parallel>, #tpu.dimension_semantics<subcore_parallel>], iteration_bounds = array<i64: 2, 16>, scalar_prefetch = 0 : i64, scratch_operands = 5 : i64, tpu.core_type = #tpu.core_type<sc_vector_subcore>, window_params = [{transform_indices = #map}, {transform_indices = #map}, {transform_indices = #map}, {transform_indices = #map1}]} {
    %mul3A = arith.constant 16 : i32
    %mul3A_0 = arith.muli %arg0, %mul3A : i32
    %add3A = arith.addi %mul3A_0, %arg1 : i32
    %mul3A_1 = arith.constant 640 : i32
    %mul3A_2 = arith.muli %arg1, %mul3A_1 : i32
    "tpu.region"() ({
      %run_scoped3A = tpu.sem_alloc : memref<!tpu.dma_semaphore, #tpu.memory_space<semaphore_mem>>
      %dma_start3A = arith.constant 0 : i32
      %dma_start3A_9 = tpu.memref_slice %arg8[%mul3A_2, %dma_start3A] : memref<10240x128xf32, #tpu.memory_space<vmem_shared>> -> memref<640x128xf32, #tpu.memory_space<vmem_shared>>
      %dma_start3A_10 = arith.constant 0 : i32
      %dma_start3A_11 = tpu.memref_slice %arg4[%mul3A_2, %dma_start3A_10] : memref<10240x128xf32, #tpu.memory_space<hbm>> -> memref<640x128xf32, #tpu.memory_space<hbm>>
      tpu.enqueue_dma source(%dma_start3A_11 : memref<640x128xf32, #tpu.memory_space<hbm>>) target(%dma_start3A_9 : memref<640x128xf32, #tpu.memory_space<vmem_shared>>) target_semaphore(%run_scoped3A : memref<!tpu.dma_semaphore, #tpu.memory_space<semaphore_mem>>)
      %dma_wait3A = arith.constant 0 : i32
      %dma_wait3A_12 = tpu.memref_slice %arg8[%mul3A_2, %dma_wait3A] : memref<10240x128xf32, #tpu.memory_space<vmem_shared>> -> memref<640x128xf32, #tpu.memory_space<vmem_shared>>
      %dma_wait3A_13 = arith.constant 0 : i32
      %dma_wait3A_14 = tpu.memref_slice %arg4[%mul3A_2, %dma_wait3A_13] : memref<10240x128xf32, #tpu.memory_space<hbm>> -> memref<640x128xf32, #tpu.memory_space<hbm>>
      tpu.wait_dma2 semaphore(%run_scoped3A : memref<!tpu.dma_semaphore, #tpu.memory_space<semaphore_mem>>) src(%dma_wait3A_14 : memref<640x128xf32, #tpu.memory_space<hbm>>) dst(%dma_wait3A_12 : memref<640x128xf32, #tpu.memory_space<vmem_shared>>)
      tpu.yield
    }) : () -> ()
    %barrier3A = arith.constant 0 : index
    tpu.barrier barrier_id(%barrier3A)
    %scan3A = arith.constant 0 : i32
    %scan3A_3 = arith.constant 0 : i32
    %scan3A_4 = arith.constant 10 : i32
    %scan3A_5 = arith.addi %scan3A_3, %scan3A_4 : i32
    %scan3A_6 = arith.constant 1 : i32
    scf.for %scan3A_9 = %scan3A_3 to %scan3A_5 step %scan3A_6  : i32 {
      %mul3A_10 = arith.constant 80 : i32
      %mul3A_11 = arith.muli %add3A, %mul3A_10 : i32
      %mul3A_12 = arith.constant 8 : i32
      %mul3A_13 = arith.muli %scan3A_9, %mul3A_12 : i32
      %add3A_14 = arith.addi %mul3A_11, %mul3A_13 : i32
      %mul3A_15 = arith.constant 2 : i32
      %mul3A_16 = arith.muli %add3A_14, %mul3A_15 : i32
      "tpu.region"() ({
        %run_scoped3A_182 = tpu.sem_alloc : memref<!tpu.dma_semaphore, #tpu.memory_space<semaphore_mem>>
        %dma_start3A_183 = arith.constant 0 : i32
        %dma_start3A_184 = tpu.memref_slice %arg3[%mul3A_16, %dma_start3A_183] : memref<5120x128xi32, #tpu.memory_space<hbm>> -> memref<16x128xi32, #tpu.memory_space<hbm>>
        %dma_start3A_185 = arith.constant 0 : i32
        %dma_start3A_186 = tpu.memref_slice %arg3[%mul3A_16, %dma_start3A_185] : memref<5120x128xi32, #tpu.memory_space<hbm>> -> memref<16x128xi32, #tpu.memory_space<hbm>>
        tpu.enqueue_dma source(%dma_start3A_186 : memref<16x128xi32, #tpu.memory_space<hbm>>) target(%arg6 : memref<16x128xi32, #tpu.memory_space<vmem>>) target_semaphore(%run_scoped3A_182 : memref<!tpu.dma_semaphore, #tpu.memory_space<semaphore_mem>>)
        %dma_wait3A_187 = arith.constant 0 : i32
        %dma_wait3A_188 = tpu.memref_slice %arg3[%mul3A_16, %dma_wait3A_187] : memref<5120x128xi32, #tpu.memory_space<hbm>> -> memref<16x128xi32, #tpu.memory_space<hbm>>
        %dma_wait3A_189 = arith.constant 0 : i32
        %dma_wait3A_190 = tpu.memref_slice %arg3[%mul3A_16, %dma_wait3A_189] : memref<5120x128xi32, #tpu.memory_space<hbm>> -> memref<16x128xi32, #tpu.memory_space<hbm>>
        tpu.wait_dma2 semaphore(%run_scoped3A_182 : memref<!tpu.dma_semaphore, #tpu.memory_space<semaphore_mem>>) src(%dma_wait3A_190 : memref<16x128xi32, #tpu.memory_space<hbm>>) dst(%arg6 : memref<16x128xi32, #tpu.memory_space<vmem>>)
        tpu.yield
      }) : () -> ()
      %dma_start3A = arith.constant 0 : i32
      %dma_start3A_17 = arith.constant 0 : i32
      %dma_start3A_18 = arith.constant 0 : i32
      %dma_start3A_19 = tpu.memref_slice %arg7[%dma_start3A_17, %dma_start3A_18] : memref<256x128xf32, #tpu.memory_space<vmem>> -> memref<128x128xf32, #tpu.memory_space<vmem>>
      %dma_start3A_20 = arith.constant 0 : i32
      %dma_start3A_21 = tpu.memref_slice %arg6[%dma_start3A, %dma_start3A_20] : memref<16x128xi32, #tpu.memory_space<vmem>> -> memref<1x128xi32, #tpu.memory_space<vmem>>
      %dma_start3A_22 = tpu.memref_squeeze %dma_start3A_21 : memref<1x128xi32, #tpu.memory_space<vmem>> -> memref<128xi32, #tpu.memory_space<vmem>>
      %dma_start3A_23 = arith.constant 0 : i32
      %dma_start3A_24 = arith.constant 0 : i32
      %dma_start3A_25 = tpu.memref_slice %arg2[%dma_start3A_23, %dma_start3A_24] : memref<10000x128xf32, #tpu.memory_space<hbm>> -> memref<10000x128xf32, #tpu.memory_space<hbm>>
      tpu.enqueue_indirect_dma source(%dma_start3A_25 : memref<10000x128xf32, #tpu.memory_space<hbm>>) target(%dma_start3A_19 : memref<128x128xf32, #tpu.memory_space<vmem>>) offsets(%dma_start3A_22 : memref<128xi32, #tpu.memory_space<vmem>>) semaphore(%arg9 : memref<!tpu.dma_semaphore, #tpu.memory_space<semaphore_mem>>)
      %dma_start3A_26 = arith.constant 2 : i32
      %dma_start3A_27 = arith.constant 128 : i32
      %dma_start3A_28 = arith.constant 0 : i32
      %dma_start3A_29 = tpu.memref_slice %arg7[%dma_start3A_27, %dma_start3A_28] : memref<256x128xf32, #tpu.memory_space<vmem>> -> memref<128x128xf32, #tpu.memory_space<vmem>>
      %dma_start3A_30 = arith.constant 0 : i32
      %dma_start3A_31 = tpu.memref_slice %arg6[%dma_start3A_26, %dma_start3A_30] : memref<16x128xi32, #tpu.memory_space<vmem>> -> memref<1x128xi32, #tpu.memory_space<vmem>>
      %dma_start3A_32 = tpu.memref_squeeze %dma_start3A_31 : memref<1x128xi32, #tpu.memory_space<vmem>> -> memref<128xi32, #tpu.memory_space<vmem>>
      %dma_start3A_33 = arith.constant 0 : i32
      %dma_start3A_34 = arith.constant 0 : i32
      %dma_start3A_35 = tpu.memref_slice %arg2[%dma_start3A_33, %dma_start3A_34] : memref<10000x128xf32, #tpu.memory_space<hbm>> -> memref<10000x128xf32, #tpu.memory_space<hbm>>
      tpu.enqueue_indirect_dma source(%dma_start3A_35 : memref<10000x128xf32, #tpu.memory_space<hbm>>) target(%dma_start3A_29 : memref<128x128xf32, #tpu.memory_space<vmem>>) offsets(%dma_start3A_32 : memref<128xi32, #tpu.memory_space<vmem>>) semaphore(%arg10 : memref<!tpu.dma_semaphore, #tpu.memory_space<semaphore_mem>>)
      %dma_wait3A = arith.constant 0 : i32
      %dma_wait3A_36 = arith.constant 0 : i32
      %dma_wait3A_37 = arith.constant 0 : i32
      %dma_wait3A_38 = tpu.memref_slice %arg7[%dma_wait3A_36, %dma_wait3A_37] : memref<256x128xf32, #tpu.memory_space<vmem>> -> memref<128x128xf32, #tpu.memory_space<vmem>>
      %dma_wait3A_39 = arith.constant 0 : i32
      %dma_wait3A_40 = tpu.memref_slice %arg6[%dma_wait3A, %dma_wait3A_39] : memref<16x128xi32, #tpu.memory_space<vmem>> -> memref<1x128xi32, #tpu.memory_space<vmem>>
      %dma_wait3A_41 = tpu.memref_squeeze %dma_wait3A_40 : memref<1x128xi32, #tpu.memory_space<vmem>> -> memref<128xi32, #tpu.memory_space<vmem>>
      %dma_wait3A_42 = arith.constant 0 : i32
      %dma_wait3A_43 = arith.constant 0 : i32
      %dma_wait3A_44 = tpu.memref_slice %arg2[%dma_wait3A_42, %dma_wait3A_43] : memref<10000x128xf32, #tpu.memory_space<hbm>> -> memref<10000x128xf32, #tpu.memory_space<hbm>>
      tpu.wait_indirect_dma semaphore(%arg9 : memref<!tpu.dma_semaphore, #tpu.memory_space<semaphore_mem>>) src(%dma_wait3A_44 : memref<10000x128xf32, #tpu.memory_space<hbm>>) dst(%dma_wait3A_38 : memref<128x128xf32, #tpu.memory_space<vmem>>)
      %run_scoped3A = arith.constant 1 : i32
      "tpu.region"() ({
        %run_scoped3A_182 = tpu.sem_alloc : memref<!tpu.dma_semaphore, #tpu.memory_space<semaphore_mem>>
        %dma_start3A_183 = arith.constant 0 : i32
        %dma_start3A_184 = arith.constant 0 : i32
        %dma_start3A_185 = tpu.memref_slice %arg7[%dma_start3A_183, %dma_start3A_184] : memref<256x128xf32, #tpu.memory_space<vmem>> -> memref<128x128xf32, #tpu.memory_space<vmem>>
        %dma_start3A_186 = arith.constant 0 : i32
        %dma_start3A_187 = tpu.memref_slice %arg6[%run_scoped3A, %dma_start3A_186] : memref<16x128xi32, #tpu.memory_space<vmem>> -> memref<1x128xi32, #tpu.memory_space<vmem>>
        %dma_start3A_188 = tpu.memref_squeeze %dma_start3A_187 : memref<1x128xi32, #tpu.memory_space<vmem>> -> memref<128xi32, #tpu.memory_space<vmem>>
        %dma_start3A_189 = arith.constant 0 : i32
        %dma_start3A_190 = arith.constant 0 : i32
        %dma_start3A_191 = tpu.memref_slice %arg8[%dma_start3A_189, %dma_start3A_190] : memref<10240x128xf32, #tpu.memory_space<vmem_shared>> -> memref<10240x128xf32, #tpu.memory_space<vmem_shared>>
        tpu.enqueue_indirect_dma source(%dma_start3A_185 : memref<128x128xf32, #tpu.memory_space<vmem>>) target(%dma_start3A_191 : memref<10240x128xf32, #tpu.memory_space<vmem_shared>>) offsets(%dma_start3A_188 : memref<128xi32, #tpu.memory_space<vmem>>) semaphore(%run_scoped3A_182 : memref<!tpu.dma_semaphore, #tpu.memory_space<semaphore_mem>>) {add = true}
        %dma_wait3A_192 = arith.constant 0 : i32
        %dma_wait3A_193 = arith.constant 0 : i32
        %dma_wait3A_194 = tpu.memref_slice %arg7[%dma_wait3A_192, %dma_wait3A_193] : memref<256x128xf32, #tpu.memory_space<vmem>> -> memref<128x128xf32, #tpu.memory_space<vmem>>
        %dma_wait3A_195 = arith.constant 0 : i32
        %dma_wait3A_196 = tpu.memref_slice %arg6[%run_scoped3A, %dma_wait3A_195] : memref<16x128xi32, #tpu.memory_space<vmem>> -> memref<1x128xi32, #tpu.memory_space<vmem>>
        %dma_wait3A_197 = tpu.memref_squeeze %dma_wait3A_196 : memref<1x128xi32, #tpu.memory_space<vmem>> -> memref<128xi32, #tpu.memory_space<vmem>>
        %dma_wait3A_198 = arith.constant 0 : i32
        %dma_wait3A_199 = arith.constant 0 : i32
        %dma_wait3A_200 = tpu.memref_slice %arg8[%dma_wait3A_198, %dma_wait3A_199] : memref<10240x128xf32, #tpu.memory_space<vmem_shared>> -> memref<10240x128xf32, #tpu.memory_space<vmem_shared>>
        tpu.wait_indirect_dma semaphore(%run_scoped3A_182 : memref<!tpu.dma_semaphore, #tpu.memory_space<semaphore_mem>>) src(%dma_wait3A_194 : memref<128x128xf32, #tpu.memory_space<vmem>>) dst(%dma_wait3A_200 : memref<10240x128xf32, #tpu.memory_space<vmem_shared>>)
        tpu.yield
      }) : () -> ()
      %dma_start3A_45 = arith.constant 4 : i32
      %dma_start3A_46 = arith.constant 0 : i32
      %dma_start3A_47 = arith.constant 0 : i32
      %dma_start3A_48 = tpu.memref_slice %arg7[%dma_start3A_46, %dma_start3A_47] : memref<256x128xf32, #tpu.memory_space<vmem>> -> memref<128x128xf32, #tpu.memory_space<vmem>>
      %dma_start3A_49 = arith.constant 0 : i32
      %dma_start3A_50 = tpu.memref_slice %arg6[%dma_start3A_45, %dma_start3A_49] : memref<16x128xi32, #tpu.memory_space<vmem>> -> memref<1x128xi32, #tpu.memory_space<vmem>>
      %dma_start3A_51 = tpu.memref_squeeze %dma_start3A_50 : memref<1x128xi32, #tpu.memory_space<vmem>> -> memref<128xi32, #tpu.memory_space<vmem>>
      %dma_start3A_52 = arith.constant 0 : i32
      %dma_start3A_53 = arith.constant 0 : i32
      %dma_start3A_54 = tpu.memref_slice %arg2[%dma_start3A_52, %dma_start3A_53] : memref<10000x128xf32, #tpu.memory_space<hbm>> -> memref<10000x128xf32, #tpu.memory_space<hbm>>
      tpu.enqueue_indirect_dma source(%dma_start3A_54 : memref<10000x128xf32, #tpu.memory_space<hbm>>) target(%dma_start3A_48 : memref<128x128xf32, #tpu.memory_space<vmem>>) offsets(%dma_start3A_51 : memref<128xi32, #tpu.memory_space<vmem>>) semaphore(%arg9 : memref<!tpu.dma_semaphore, #tpu.memory_space<semaphore_mem>>)
      %dma_wait3A_55 = arith.constant 2 : i32
      %dma_wait3A_56 = arith.constant 128 : i32
      %dma_wait3A_57 = arith.constant 0 : i32
      %dma_wait3A_58 = tpu.memref_slice %arg7[%dma_wait3A_56, %dma_wait3A_57] : memref<256x128xf32, #tpu.memory_space<vmem>> -> memref<128x128xf32, #tpu.memory_space<vmem>>
      %dma_wait3A_59 = arith.constant 0 : i32
      %dma_wait3A_60 = tpu.memref_slice %arg6[%dma_wait3A_55, %dma_wait3A_59] : memref<16x128xi32, #tpu.memory_space<vmem>> -> memref<1x128xi32, #tpu.memory_space<vmem>>
      %dma_wait3A_61 = tpu.memref_squeeze %dma_wait3A_60 : memref<1x128xi32, #tpu.memory_space<vmem>> -> memref<128xi32, #tpu.memory_space<vmem>>
      %dma_wait3A_62 = arith.constant 0 : i32
      %dma_wait3A_63 = arith.constant 0 : i32
      %dma_wait3A_64 = tpu.memref_slice %arg2[%dma_wait3A_62, %dma_wait3A_63] : memref<10000x128xf32, #tpu.memory_space<hbm>> -> memref<10000x128xf32, #tpu.memory_space<hbm>>
      tpu.wait_indirect_dma semaphore(%arg10 : memref<!tpu.dma_semaphore, #tpu.memory_space<semaphore_mem>>) src(%dma_wait3A_64 : memref<10000x128xf32, #tpu.memory_space<hbm>>) dst(%dma_wait3A_58 : memref<128x128xf32, #tpu.memory_space<vmem>>)
      %run_scoped3A_65 = arith.constant 3 : i32
      "tpu.region"() ({
        %run_scoped3A_182 = tpu.sem_alloc : memref<!tpu.dma_semaphore, #tpu.memory_space<semaphore_mem>>
        %dma_start3A_183 = arith.constant 128 : i32
        %dma_start3A_184 = arith.constant 0 : i32
        %dma_start3A_185 = tpu.memref_slice %arg7[%dma_start3A_183, %dma_start3A_184] : memref<256x128xf32, #tpu.memory_space<vmem>> -> memref<128x128xf32, #tpu.memory_space<vmem>>
        %dma_start3A_186 = arith.constant 0 : i32
        %dma_start3A_187 = tpu.memref_slice %arg6[%run_scoped3A_65, %dma_start3A_186] : memref<16x128xi32, #tpu.memory_space<vmem>> -> memref<1x128xi32, #tpu.memory_space<vmem>>
        %dma_start3A_188 = tpu.memref_squeeze %dma_start3A_187 : memref<1x128xi32, #tpu.memory_space<vmem>> -> memref<128xi32, #tpu.memory_space<vmem>>
        %dma_start3A_189 = arith.constant 0 : i32
        %dma_start3A_190 = arith.constant 0 : i32
        %dma_start3A_191 = tpu.memref_slice %arg8[%dma_start3A_189, %dma_start3A_190] : memref<10240x128xf32, #tpu.memory_space<vmem_shared>> -> memref<10240x128xf32, #tpu.memory_space<vmem_shared>>
        tpu.enqueue_indirect_dma source(%dma_start3A_185 : memref<128x128xf32, #tpu.memory_space<vmem>>) target(%dma_start3A_191 : memref<10240x128xf32, #tpu.memory_space<vmem_shared>>) offsets(%dma_start3A_188 : memref<128xi32, #tpu.memory_space<vmem>>) semaphore(%run_scoped3A_182 : memref<!tpu.dma_semaphore, #tpu.memory_space<semaphore_mem>>) {add = true}
        %dma_wait3A_192 = arith.constant 128 : i32
        %dma_wait3A_193 = arith.constant 0 : i32
        %dma_wait3A_194 = tpu.memref_slice %arg7[%dma_wait3A_192, %dma_wait3A_193] : memref<256x128xf32, #tpu.memory_space<vmem>> -> memref<128x128xf32, #tpu.memory_space<vmem>>
        %dma_wait3A_195 = arith.constant 0 : i32
        %dma_wait3A_196 = tpu.memref_slice %arg6[%run_scoped3A_65, %dma_wait3A_195] : memref<16x128xi32, #tpu.memory_space<vmem>> -> memref<1x128xi32, #tpu.memory_space<vmem>>
        %dma_wait3A_197 = tpu.memref_squeeze %dma_wait3A_196 : memref<1x128xi32, #tpu.memory_space<vmem>> -> memref<128xi32, #tpu.memory_space<vmem>>
        %dma_wait3A_198 = arith.constant 0 : i32
        %dma_wait3A_199 = arith.constant 0 : i32
        %dma_wait3A_200 = tpu.memref_slice %arg8[%dma_wait3A_198, %dma_wait3A_199] : memref<10240x128xf32, #tpu.memory_space<vmem_shared>> -> memref<10240x128xf32, #tpu.memory_space<vmem_shared>>
        tpu.wait_indirect_dma semaphore(%run_scoped3A_182 : memref<!tpu.dma_semaphore, #tpu.memory_space<semaphore_mem>>) src(%dma_wait3A_194 : memref<128x128xf32, #tpu.memory_space<vmem>>) dst(%dma_wait3A_200 : memref<10240x128xf32, #tpu.memory_space<vmem_shared>>)
        tpu.yield
      }) : () -> ()
      %dma_start3A_66 = arith.constant 6 : i32
      %dma_start3A_67 = arith.constant 128 : i32
      %dma_start3A_68 = arith.constant 0 : i32
      %dma_start3A_69 = tpu.memref_slice %arg7[%dma_start3A_67, %dma_start3A_68] : memref<256x128xf32, #tpu.memory_space<vmem>> -> memref<128x128xf32, #tpu.memory_space<vmem>>
      %dma_start3A_70 = arith.constant 0 : i32
      %dma_start3A_71 = tpu.memref_slice %arg6[%dma_start3A_66, %dma_start3A_70] : memref<16x128xi32, #tpu.memory_space<vmem>> -> memref<1x128xi32, #tpu.memory_space<vmem>>
      %dma_start3A_72 = tpu.memref_squeeze %dma_start3A_71 : memref<1x128xi32, #tpu.memory_space<vmem>> -> memref<128xi32, #tpu.memory_space<vmem>>
      %dma_start3A_73 = arith.constant 0 : i32
      %dma_start3A_74 = arith.constant 0 : i32
      %dma_start3A_75 = tpu.memref_slice %arg2[%dma_start3A_73, %dma_start3A_74] : memref<10000x128xf32, #tpu.memory_space<hbm>> -> memref<10000x128xf32, #tpu.memory_space<hbm>>
      tpu.enqueue_indirect_dma source(%dma_start3A_75 : memref<10000x128xf32, #tpu.memory_space<hbm>>) target(%dma_start3A_69 : memref<128x128xf32, #tpu.memory_space<vmem>>) offsets(%dma_start3A_72 : memref<128xi32, #tpu.memory_space<vmem>>) semaphore(%arg10 : memref<!tpu.dma_semaphore, #tpu.memory_space<semaphore_mem>>)
      %dma_wait3A_76 = arith.constant 4 : i32
      %dma_wait3A_77 = arith.constant 0 : i32
      %dma_wait3A_78 = arith.constant 0 : i32
      %dma_wait3A_79 = tpu.memref_slice %arg7[%dma_wait3A_77, %dma_wait3A_78] : memref<256x128xf32, #tpu.memory_space<vmem>> -> memref<128x128xf32, #tpu.memory_space<vmem>>
      %dma_wait3A_80 = arith.constant 0 : i32
      %dma_wait3A_81 = tpu.memref_slice %arg6[%dma_wait3A_76, %dma_wait3A_80] : memref<16x128xi32, #tpu.memory_space<vmem>> -> memref<1x128xi32, #tpu.memory_space<vmem>>
      %dma_wait3A_82 = tpu.memref_squeeze %dma_wait3A_81 : memref<1x128xi32, #tpu.memory_space<vmem>> -> memref<128xi32, #tpu.memory_space<vmem>>
      %dma_wait3A_83 = arith.constant 0 : i32
      %dma_wait3A_84 = arith.constant 0 : i32
      %dma_wait3A_85 = tpu.memref_slice %arg2[%dma_wait3A_83, %dma_wait3A_84] : memref<10000x128xf32, #tpu.memory_space<hbm>> -> memref<10000x128xf32, #tpu.memory_space<hbm>>
      tpu.wait_indirect_dma semaphore(%arg9 : memref<!tpu.dma_semaphore, #tpu.memory_space<semaphore_mem>>) src(%dma_wait3A_85 : memref<10000x128xf32, #tpu.memory_space<hbm>>) dst(%dma_wait3A_79 : memref<128x128xf32, #tpu.memory_space<vmem>>)
      %run_scoped3A_86 = arith.constant 5 : i32
      "tpu.region"() ({
        %run_scoped3A_182 = tpu.sem_alloc : memref<!tpu.dma_semaphore, #tpu.memory_space<semaphore_mem>>
        %dma_start3A_183 = arith.constant 0 : i32
        %dma_start3A_184 = arith.constant 0 : i32
        %dma_start3A_185 = tpu.memref_slice %arg7[%dma_start3A_183, %dma_start3A_184] : memref<256x128xf32, #tpu.memory_space<vmem>> -> memref<128x128xf32, #tpu.memory_space<vmem>>
        %dma_start3A_186 = arith.constant 0 : i32
        %dma_start3A_187 = tpu.memref_slice %arg6[%run_scoped3A_86, %dma_start3A_186] : memref<16x128xi32, #tpu.memory_space<vmem>> -> memref<1x128xi32, #tpu.memory_space<vmem>>
        %dma_start3A_188 = tpu.memref_squeeze %dma_start3A_187 : memref<1x128xi32, #tpu.memory_space<vmem>> -> memref<128xi32, #tpu.memory_space<vmem>>
        %dma_start3A_189 = arith.constant 0 : i32
        %dma_start3A_190 = arith.constant 0 : i32
        %dma_start3A_191 = tpu.memref_slice %arg8[%dma_start3A_189, %dma_start3A_190] : memref<10240x128xf32, #tpu.memory_space<vmem_shared>> -> memref<10240x128xf32, #tpu.memory_space<vmem_shared>>
        tpu.enqueue_indirect_dma source(%dma_start3A_185 : memref<128x128xf32, #tpu.memory_space<vmem>>) target(%dma_start3A_191 : memref<10240x128xf32, #tpu.memory_space<vmem_shared>>) offsets(%dma_start3A_188 : memref<128xi32, #tpu.memory_space<vmem>>) semaphore(%run_scoped3A_182 : memref<!tpu.dma_semaphore, #tpu.memory_space<semaphore_mem>>) {add = true}
        %dma_wait3A_192 = arith.constant 0 : i32
        %dma_wait3A_193 = arith.constant 0 : i32
        %dma_wait3A_194 = tpu.memref_slice %arg7[%dma_wait3A_192, %dma_wait3A_193] : memref<256x128xf32, #tpu.memory_space<vmem>> -> memref<128x128xf32, #tpu.memory_space<vmem>>
        %dma_wait3A_195 = arith.constant 0 : i32
        %dma_wait3A_196 = tpu.memref_slice %arg6[%run_scoped3A_86, %dma_wait3A_195] : memref<16x128xi32, #tpu.memory_space<vmem>> -> memref<1x128xi32, #tpu.memory_space<vmem>>
        %dma_wait3A_197 = tpu.memref_squeeze %dma_wait3A_196 : memref<1x128xi32, #tpu.memory_space<vmem>> -> memref<128xi32, #tpu.memory_space<vmem>>
        %dma_wait3A_198 = arith.constant 0 : i32
        %dma_wait3A_199 = arith.constant 0 : i32
        %dma_wait3A_200 = tpu.memref_slice %arg8[%dma_wait3A_198, %dma_wait3A_199] : memref<10240x128xf32, #tpu.memory_space<vmem_shared>> -> memref<10240x128xf32, #tpu.memory_space<vmem_shared>>
        tpu.wait_indirect_dma semaphore(%run_scoped3A_182 : memref<!tpu.dma_semaphore, #tpu.memory_space<semaphore_mem>>) src(%dma_wait3A_194 : memref<128x128xf32, #tpu.memory_space<vmem>>) dst(%dma_wait3A_200 : memref<10240x128xf32, #tpu.memory_space<vmem_shared>>)
        tpu.yield
      }) : () -> ()
      %dma_start3A_87 = arith.constant 8 : i32
      %dma_start3A_88 = arith.constant 0 : i32
      %dma_start3A_89 = arith.constant 0 : i32
      %dma_start3A_90 = tpu.memref_slice %arg7[%dma_start3A_88, %dma_start3A_89] : memref<256x128xf32, #tpu.memory_space<vmem>> -> memref<128x128xf32, #tpu.memory_space<vmem>>
      %dma_start3A_91 = arith.constant 0 : i32
      %dma_start3A_92 = tpu.memref_slice %arg6[%dma_start3A_87, %dma_start3A_91] : memref<16x128xi32, #tpu.memory_space<vmem>> -> memref<1x128xi32, #tpu.memory_space<vmem>>
      %dma_start3A_93 = tpu.memref_squeeze %dma_start3A_92 : memref<1x128xi32, #tpu.memory_space<vmem>> -> memref<128xi32, #tpu.memory_space<vmem>>
      %dma_start3A_94 = arith.constant 0 : i32
      %dma_start3A_95 = arith.constant 0 : i32
      %dma_start3A_96 = tpu.memref_slice %arg2[%dma_start3A_94, %dma_start3A_95] : memref<10000x128xf32, #tpu.memory_space<hbm>> -> memref<10000x128xf32, #tpu.memory_space<hbm>>
      tpu.enqueue_indirect_dma source(%dma_start3A_96 : memref<10000x128xf32, #tpu.memory_space<hbm>>) target(%dma_start3A_90 : memref<128x128xf32, #tpu.memory_space<vmem>>) offsets(%dma_start3A_93 : memref<128xi32, #tpu.memory_space<vmem>>) semaphore(%arg9 : memref<!tpu.dma_semaphore, #tpu.memory_space<semaphore_mem>>)
      %dma_wait3A_97 = arith.constant 6 : i32
      %dma_wait3A_98 = arith.constant 128 : i32
      %dma_wait3A_99 = arith.constant 0 : i32
      %dma_wait3A_100 = tpu.memref_slice %arg7[%dma_wait3A_98, %dma_wait3A_99] : memref<256x128xf32, #tpu.memory_space<vmem>> -> memref<128x128xf32, #tpu.memory_space<vmem>>
      %dma_wait3A_101 = arith.constant 0 : i32
      %dma_wait3A_102 = tpu.memref_slice %arg6[%dma_wait3A_97, %dma_wait3A_101] : memref<16x128xi32, #tpu.memory_space<vmem>> -> memref<1x128xi32, #tpu.memory_space<vmem>>
      %dma_wait3A_103 = tpu.memref_squeeze %dma_wait3A_102 : memref<1x128xi32, #tpu.memory_space<vmem>> -> memref<128xi32, #tpu.memory_space<vmem>>
      %dma_wait3A_104 = arith.constant 0 : i32
      %dma_wait3A_105 = arith.constant 0 : i32
      %dma_wait3A_106 = tpu.memref_slice %arg2[%dma_wait3A_104, %dma_wait3A_105] : memref<10000x128xf32, #tpu.memory_space<hbm>> -> memref<10000x128xf32, #tpu.memory_space<hbm>>
      tpu.wait_indirect_dma semaphore(%arg10 : memref<!tpu.dma_semaphore, #tpu.memory_space<semaphore_mem>>) src(%dma_wait3A_106 : memref<10000x128xf32, #tpu.memory_space<hbm>>) dst(%dma_wait3A_100 : memref<128x128xf32, #tpu.memory_space<vmem>>)
      %run_scoped3A_107 = arith.constant 7 : i32
      "tpu.region"() ({
        %run_scoped3A_182 = tpu.sem_alloc : memref<!tpu.dma_semaphore, #tpu.memory_space<semaphore_mem>>
        %dma_start3A_183 = arith.constant 128 : i32
        %dma_start3A_184 = arith.constant 0 : i32
        %dma_start3A_185 = tpu.memref_slice %arg7[%dma_start3A_183, %dma_start3A_184] : memref<256x128xf32, #tpu.memory_space<vmem>> -> memref<128x128xf32, #tpu.memory_space<vmem>>
        %dma_start3A_186 = arith.constant 0 : i32
        %dma_start3A_187 = tpu.memref_slice %arg6[%run_scoped3A_107, %dma_start3A_186] : memref<16x128xi32, #tpu.memory_space<vmem>> -> memref<1x128xi32, #tpu.memory_space<vmem>>
        %dma_start3A_188 = tpu.memref_squeeze %dma_start3A_187 : memref<1x128xi32, #tpu.memory_space<vmem>> -> memref<128xi32, #tpu.memory_space<vmem>>
        %dma_start3A_189 = arith.constant 0 : i32
        %dma_start3A_190 = arith.constant 0 : i32
        %dma_start3A_191 = tpu.memref_slice %arg8[%dma_start3A_189, %dma_start3A_190] : memref<10240x128xf32, #tpu.memory_space<vmem_shared>> -> memref<10240x128xf32, #tpu.memory_space<vmem_shared>>
        tpu.enqueue_indirect_dma source(%dma_start3A_185 : memref<128x128xf32, #tpu.memory_space<vmem>>) target(%dma_start3A_191 : memref<10240x128xf32, #tpu.memory_space<vmem_shared>>) offsets(%dma_start3A_188 : memref<128xi32, #tpu.memory_space<vmem>>) semaphore(%run_scoped3A_182 : memref<!tpu.dma_semaphore, #tpu.memory_space<semaphore_mem>>) {add = true}
        %dma_wait3A_192 = arith.constant 128 : i32
        %dma_wait3A_193 = arith.constant 0 : i32
        %dma_wait3A_194 = tpu.memref_slice %arg7[%dma_wait3A_192, %dma_wait3A_193] : memref<256x128xf32, #tpu.memory_space<vmem>> -> memref<128x128xf32, #tpu.memory_space<vmem>>
        %dma_wait3A_195 = arith.constant 0 : i32
        %dma_wait3A_196 = tpu.memref_slice %arg6[%run_scoped3A_107, %dma_wait3A_195] : memref<16x128xi32, #tpu.memory_space<vmem>> -> memref<1x128xi32, #tpu.memory_space<vmem>>
        %dma_wait3A_197 = tpu.memref_squeeze %dma_wait3A_196 : memref<1x128xi32, #tpu.memory_space<vmem>> -> memref<128xi32, #tpu.memory_space<vmem>>
        %dma_wait3A_198 = arith.constant 0 : i32
        %dma_wait3A_199 = arith.constant 0 : i32
        %dma_wait3A_200 = tpu.memref_slice %arg8[%dma_wait3A_198, %dma_wait3A_199] : memref<10240x128xf32, #tpu.memory_space<vmem_shared>> -> memref<10240x128xf32, #tpu.memory_space<vmem_shared>>
        tpu.wait_indirect_dma semaphore(%run_scoped3A_182 : memref<!tpu.dma_semaphore, #tpu.memory_space<semaphore_mem>>) src(%dma_wait3A_194 : memref<128x128xf32, #tpu.memory_space<vmem>>) dst(%dma_wait3A_200 : memref<10240x128xf32, #tpu.memory_space<vmem_shared>>)
        tpu.yield
      }) : () -> ()
      %dma_start3A_108 = arith.constant 10 : i32
      %dma_start3A_109 = arith.constant 128 : i32
      %dma_start3A_110 = arith.constant 0 : i32
      %dma_start3A_111 = tpu.memref_slice %arg7[%dma_start3A_109, %dma_start3A_110] : memref<256x128xf32, #tpu.memory_space<vmem>> -> memref<128x128xf32, #tpu.memory_space<vmem>>
      %dma_start3A_112 = arith.constant 0 : i32
      %dma_start3A_113 = tpu.memref_slice %arg6[%dma_start3A_108, %dma_start3A_112] : memref<16x128xi32, #tpu.memory_space<vmem>> -> memref<1x128xi32, #tpu.memory_space<vmem>>
      %dma_start3A_114 = tpu.memref_squeeze %dma_start3A_113 : memref<1x128xi32, #tpu.memory_space<vmem>> -> memref<128xi32, #tpu.memory_space<vmem>>
      %dma_start3A_115 = arith.constant 0 : i32
      %dma_start3A_116 = arith.constant 0 : i32
      %dma_start3A_117 = tpu.memref_slice %arg2[%dma_start3A_115, %dma_start3A_116] : memref<10000x128xf32, #tpu.memory_space<hbm>> -> memref<10000x128xf32, #tpu.memory_space<hbm>>
      tpu.enqueue_indirect_dma source(%dma_start3A_117 : memref<10000x128xf32, #tpu.memory_space<hbm>>) target(%dma_start3A_111 : memref<128x128xf32, #tpu.memory_space<vmem>>) offsets(%dma_start3A_114 : memref<128xi32, #tpu.memory_space<vmem>>) semaphore(%arg10 : memref<!tpu.dma_semaphore, #tpu.memory_space<semaphore_mem>>)
      %dma_wait3A_118 = arith.constant 8 : i32
      %dma_wait3A_119 = arith.constant 0 : i32
      %dma_wait3A_120 = arith.constant 0 : i32
      %dma_wait3A_121 = tpu.memref_slice %arg7[%dma_wait3A_119, %dma_wait3A_120] : memref<256x128xf32, #tpu.memory_space<vmem>> -> memref<128x128xf32, #tpu.memory_space<vmem>>
      %dma_wait3A_122 = arith.constant 0 : i32
      %dma_wait3A_123 = tpu.memref_slice %arg6[%dma_wait3A_118, %dma_wait3A_122] : memref<16x128xi32, #tpu.memory_space<vmem>> -> memref<1x128xi32, #tpu.memory_space<vmem>>
      %dma_wait3A_124 = tpu.memref_squeeze %dma_wait3A_123 : memref<1x128xi32, #tpu.memory_space<vmem>> -> memref<128xi32, #tpu.memory_space<vmem>>
      %dma_wait3A_125 = arith.constant 0 : i32
      %dma_wait3A_126 = arith.constant 0 : i32
      %dma_wait3A_127 = tpu.memref_slice %arg2[%dma_wait3A_125, %dma_wait3A_126] : memref<10000x128xf32, #tpu.memory_space<hbm>> -> memref<10000x128xf32, #tpu.memory_space<hbm>>
      tpu.wait_indirect_dma semaphore(%arg9 : memref<!tpu.dma_semaphore, #tpu.memory_space<semaphore_mem>>) src(%dma_wait3A_127 : memref<10000x128xf32, #tpu.memory_space<hbm>>) dst(%dma_wait3A_121 : memref<128x128xf32, #tpu.memory_space<vmem>>)
      %run_scoped3A_128 = arith.constant 9 : i32
      "tpu.region"() ({
        %run_scoped3A_182 = tpu.sem_alloc : memref<!tpu.dma_semaphore, #tpu.memory_space<semaphore_mem>>
        %dma_start3A_183 = arith.constant 0 : i32
        %dma_start3A_184 = arith.constant 0 : i32
        %dma_start3A_185 = tpu.memref_slice %arg7[%dma_start3A_183, %dma_start3A_184] : memref<256x128xf32, #tpu.memory_space<vmem>> -> memref<128x128xf32, #tpu.memory_space<vmem>>
        %dma_start3A_186 = arith.constant 0 : i32
        %dma_start3A_187 = tpu.memref_slice %arg6[%run_scoped3A_128, %dma_start3A_186] : memref<16x128xi32, #tpu.memory_space<vmem>> -> memref<1x128xi32, #tpu.memory_space<vmem>>
        %dma_start3A_188 = tpu.memref_squeeze %dma_start3A_187 : memref<1x128xi32, #tpu.memory_space<vmem>> -> memref<128xi32, #tpu.memory_space<vmem>>
        %dma_start3A_189 = arith.constant 0 : i32
        %dma_start3A_190 = arith.constant 0 : i32
        %dma_start3A_191 = tpu.memref_slice %arg8[%dma_start3A_189, %dma_start3A_190] : memref<10240x128xf32, #tpu.memory_space<vmem_shared>> -> memref<10240x128xf32, #tpu.memory_space<vmem_shared>>
        tpu.enqueue_indirect_dma source(%dma_start3A_185 : memref<128x128xf32, #tpu.memory_space<vmem>>) target(%dma_start3A_191 : memref<10240x128xf32, #tpu.memory_space<vmem_shared>>) offsets(%dma_start3A_188 : memref<128xi32, #tpu.memory_space<vmem>>) semaphore(%run_scoped3A_182 : memref<!tpu.dma_semaphore, #tpu.memory_space<semaphore_mem>>) {add = true}
        %dma_wait3A_192 = arith.constant 0 : i32
        %dma_wait3A_193 = arith.constant 0 : i32
        %dma_wait3A_194 = tpu.memref_slice %arg7[%dma_wait3A_192, %dma_wait3A_193] : memref<256x128xf32, #tpu.memory_space<vmem>> -> memref<128x128xf32, #tpu.memory_space<vmem>>
        %dma_wait3A_195 = arith.constant 0 : i32
        %dma_wait3A_196 = tpu.memref_slice %arg6[%run_scoped3A_128, %dma_wait3A_195] : memref<16x128xi32, #tpu.memory_space<vmem>> -> memref<1x128xi32, #tpu.memory_space<vmem>>
        %dma_wait3A_197 = tpu.memref_squeeze %dma_wait3A_196 : memref<1x128xi32, #tpu.memory_space<vmem>> -> memref<128xi32, #tpu.memory_space<vmem>>
        %dma_wait3A_198 = arith.constant 0 : i32
        %dma_wait3A_199 = arith.constant 0 : i32
        %dma_wait3A_200 = tpu.memref_slice %arg8[%dma_wait3A_198, %dma_wait3A_199] : memref<10240x128xf32, #tpu.memory_space<vmem_shared>> -> memref<10240x128xf32, #tpu.memory_space<vmem_shared>>
        tpu.wait_indirect_dma semaphore(%run_scoped3A_182 : memref<!tpu.dma_semaphore, #tpu.memory_space<semaphore_mem>>) src(%dma_wait3A_194 : memref<128x128xf32, #tpu.memory_space<vmem>>) dst(%dma_wait3A_200 : memref<10240x128xf32, #tpu.memory_space<vmem_shared>>)
        tpu.yield
      }) : () -> ()
      %dma_start3A_129 = arith.constant 12 : i32
      %dma_start3A_130 = arith.constant 0 : i32
      %dma_start3A_131 = arith.constant 0 : i32
      %dma_start3A_132 = tpu.memref_slice %arg7[%dma_start3A_130, %dma_start3A_131] : memref<256x128xf32, #tpu.memory_space<vmem>> -> memref<128x128xf32, #tpu.memory_space<vmem>>
      %dma_start3A_133 = arith.constant 0 : i32
      %dma_start3A_134 = tpu.memref_slice %arg6[%dma_start3A_129, %dma_start3A_133] : memref<16x128xi32, #tpu.memory_space<vmem>> -> memref<1x128xi32, #tpu.memory_space<vmem>>
      %dma_start3A_135 = tpu.memref_squeeze %dma_start3A_134 : memref<1x128xi32, #tpu.memory_space<vmem>> -> memref<128xi32, #tpu.memory_space<vmem>>
      %dma_start3A_136 = arith.constant 0 : i32
      %dma_start3A_137 = arith.constant 0 : i32
      %dma_start3A_138 = tpu.memref_slice %arg2[%dma_start3A_136, %dma_start3A_137] : memref<10000x128xf32, #tpu.memory_space<hbm>> -> memref<10000x128xf32, #tpu.memory_space<hbm>>
      tpu.enqueue_indirect_dma source(%dma_start3A_138 : memref<10000x128xf32, #tpu.memory_space<hbm>>) target(%dma_start3A_132 : memref<128x128xf32, #tpu.memory_space<vmem>>) offsets(%dma_start3A_135 : memref<128xi32, #tpu.memory_space<vmem>>) semaphore(%arg9 : memref<!tpu.dma_semaphore, #tpu.memory_space<semaphore_mem>>)
      %dma_wait3A_139 = arith.constant 10 : i32
      %dma_wait3A_140 = arith.constant 128 : i32
      %dma_wait3A_141 = arith.constant 0 : i32
      %dma_wait3A_142 = tpu.memref_slice %arg7[%dma_wait3A_140, %dma_wait3A_141] : memref<256x128xf32, #tpu.memory_space<vmem>> -> memref<128x128xf32, #tpu.memory_space<vmem>>
      %dma_wait3A_143 = arith.constant 0 : i32
      %dma_wait3A_144 = tpu.memref_slice %arg6[%dma_wait3A_139, %dma_wait3A_143] : memref<16x128xi32, #tpu.memory_space<vmem>> -> memref<1x128xi32, #tpu.memory_space<vmem>>
      %dma_wait3A_145 = tpu.memref_squeeze %dma_wait3A_144 : memref<1x128xi32, #tpu.memory_space<vmem>> -> memref<128xi32, #tpu.memory_space<vmem>>
      %dma_wait3A_146 = arith.constant 0 : i32
      %dma_wait3A_147 = arith.constant 0 : i32
      %dma_wait3A_148 = tpu.memref_slice %arg2[%dma_wait3A_146, %dma_wait3A_147] : memref<10000x128xf32, #tpu.memory_space<hbm>> -> memref<10000x128xf32, #tpu.memory_space<hbm>>
      tpu.wait_indirect_dma semaphore(%arg10 : memref<!tpu.dma_semaphore, #tpu.memory_space<semaphore_mem>>) src(%dma_wait3A_148 : memref<10000x128xf32, #tpu.memory_space<hbm>>) dst(%dma_wait3A_142 : memref<128x128xf32, #tpu.memory_space<vmem>>)
      %run_scoped3A_149 = arith.constant 11 : i32
      "tpu.region"() ({
        %run_scoped3A_182 = tpu.sem_alloc : memref<!tpu.dma_semaphore, #tpu.memory_space<semaphore_mem>>
        %dma_start3A_183 = arith.constant 128 : i32
        %dma_start3A_184 = arith.constant 0 : i32
        %dma_start3A_185 = tpu.memref_slice %arg7[%dma_start3A_183, %dma_start3A_184] : memref<256x128xf32, #tpu.memory_space<vmem>> -> memref<128x128xf32, #tpu.memory_space<vmem>>
        %dma_start3A_186 = arith.constant 0 : i32
        %dma_start3A_187 = tpu.memref_slice %arg6[%run_scoped3A_149, %dma_start3A_186] : memref<16x128xi32, #tpu.memory_space<vmem>> -> memref<1x128xi32, #tpu.memory_space<vmem>>
        %dma_start3A_188 = tpu.memref_squeeze %dma_start3A_187 : memref<1x128xi32, #tpu.memory_space<vmem>> -> memref<128xi32, #tpu.memory_space<vmem>>
        %dma_start3A_189 = arith.constant 0 : i32
        %dma_start3A_190 = arith.constant 0 : i32
        %dma_start3A_191 = tpu.memref_slice %arg8[%dma_start3A_189, %dma_start3A_190] : memref<10240x128xf32, #tpu.memory_space<vmem_shared>> -> memref<10240x128xf32, #tpu.memory_space<vmem_shared>>
        tpu.enqueue_indirect_dma source(%dma_start3A_185 : memref<128x128xf32, #tpu.memory_space<vmem>>) target(%dma_start3A_191 : memref<10240x128xf32, #tpu.memory_space<vmem_shared>>) offsets(%dma_start3A_188 : memref<128xi32, #tpu.memory_space<vmem>>) semaphore(%run_scoped3A_182 : memref<!tpu.dma_semaphore, #tpu.memory_space<semaphore_mem>>) {add = true}
        %dma_wait3A_192 = arith.constant 128 : i32
        %dma_wait3A_193 = arith.constant 0 : i32
        %dma_wait3A_194 = tpu.memref_slice %arg7[%dma_wait3A_192, %dma_wait3A_193] : memref<256x128xf32, #tpu.memory_space<vmem>> -> memref<128x128xf32, #tpu.memory_space<vmem>>
        %dma_wait3A_195 = arith.constant 0 : i32
        %dma_wait3A_196 = tpu.memref_slice %arg6[%run_scoped3A_149, %dma_wait3A_195] : memref<16x128xi32, #tpu.memory_space<vmem>> -> memref<1x128xi32, #tpu.memory_space<vmem>>
        %dma_wait3A_197 = tpu.memref_squeeze %dma_wait3A_196 : memref<1x128xi32, #tpu.memory_space<vmem>> -> memref<128xi32, #tpu.memory_space<vmem>>
        %dma_wait3A_198 = arith.constant 0 : i32
        %dma_wait3A_199 = arith.constant 0 : i32
        %dma_wait3A_200 = tpu.memref_slice %arg8[%dma_wait3A_198, %dma_wait3A_199] : memref<10240x128xf32, #tpu.memory_space<vmem_shared>> -> memref<10240x128xf32, #tpu.memory_space<vmem_shared>>
        tpu.wait_indirect_dma semaphore(%run_scoped3A_182 : memref<!tpu.dma_semaphore, #tpu.memory_space<semaphore_mem>>) src(%dma_wait3A_194 : memref<128x128xf32, #tpu.memory_space<vmem>>) dst(%dma_wait3A_200 : memref<10240x128xf32, #tpu.memory_space<vmem_shared>>)
        tpu.yield
      }) : () -> ()
      %dma_start3A_150 = arith.constant 14 : i32
      %dma_start3A_151 = arith.constant 128 : i32
      %dma_start3A_152 = arith.constant 0 : i32
      %dma_start3A_153 = tpu.memref_slice %arg7[%dma_start3A_151, %dma_start3A_152] : memref<256x128xf32, #tpu.memory_space<vmem>> -> memref<128x128xf32, #tpu.memory_space<vmem>>
      %dma_start3A_154 = arith.constant 0 : i32
      %dma_start3A_155 = tpu.memref_slice %arg6[%dma_start3A_150, %dma_start3A_154] : memref<16x128xi32, #tpu.memory_space<vmem>> -> memref<1x128xi32, #tpu.memory_space<vmem>>
      %dma_start3A_156 = tpu.memref_squeeze %dma_start3A_155 : memref<1x128xi32, #tpu.memory_space<vmem>> -> memref<128xi32, #tpu.memory_space<vmem>>
      %dma_start3A_157 = arith.constant 0 : i32
      %dma_start3A_158 = arith.constant 0 : i32
      %dma_start3A_159 = tpu.memref_slice %arg2[%dma_start3A_157, %dma_start3A_158] : memref<10000x128xf32, #tpu.memory_space<hbm>> -> memref<10000x128xf32, #tpu.memory_space<hbm>>
      tpu.enqueue_indirect_dma source(%dma_start3A_159 : memref<10000x128xf32, #tpu.memory_space<hbm>>) target(%dma_start3A_153 : memref<128x128xf32, #tpu.memory_space<vmem>>) offsets(%dma_start3A_156 : memref<128xi32, #tpu.memory_space<vmem>>) semaphore(%arg10 : memref<!tpu.dma_semaphore, #tpu.memory_space<semaphore_mem>>)
      %dma_wait3A_160 = arith.constant 12 : i32
      %dma_wait3A_161 = arith.constant 0 : i32
      %dma_wait3A_162 = arith.constant 0 : i32
      %dma_wait3A_163 = tpu.memref_slice %arg7[%dma_wait3A_161, %dma_wait3A_162] : memref<256x128xf32, #tpu.memory_space<vmem>> -> memref<128x128xf32, #tpu.memory_space<vmem>>
      %dma_wait3A_164 = arith.constant 0 : i32
      %dma_wait3A_165 = tpu.memref_slice %arg6[%dma_wait3A_160, %dma_wait3A_164] : memref<16x128xi32, #tpu.memory_space<vmem>> -> memref<1x128xi32, #tpu.memory_space<vmem>>
      %dma_wait3A_166 = tpu.memref_squeeze %dma_wait3A_165 : memref<1x128xi32, #tpu.memory_space<vmem>> -> memref<128xi32, #tpu.memory_space<vmem>>
      %dma_wait3A_167 = arith.constant 0 : i32
      %dma_wait3A_168 = arith.constant 0 : i32
      %dma_wait3A_169 = tpu.memref_slice %arg2[%dma_wait3A_167, %dma_wait3A_168] : memref<10000x128xf32, #tpu.memory_space<hbm>> -> memref<10000x128xf32, #tpu.memory_space<hbm>>
      tpu.wait_indirect_dma semaphore(%arg9 : memref<!tpu.dma_semaphore, #tpu.memory_space<semaphore_mem>>) src(%dma_wait3A_169 : memref<10000x128xf32, #tpu.memory_space<hbm>>) dst(%dma_wait3A_163 : memref<128x128xf32, #tpu.memory_space<vmem>>)
      %run_scoped3A_170 = arith.constant 13 : i32
      "tpu.region"() ({
        %run_scoped3A_182 = tpu.sem_alloc : memref<!tpu.dma_semaphore, #tpu.memory_space<semaphore_mem>>
        %dma_start3A_183 = arith.constant 0 : i32
        %dma_start3A_184 = arith.constant 0 : i32
        %dma_start3A_185 = tpu.memref_slice %arg7[%dma_start3A_183, %dma_start3A_184] : memref<256x128xf32, #tpu.memory_space<vmem>> -> memref<128x128xf32, #tpu.memory_space<vmem>>
        %dma_start3A_186 = arith.constant 0 : i32
        %dma_start3A_187 = tpu.memref_slice %arg6[%run_scoped3A_170, %dma_start3A_186] : memref<16x128xi32, #tpu.memory_space<vmem>> -> memref<1x128xi32, #tpu.memory_space<vmem>>
        %dma_start3A_188 = tpu.memref_squeeze %dma_start3A_187 : memref<1x128xi32, #tpu.memory_space<vmem>> -> memref<128xi32, #tpu.memory_space<vmem>>
        %dma_start3A_189 = arith.constant 0 : i32
        %dma_start3A_190 = arith.constant 0 : i32
        %dma_start3A_191 = tpu.memref_slice %arg8[%dma_start3A_189, %dma_start3A_190] : memref<10240x128xf32, #tpu.memory_space<vmem_shared>> -> memref<10240x128xf32, #tpu.memory_space<vmem_shared>>
        tpu.enqueue_indirect_dma source(%dma_start3A_185 : memref<128x128xf32, #tpu.memory_space<vmem>>) target(%dma_start3A_191 : memref<10240x128xf32, #tpu.memory_space<vmem_shared>>) offsets(%dma_start3A_188 : memref<128xi32, #tpu.memory_space<vmem>>) semaphore(%run_scoped3A_182 : memref<!tpu.dma_semaphore, #tpu.memory_space<semaphore_mem>>) {add = true}
        %dma_wait3A_192 = arith.constant 0 : i32
        %dma_wait3A_193 = arith.constant 0 : i32
        %dma_wait3A_194 = tpu.memref_slice %arg7[%dma_wait3A_192, %dma_wait3A_193] : memref<256x128xf32, #tpu.memory_space<vmem>> -> memref<128x128xf32, #tpu.memory_space<vmem>>
        %dma_wait3A_195 = arith.constant 0 : i32
        %dma_wait3A_196 = tpu.memref_slice %arg6[%run_scoped3A_170, %dma_wait3A_195] : memref<16x128xi32, #tpu.memory_space<vmem>> -> memref<1x128xi32, #tpu.memory_space<vmem>>
        %dma_wait3A_197 = tpu.memref_squeeze %dma_wait3A_196 : memref<1x128xi32, #tpu.memory_space<vmem>> -> memref<128xi32, #tpu.memory_space<vmem>>
        %dma_wait3A_198 = arith.constant 0 : i32
        %dma_wait3A_199 = arith.constant 0 : i32
        %dma_wait3A_200 = tpu.memref_slice %arg8[%dma_wait3A_198, %dma_wait3A_199] : memref<10240x128xf32, #tpu.memory_space<vmem_shared>> -> memref<10240x128xf32, #tpu.memory_space<vmem_shared>>
        tpu.wait_indirect_dma semaphore(%run_scoped3A_182 : memref<!tpu.dma_semaphore, #tpu.memory_space<semaphore_mem>>) src(%dma_wait3A_194 : memref<128x128xf32, #tpu.memory_space<vmem>>) dst(%dma_wait3A_200 : memref<10240x128xf32, #tpu.memory_space<vmem_shared>>)
        tpu.yield
      }) : () -> ()
      %dma_wait3A_171 = arith.constant 14 : i32
      %dma_wait3A_172 = arith.constant 128 : i32
      %dma_wait3A_173 = arith.constant 0 : i32
      %dma_wait3A_174 = tpu.memref_slice %arg7[%dma_wait3A_172, %dma_wait3A_173] : memref<256x128xf32, #tpu.memory_space<vmem>> -> memref<128x128xf32, #tpu.memory_space<vmem>>
      %dma_wait3A_175 = arith.constant 0 : i32
      %dma_wait3A_176 = tpu.memref_slice %arg6[%dma_wait3A_171, %dma_wait3A_175] : memref<16x128xi32, #tpu.memory_space<vmem>> -> memref<1x128xi32, #tpu.memory_space<vmem>>
      %dma_wait3A_177 = tpu.memref_squeeze %dma_wait3A_176 : memref<1x128xi32, #tpu.memory_space<vmem>> -> memref<128xi32, #tpu.memory_space<vmem>>
      %dma_wait3A_178 = arith.constant 0 : i32
      %dma_wait3A_179 = arith.constant 0 : i32
      %dma_wait3A_180 = tpu.memref_slice %arg2[%dma_wait3A_178, %dma_wait3A_179] : memref<10000x128xf32, #tpu.memory_space<hbm>> -> memref<10000x128xf32, #tpu.memory_space<hbm>>
      tpu.wait_indirect_dma semaphore(%arg10 : memref<!tpu.dma_semaphore, #tpu.memory_space<semaphore_mem>>) src(%dma_wait3A_180 : memref<10000x128xf32, #tpu.memory_space<hbm>>) dst(%dma_wait3A_174 : memref<128x128xf32, #tpu.memory_space<vmem>>)
      %run_scoped3A_181 = arith.constant 15 : i32
      "tpu.region"() ({
        %run_scoped3A_182 = tpu.sem_alloc : memref<!tpu.dma_semaphore, #tpu.memory_space<semaphore_mem>>
        %dma_start3A_183 = arith.constant 128 : i32
        %dma_start3A_184 = arith.constant 0 : i32
        %dma_start3A_185 = tpu.memref_slice %arg7[%dma_start3A_183, %dma_start3A_184] : memref<256x128xf32, #tpu.memory_space<vmem>> -> memref<128x128xf32, #tpu.memory_space<vmem>>
        %dma_start3A_186 = arith.constant 0 : i32
        %dma_start3A_187 = tpu.memref_slice %arg6[%run_scoped3A_181, %dma_start3A_186] : memref<16x128xi32, #tpu.memory_space<vmem>> -> memref<1x128xi32, #tpu.memory_space<vmem>>
        %dma_start3A_188 = tpu.memref_squeeze %dma_start3A_187 : memref<1x128xi32, #tpu.memory_space<vmem>> -> memref<128xi32, #tpu.memory_space<vmem>>
        %dma_start3A_189 = arith.constant 0 : i32
        %dma_start3A_190 = arith.constant 0 : i32
        %dma_start3A_191 = tpu.memref_slice %arg8[%dma_start3A_189, %dma_start3A_190] : memref<10240x128xf32, #tpu.memory_space<vmem_shared>> -> memref<10240x128xf32, #tpu.memory_space<vmem_shared>>
        tpu.enqueue_indirect_dma source(%dma_start3A_185 : memref<128x128xf32, #tpu.memory_space<vmem>>) target(%dma_start3A_191 : memref<10240x128xf32, #tpu.memory_space<vmem_shared>>) offsets(%dma_start3A_188 : memref<128xi32, #tpu.memory_space<vmem>>) semaphore(%run_scoped3A_182 : memref<!tpu.dma_semaphore, #tpu.memory_space<semaphore_mem>>) {add = true}
        %dma_wait3A_192 = arith.constant 128 : i32
        %dma_wait3A_193 = arith.constant 0 : i32
        %dma_wait3A_194 = tpu.memref_slice %arg7[%dma_wait3A_192, %dma_wait3A_193] : memref<256x128xf32, #tpu.memory_space<vmem>> -> memref<128x128xf32, #tpu.memory_space<vmem>>
        %dma_wait3A_195 = arith.constant 0 : i32
        %dma_wait3A_196 = tpu.memref_slice %arg6[%run_scoped3A_181, %dma_wait3A_195] : memref<16x128xi32, #tpu.memory_space<vmem>> -> memref<1x128xi32, #tpu.memory_space<vmem>>
        %dma_wait3A_197 = tpu.memref_squeeze %dma_wait3A_196 : memref<1x128xi32, #tpu.memory_space<vmem>> -> memref<128xi32, #tpu.memory_space<vmem>>
        %dma_wait3A_198 = arith.constant 0 : i32
        %dma_wait3A_199 = arith.constant 0 : i32
        %dma_wait3A_200 = tpu.memref_slice %arg8[%dma_wait3A_198, %dma_wait3A_199] : memref<10240x128xf32, #tpu.memory_space<vmem_shared>> -> memref<10240x128xf32, #tpu.memory_space<vmem_shared>>
        tpu.wait_indirect_dma semaphore(%run_scoped3A_182 : memref<!tpu.dma_semaphore, #tpu.memory_space<semaphore_mem>>) src(%dma_wait3A_194 : memref<128x128xf32, #tpu.memory_space<vmem>>) dst(%dma_wait3A_200 : memref<10240x128xf32, #tpu.memory_space<vmem_shared>>)
        tpu.yield
      }) : () -> ()
    }
    %scan3A_7 = arith.constant 10 : i32
    %barrier3A_8 = arith.constant 0 : index
    tpu.barrier barrier_id(%barrier3A_8)
    "tpu.region"() ({
      %run_scoped3A = tpu.sem_alloc : memref<!tpu.dma_semaphore, #tpu.memory_space<semaphore_mem>>
      %dma_start3A = arith.constant 0 : i32
      %dma_start3A_9 = tpu.memref_slice %arg5[%arg0, %mul3A_2, %dma_start3A] : memref<2x10240x128xf32, #tpu.memory_space<hbm>> -> memref<1x640x128xf32, #tpu.memory_space<hbm>>
      %dma_start3A_10 = tpu.memref_squeeze %dma_start3A_9 : memref<1x640x128xf32, #tpu.memory_space<hbm>> -> memref<640x128xf32, #tpu.memory_space<hbm>>
      %dma_start3A_11 = arith.constant 0 : i32
      %dma_start3A_12 = tpu.memref_slice %arg8[%mul3A_2, %dma_start3A_11] : memref<10240x128xf32, #tpu.memory_space<vmem_shared>> -> memref<640x128xf32, #tpu.memory_space<vmem_shared>>
      tpu.enqueue_dma source(%dma_start3A_12 : memref<640x128xf32, #tpu.memory_space<vmem_shared>>) target(%dma_start3A_10 : memref<640x128xf32, #tpu.memory_space<hbm>>) target_semaphore(%run_scoped3A : memref<!tpu.dma_semaphore, #tpu.memory_space<semaphore_mem>>)
      %dma_wait3A = arith.constant 0 : i32
      %dma_wait3A_13 = tpu.memref_slice %arg5[%arg0, %mul3A_2, %dma_wait3A] : memref<2x10240x128xf32, #tpu.memory_space<hbm>> -> memref<1x640x128xf32, #tpu.memory_space<hbm>>
      %dma_wait3A_14 = tpu.memref_squeeze %dma_wait3A_13 : memref<1x640x128xf32, #tpu.memory_space<hbm>> -> memref<640x128xf32, #tpu.memory_space<hbm>>
      %dma_wait3A_15 = arith.constant 0 : i32
      %dma_wait3A_16 = tpu.memref_slice %arg8[%mul3A_2, %dma_wait3A_15] : memref<10240x128xf32, #tpu.memory_space<vmem_shared>> -> memref<640x128xf32, #tpu.memory_space<vmem_shared>>
      tpu.wait_dma2 semaphore(%run_scoped3A : memref<!tpu.dma_semaphore, #tpu.memory_space<semaphore_mem>>) src(%dma_wait3A_16 : memref<640x128xf32, #tpu.memory_space<vmem_shared>>) dst(%dma_wait3A_14 : memref<640x128xf32, #tpu.memory_space<hbm>>)
      tpu.yield
    }) : () -> ()
    return
  }
}

#map = affine_map<(d0, d1) -> (0, 0)>
#map1 = affine_map<(d0, d1) -> (0, 0, 0)>
module attributes {stable_mosaic.version = 14 : i64} {
  func.func @_sc_m_body(%arg0: i32, %arg1: i32, %arg2: memref<327680x128xf32, #tpu.memory_space<hbm>>, %arg3: memref<5120x128xi32, #tpu.memory_space<hbm>>, %arg4: memref<10240x128xf32, #tpu.memory_space<hbm>>, %arg5: memref<2x10240x128xf32, #tpu.memory_space<hbm>>, %arg6: memref<16x128xi32, #tpu.memory_space<vmem>>, %arg7: memref<256x128xf32, #tpu.memory_space<vmem>>, %arg8: memref<10240x128xf32, #tpu.memory_space<vmem_shared>>, %arg9: memref<!tpu.dma_semaphore, #tpu.memory_space<semaphore_mem>>, %arg10: memref<!tpu.dma_semaphore, #tpu.memory_space<semaphore_mem>>) attributes {dimension_semantics = [#tpu.dimension_semantics<core_parallel>, #tpu.dimension_semantics<subcore_parallel>], iteration_bounds = array<i64: 2, 16>, scalar_prefetch = 0 : i64, scratch_operands = 5 : i64, tpu.core_type = #tpu.core_type<sc_vector_subcore>, window_params = [{transform_indices = #map}, {transform_indices = #map}, {transform_indices = #map}, {transform_indices = #map1}]} {
    %mul3A = arith.constant 16 : i32
    %mul3A_0 = arith.muli %arg0, %mul3A : i32
    %add3A = arith.addi %mul3A_0, %arg1 : i32
    %mul3A_1 = arith.constant 640 : i32
    %mul3A_2 = arith.muli %arg1, %mul3A_1 : i32
    "tpu.region"() ({
      %run_scoped3A = tpu.sem_alloc : memref<!tpu.dma_semaphore, #tpu.memory_space<semaphore_mem>>
      %dma_start3A = arith.constant 0 : i32
      %dma_start3A_9 = tpu.memref_slice %arg8[%mul3A_2, %dma_start3A] : memref<10240x128xf32, #tpu.memory_space<vmem_shared>> -> memref<640x128xf32, #tpu.memory_space<vmem_shared>>
      %dma_start3A_10 = arith.constant 0 : i32
      %dma_start3A_11 = tpu.memref_slice %arg4[%mul3A_2, %dma_start3A_10] : memref<10240x128xf32, #tpu.memory_space<hbm>> -> memref<640x128xf32, #tpu.memory_space<hbm>>
      tpu.enqueue_dma source(%dma_start3A_11 : memref<640x128xf32, #tpu.memory_space<hbm>>) target(%dma_start3A_9 : memref<640x128xf32, #tpu.memory_space<vmem_shared>>) target_semaphore(%run_scoped3A : memref<!tpu.dma_semaphore, #tpu.memory_space<semaphore_mem>>)
      %dma_wait3A = arith.constant 0 : i32
      %dma_wait3A_12 = tpu.memref_slice %arg8[%mul3A_2, %dma_wait3A] : memref<10240x128xf32, #tpu.memory_space<vmem_shared>> -> memref<640x128xf32, #tpu.memory_space<vmem_shared>>
      %dma_wait3A_13 = arith.constant 0 : i32
      %dma_wait3A_14 = tpu.memref_slice %arg4[%mul3A_2, %dma_wait3A_13] : memref<10240x128xf32, #tpu.memory_space<hbm>> -> memref<640x128xf32, #tpu.memory_space<hbm>>
      tpu.wait_dma2 semaphore(%run_scoped3A : memref<!tpu.dma_semaphore, #tpu.memory_space<semaphore_mem>>) src(%dma_wait3A_14 : memref<640x128xf32, #tpu.memory_space<hbm>>) dst(%dma_wait3A_12 : memref<640x128xf32, #tpu.memory_space<vmem_shared>>)
      tpu.yield
    }) : () -> ()
    %barrier3A = arith.constant 0 : index
    tpu.barrier barrier_id(%barrier3A)
    %scan3A = arith.constant 0 : i32
    %scan3A_3 = arith.constant 0 : i32
    %scan3A_4 = arith.constant 10 : i32
    %scan3A_5 = arith.addi %scan3A_3, %scan3A_4 : i32
    %scan3A_6 = arith.constant 1 : i32
    scf.for %scan3A_9 = %scan3A_3 to %scan3A_5 step %scan3A_6  : i32 {
      %mul3A_10 = arith.constant 80 : i32
      %mul3A_11 = arith.muli %add3A, %mul3A_10 : i32
      %mul3A_12 = arith.constant 8 : i32
      %mul3A_13 = arith.muli %scan3A_9, %mul3A_12 : i32
      %add3A_14 = arith.addi %mul3A_11, %mul3A_13 : i32
      %mul3A_15 = arith.constant 2 : i32
      %mul3A_16 = arith.muli %add3A_14, %mul3A_15 : i32
      "tpu.region"() ({
        %run_scoped3A_254 = tpu.sem_alloc : memref<!tpu.dma_semaphore, #tpu.memory_space<semaphore_mem>>
        %dma_start3A_255 = arith.constant 0 : i32
        %dma_start3A_256 = tpu.memref_slice %arg3[%mul3A_16, %dma_start3A_255] : memref<5120x128xi32, #tpu.memory_space<hbm>> -> memref<16x128xi32, #tpu.memory_space<hbm>>
        %dma_start3A_257 = arith.constant 0 : i32
        %dma_start3A_258 = tpu.memref_slice %arg3[%mul3A_16, %dma_start3A_257] : memref<5120x128xi32, #tpu.memory_space<hbm>> -> memref<16x128xi32, #tpu.memory_space<hbm>>
        tpu.enqueue_dma source(%dma_start3A_258 : memref<16x128xi32, #tpu.memory_space<hbm>>) target(%arg6 : memref<16x128xi32, #tpu.memory_space<vmem>>) target_semaphore(%run_scoped3A_254 : memref<!tpu.dma_semaphore, #tpu.memory_space<semaphore_mem>>)
        %dma_wait3A_259 = arith.constant 0 : i32
        %dma_wait3A_260 = tpu.memref_slice %arg3[%mul3A_16, %dma_wait3A_259] : memref<5120x128xi32, #tpu.memory_space<hbm>> -> memref<16x128xi32, #tpu.memory_space<hbm>>
        %dma_wait3A_261 = arith.constant 0 : i32
        %dma_wait3A_262 = tpu.memref_slice %arg3[%mul3A_16, %dma_wait3A_261] : memref<5120x128xi32, #tpu.memory_space<hbm>> -> memref<16x128xi32, #tpu.memory_space<hbm>>
        tpu.wait_dma2 semaphore(%run_scoped3A_254 : memref<!tpu.dma_semaphore, #tpu.memory_space<semaphore_mem>>) src(%dma_wait3A_262 : memref<16x128xi32, #tpu.memory_space<hbm>>) dst(%arg6 : memref<16x128xi32, #tpu.memory_space<vmem>>)
        tpu.yield
      }) : () -> ()
      %mul3A_17 = arith.constant 80 : i32
      %mul3A_18 = arith.muli %add3A, %mul3A_17 : i32
      %mul3A_19 = arith.constant 8 : i32
      %mul3A_20 = arith.muli %scan3A_9, %mul3A_19 : i32
      %add3A_21 = arith.addi %mul3A_18, %mul3A_20 : i32
      %add3A_22 = arith.constant 0 : i32
      %add3A_23 = arith.addi %add3A_21, %add3A_22 : i32
      %mul3A_24 = arith.constant 128 : i32
      %mul3A_25 = arith.muli %add3A_23, %mul3A_24 : i32
      %dma_start3A = arith.constant 0 : i32
      %dma_start3A_26 = arith.constant 0 : i32
      %dma_start3A_27 = tpu.memref_slice %arg7[%dma_start3A, %dma_start3A_26] : memref<256x128xf32, #tpu.memory_space<vmem>> -> memref<128x128xf32, #tpu.memory_space<vmem>>
      %dma_start3A_28 = arith.constant 0 : i32
      %dma_start3A_29 = tpu.memref_slice %arg2[%mul3A_25, %dma_start3A_28] : memref<327680x128xf32, #tpu.memory_space<hbm>> -> memref<128x128xf32, #tpu.memory_space<hbm>>
      %dma_start3A_30 = arith.constant 0 : i32
      %dma_start3A_31 = arith.constant 0 : i32
      %dma_start3A_32 = tpu.memref_slice %arg7[%dma_start3A_30, %dma_start3A_31] : memref<256x128xf32, #tpu.memory_space<vmem>> -> memref<128x128xf32, #tpu.memory_space<vmem>>
      %dma_start3A_33 = arith.constant 0 : i32
      %dma_start3A_34 = tpu.memref_slice %arg2[%mul3A_25, %dma_start3A_33] : memref<327680x128xf32, #tpu.memory_space<hbm>> -> memref<128x128xf32, #tpu.memory_space<hbm>>
      tpu.enqueue_dma source(%dma_start3A_34 : memref<128x128xf32, #tpu.memory_space<hbm>>) target(%dma_start3A_32 : memref<128x128xf32, #tpu.memory_space<vmem>>) target_semaphore(%arg9 : memref<!tpu.dma_semaphore, #tpu.memory_space<semaphore_mem>>)
      %mul3A_35 = arith.constant 80 : i32
      %mul3A_36 = arith.muli %add3A, %mul3A_35 : i32
      %mul3A_37 = arith.constant 8 : i32
      %mul3A_38 = arith.muli %scan3A_9, %mul3A_37 : i32
      %add3A_39 = arith.addi %mul3A_36, %mul3A_38 : i32
      %add3A_40 = arith.constant 1 : i32
      %add3A_41 = arith.addi %add3A_39, %add3A_40 : i32
      %mul3A_42 = arith.constant 128 : i32
      %mul3A_43 = arith.muli %add3A_41, %mul3A_42 : i32
      %dma_start3A_44 = arith.constant 128 : i32
      %dma_start3A_45 = arith.constant 0 : i32
      %dma_start3A_46 = tpu.memref_slice %arg7[%dma_start3A_44, %dma_start3A_45] : memref<256x128xf32, #tpu.memory_space<vmem>> -> memref<128x128xf32, #tpu.memory_space<vmem>>
      %dma_start3A_47 = arith.constant 0 : i32
      %dma_start3A_48 = tpu.memref_slice %arg2[%mul3A_43, %dma_start3A_47] : memref<327680x128xf32, #tpu.memory_space<hbm>> -> memref<128x128xf32, #tpu.memory_space<hbm>>
      %dma_start3A_49 = arith.constant 128 : i32
      %dma_start3A_50 = arith.constant 0 : i32
      %dma_start3A_51 = tpu.memref_slice %arg7[%dma_start3A_49, %dma_start3A_50] : memref<256x128xf32, #tpu.memory_space<vmem>> -> memref<128x128xf32, #tpu.memory_space<vmem>>
      %dma_start3A_52 = arith.constant 0 : i32
      %dma_start3A_53 = tpu.memref_slice %arg2[%mul3A_43, %dma_start3A_52] : memref<327680x128xf32, #tpu.memory_space<hbm>> -> memref<128x128xf32, #tpu.memory_space<hbm>>
      tpu.enqueue_dma source(%dma_start3A_53 : memref<128x128xf32, #tpu.memory_space<hbm>>) target(%dma_start3A_51 : memref<128x128xf32, #tpu.memory_space<vmem>>) target_semaphore(%arg10 : memref<!tpu.dma_semaphore, #tpu.memory_space<semaphore_mem>>)
      %dma_wait3A = arith.constant 0 : i32
      %dma_wait3A_54 = arith.constant 0 : i32
      %dma_wait3A_55 = tpu.memref_slice %arg7[%dma_wait3A, %dma_wait3A_54] : memref<256x128xf32, #tpu.memory_space<vmem>> -> memref<128x128xf32, #tpu.memory_space<vmem>>
      %dma_wait3A_56 = arith.constant 0 : i32
      %dma_wait3A_57 = tpu.memref_slice %arg2[%mul3A_25, %dma_wait3A_56] : memref<327680x128xf32, #tpu.memory_space<hbm>> -> memref<128x128xf32, #tpu.memory_space<hbm>>
      %dma_wait3A_58 = arith.constant 0 : i32
      %dma_wait3A_59 = arith.constant 0 : i32
      %dma_wait3A_60 = tpu.memref_slice %arg7[%dma_wait3A_58, %dma_wait3A_59] : memref<256x128xf32, #tpu.memory_space<vmem>> -> memref<128x128xf32, #tpu.memory_space<vmem>>
      %dma_wait3A_61 = arith.constant 0 : i32
      %dma_wait3A_62 = tpu.memref_slice %arg2[%mul3A_25, %dma_wait3A_61] : memref<327680x128xf32, #tpu.memory_space<hbm>> -> memref<128x128xf32, #tpu.memory_space<hbm>>
      tpu.wait_dma2 semaphore(%arg9 : memref<!tpu.dma_semaphore, #tpu.memory_space<semaphore_mem>>) src(%dma_wait3A_62 : memref<128x128xf32, #tpu.memory_space<hbm>>) dst(%dma_wait3A_60 : memref<128x128xf32, #tpu.memory_space<vmem>>)
      %run_scoped3A = arith.constant 1 : i32
      "tpu.region"() ({
        %run_scoped3A_254 = tpu.sem_alloc : memref<!tpu.dma_semaphore, #tpu.memory_space<semaphore_mem>>
        %dma_start3A_255 = arith.constant 0 : i32
        %dma_start3A_256 = arith.constant 0 : i32
        %dma_start3A_257 = tpu.memref_slice %arg7[%dma_start3A_255, %dma_start3A_256] : memref<256x128xf32, #tpu.memory_space<vmem>> -> memref<128x128xf32, #tpu.memory_space<vmem>>
        %dma_start3A_258 = arith.constant 0 : i32
        %dma_start3A_259 = tpu.memref_slice %arg6[%run_scoped3A, %dma_start3A_258] : memref<16x128xi32, #tpu.memory_space<vmem>> -> memref<1x128xi32, #tpu.memory_space<vmem>>
        %dma_start3A_260 = tpu.memref_squeeze %dma_start3A_259 : memref<1x128xi32, #tpu.memory_space<vmem>> -> memref<128xi32, #tpu.memory_space<vmem>>
        %dma_start3A_261 = arith.constant 0 : i32
        %dma_start3A_262 = arith.constant 0 : i32
        %dma_start3A_263 = tpu.memref_slice %arg8[%dma_start3A_261, %dma_start3A_262] : memref<10240x128xf32, #tpu.memory_space<vmem_shared>> -> memref<10240x128xf32, #tpu.memory_space<vmem_shared>>
        tpu.enqueue_indirect_dma source(%dma_start3A_257 : memref<128x128xf32, #tpu.memory_space<vmem>>) target(%dma_start3A_263 : memref<10240x128xf32, #tpu.memory_space<vmem_shared>>) offsets(%dma_start3A_260 : memref<128xi32, #tpu.memory_space<vmem>>) semaphore(%run_scoped3A_254 : memref<!tpu.dma_semaphore, #tpu.memory_space<semaphore_mem>>) {add = true}
        %dma_wait3A_264 = arith.constant 0 : i32
        %dma_wait3A_265 = arith.constant 0 : i32
        %dma_wait3A_266 = tpu.memref_slice %arg7[%dma_wait3A_264, %dma_wait3A_265] : memref<256x128xf32, #tpu.memory_space<vmem>> -> memref<128x128xf32, #tpu.memory_space<vmem>>
        %dma_wait3A_267 = arith.constant 0 : i32
        %dma_wait3A_268 = tpu.memref_slice %arg6[%run_scoped3A, %dma_wait3A_267] : memref<16x128xi32, #tpu.memory_space<vmem>> -> memref<1x128xi32, #tpu.memory_space<vmem>>
        %dma_wait3A_269 = tpu.memref_squeeze %dma_wait3A_268 : memref<1x128xi32, #tpu.memory_space<vmem>> -> memref<128xi32, #tpu.memory_space<vmem>>
        %dma_wait3A_270 = arith.constant 0 : i32
        %dma_wait3A_271 = arith.constant 0 : i32
        %dma_wait3A_272 = tpu.memref_slice %arg8[%dma_wait3A_270, %dma_wait3A_271] : memref<10240x128xf32, #tpu.memory_space<vmem_shared>> -> memref<10240x128xf32, #tpu.memory_space<vmem_shared>>
        tpu.wait_indirect_dma semaphore(%run_scoped3A_254 : memref<!tpu.dma_semaphore, #tpu.memory_space<semaphore_mem>>) src(%dma_wait3A_266 : memref<128x128xf32, #tpu.memory_space<vmem>>) dst(%dma_wait3A_272 : memref<10240x128xf32, #tpu.memory_space<vmem_shared>>)
        tpu.yield
      }) : () -> ()
      %mul3A_63 = arith.constant 80 : i32
      %mul3A_64 = arith.muli %add3A, %mul3A_63 : i32
      %mul3A_65 = arith.constant 8 : i32
      %mul3A_66 = arith.muli %scan3A_9, %mul3A_65 : i32
      %add3A_67 = arith.addi %mul3A_64, %mul3A_66 : i32
      %add3A_68 = arith.constant 2 : i32
      %add3A_69 = arith.addi %add3A_67, %add3A_68 : i32
      %mul3A_70 = arith.constant 128 : i32
      %mul3A_71 = arith.muli %add3A_69, %mul3A_70 : i32
      %dma_start3A_72 = arith.constant 0 : i32
      %dma_start3A_73 = arith.constant 0 : i32
      %dma_start3A_74 = tpu.memref_slice %arg7[%dma_start3A_72, %dma_start3A_73] : memref<256x128xf32, #tpu.memory_space<vmem>> -> memref<128x128xf32, #tpu.memory_space<vmem>>
      %dma_start3A_75 = arith.constant 0 : i32
      %dma_start3A_76 = tpu.memref_slice %arg2[%mul3A_71, %dma_start3A_75] : memref<327680x128xf32, #tpu.memory_space<hbm>> -> memref<128x128xf32, #tpu.memory_space<hbm>>
      %dma_start3A_77 = arith.constant 0 : i32
      %dma_start3A_78 = arith.constant 0 : i32
      %dma_start3A_79 = tpu.memref_slice %arg7[%dma_start3A_77, %dma_start3A_78] : memref<256x128xf32, #tpu.memory_space<vmem>> -> memref<128x128xf32, #tpu.memory_space<vmem>>
      %dma_start3A_80 = arith.constant 0 : i32
      %dma_start3A_81 = tpu.memref_slice %arg2[%mul3A_71, %dma_start3A_80] : memref<327680x128xf32, #tpu.memory_space<hbm>> -> memref<128x128xf32, #tpu.memory_space<hbm>>
      tpu.enqueue_dma source(%dma_start3A_81 : memref<128x128xf32, #tpu.memory_space<hbm>>) target(%dma_start3A_79 : memref<128x128xf32, #tpu.memory_space<vmem>>) target_semaphore(%arg9 : memref<!tpu.dma_semaphore, #tpu.memory_space<semaphore_mem>>)
      %dma_wait3A_82 = arith.constant 128 : i32
      %dma_wait3A_83 = arith.constant 0 : i32
      %dma_wait3A_84 = tpu.memref_slice %arg7[%dma_wait3A_82, %dma_wait3A_83] : memref<256x128xf32, #tpu.memory_space<vmem>> -> memref<128x128xf32, #tpu.memory_space<vmem>>
      %dma_wait3A_85 = arith.constant 0 : i32
      %dma_wait3A_86 = tpu.memref_slice %arg2[%mul3A_43, %dma_wait3A_85] : memref<327680x128xf32, #tpu.memory_space<hbm>> -> memref<128x128xf32, #tpu.memory_space<hbm>>
      %dma_wait3A_87 = arith.constant 128 : i32
      %dma_wait3A_88 = arith.constant 0 : i32
      %dma_wait3A_89 = tpu.memref_slice %arg7[%dma_wait3A_87, %dma_wait3A_88] : memref<256x128xf32, #tpu.memory_space<vmem>> -> memref<128x128xf32, #tpu.memory_space<vmem>>
      %dma_wait3A_90 = arith.constant 0 : i32
      %dma_wait3A_91 = tpu.memref_slice %arg2[%mul3A_43, %dma_wait3A_90] : memref<327680x128xf32, #tpu.memory_space<hbm>> -> memref<128x128xf32, #tpu.memory_space<hbm>>
      tpu.wait_dma2 semaphore(%arg10 : memref<!tpu.dma_semaphore, #tpu.memory_space<semaphore_mem>>) src(%dma_wait3A_91 : memref<128x128xf32, #tpu.memory_space<hbm>>) dst(%dma_wait3A_89 : memref<128x128xf32, #tpu.memory_space<vmem>>)
      %run_scoped3A_92 = arith.constant 3 : i32
      "tpu.region"() ({
        %run_scoped3A_254 = tpu.sem_alloc : memref<!tpu.dma_semaphore, #tpu.memory_space<semaphore_mem>>
        %dma_start3A_255 = arith.constant 128 : i32
        %dma_start3A_256 = arith.constant 0 : i32
        %dma_start3A_257 = tpu.memref_slice %arg7[%dma_start3A_255, %dma_start3A_256] : memref<256x128xf32, #tpu.memory_space<vmem>> -> memref<128x128xf32, #tpu.memory_space<vmem>>
        %dma_start3A_258 = arith.constant 0 : i32
        %dma_start3A_259 = tpu.memref_slice %arg6[%run_scoped3A_92, %dma_start3A_258] : memref<16x128xi32, #tpu.memory_space<vmem>> -> memref<1x128xi32, #tpu.memory_space<vmem>>
        %dma_start3A_260 = tpu.memref_squeeze %dma_start3A_259 : memref<1x128xi32, #tpu.memory_space<vmem>> -> memref<128xi32, #tpu.memory_space<vmem>>
        %dma_start3A_261 = arith.constant 0 : i32
        %dma_start3A_262 = arith.constant 0 : i32
        %dma_start3A_263 = tpu.memref_slice %arg8[%dma_start3A_261, %dma_start3A_262] : memref<10240x128xf32, #tpu.memory_space<vmem_shared>> -> memref<10240x128xf32, #tpu.memory_space<vmem_shared>>
        tpu.enqueue_indirect_dma source(%dma_start3A_257 : memref<128x128xf32, #tpu.memory_space<vmem>>) target(%dma_start3A_263 : memref<10240x128xf32, #tpu.memory_space<vmem_shared>>) offsets(%dma_start3A_260 : memref<128xi32, #tpu.memory_space<vmem>>) semaphore(%run_scoped3A_254 : memref<!tpu.dma_semaphore, #tpu.memory_space<semaphore_mem>>) {add = true}
        %dma_wait3A_264 = arith.constant 128 : i32
        %dma_wait3A_265 = arith.constant 0 : i32
        %dma_wait3A_266 = tpu.memref_slice %arg7[%dma_wait3A_264, %dma_wait3A_265] : memref<256x128xf32, #tpu.memory_space<vmem>> -> memref<128x128xf32, #tpu.memory_space<vmem>>
        %dma_wait3A_267 = arith.constant 0 : i32
        %dma_wait3A_268 = tpu.memref_slice %arg6[%run_scoped3A_92, %dma_wait3A_267] : memref<16x128xi32, #tpu.memory_space<vmem>> -> memref<1x128xi32, #tpu.memory_space<vmem>>
        %dma_wait3A_269 = tpu.memref_squeeze %dma_wait3A_268 : memref<1x128xi32, #tpu.memory_space<vmem>> -> memref<128xi32, #tpu.memory_space<vmem>>
        %dma_wait3A_270 = arith.constant 0 : i32
        %dma_wait3A_271 = arith.constant 0 : i32
        %dma_wait3A_272 = tpu.memref_slice %arg8[%dma_wait3A_270, %dma_wait3A_271] : memref<10240x128xf32, #tpu.memory_space<vmem_shared>> -> memref<10240x128xf32, #tpu.memory_space<vmem_shared>>
        tpu.wait_indirect_dma semaphore(%run_scoped3A_254 : memref<!tpu.dma_semaphore, #tpu.memory_space<semaphore_mem>>) src(%dma_wait3A_266 : memref<128x128xf32, #tpu.memory_space<vmem>>) dst(%dma_wait3A_272 : memref<10240x128xf32, #tpu.memory_space<vmem_shared>>)
        tpu.yield
      }) : () -> ()
      %mul3A_93 = arith.constant 80 : i32
      %mul3A_94 = arith.muli %add3A, %mul3A_93 : i32
      %mul3A_95 = arith.constant 8 : i32
      %mul3A_96 = arith.muli %scan3A_9, %mul3A_95 : i32
      %add3A_97 = arith.addi %mul3A_94, %mul3A_96 : i32
      %add3A_98 = arith.constant 3 : i32
      %add3A_99 = arith.addi %add3A_97, %add3A_98 : i32
      %mul3A_100 = arith.constant 128 : i32
      %mul3A_101 = arith.muli %add3A_99, %mul3A_100 : i32
      %dma_start3A_102 = arith.constant 128 : i32
      %dma_start3A_103 = arith.constant 0 : i32
      %dma_start3A_104 = tpu.memref_slice %arg7[%dma_start3A_102, %dma_start3A_103] : memref<256x128xf32, #tpu.memory_space<vmem>> -> memref<128x128xf32, #tpu.memory_space<vmem>>
      %dma_start3A_105 = arith.constant 0 : i32
      %dma_start3A_106 = tpu.memref_slice %arg2[%mul3A_101, %dma_start3A_105] : memref<327680x128xf32, #tpu.memory_space<hbm>> -> memref<128x128xf32, #tpu.memory_space<hbm>>
      %dma_start3A_107 = arith.constant 128 : i32
      %dma_start3A_108 = arith.constant 0 : i32
      %dma_start3A_109 = tpu.memref_slice %arg7[%dma_start3A_107, %dma_start3A_108] : memref<256x128xf32, #tpu.memory_space<vmem>> -> memref<128x128xf32, #tpu.memory_space<vmem>>
      %dma_start3A_110 = arith.constant 0 : i32
      %dma_start3A_111 = tpu.memref_slice %arg2[%mul3A_101, %dma_start3A_110] : memref<327680x128xf32, #tpu.memory_space<hbm>> -> memref<128x128xf32, #tpu.memory_space<hbm>>
      tpu.enqueue_dma source(%dma_start3A_111 : memref<128x128xf32, #tpu.memory_space<hbm>>) target(%dma_start3A_109 : memref<128x128xf32, #tpu.memory_space<vmem>>) target_semaphore(%arg10 : memref<!tpu.dma_semaphore, #tpu.memory_space<semaphore_mem>>)
      %dma_wait3A_112 = arith.constant 0 : i32
      %dma_wait3A_113 = arith.constant 0 : i32
      %dma_wait3A_114 = tpu.memref_slice %arg7[%dma_wait3A_112, %dma_wait3A_113] : memref<256x128xf32, #tpu.memory_space<vmem>> -> memref<128x128xf32, #tpu.memory_space<vmem>>
      %dma_wait3A_115 = arith.constant 0 : i32
      %dma_wait3A_116 = tpu.memref_slice %arg2[%mul3A_71, %dma_wait3A_115] : memref<327680x128xf32, #tpu.memory_space<hbm>> -> memref<128x128xf32, #tpu.memory_space<hbm>>
      %dma_wait3A_117 = arith.constant 0 : i32
      %dma_wait3A_118 = arith.constant 0 : i32
      %dma_wait3A_119 = tpu.memref_slice %arg7[%dma_wait3A_117, %dma_wait3A_118] : memref<256x128xf32, #tpu.memory_space<vmem>> -> memref<128x128xf32, #tpu.memory_space<vmem>>
      %dma_wait3A_120 = arith.constant 0 : i32
      %dma_wait3A_121 = tpu.memref_slice %arg2[%mul3A_71, %dma_wait3A_120] : memref<327680x128xf32, #tpu.memory_space<hbm>> -> memref<128x128xf32, #tpu.memory_space<hbm>>
      tpu.wait_dma2 semaphore(%arg9 : memref<!tpu.dma_semaphore, #tpu.memory_space<semaphore_mem>>) src(%dma_wait3A_121 : memref<128x128xf32, #tpu.memory_space<hbm>>) dst(%dma_wait3A_119 : memref<128x128xf32, #tpu.memory_space<vmem>>)
      %run_scoped3A_122 = arith.constant 5 : i32
      "tpu.region"() ({
        %run_scoped3A_254 = tpu.sem_alloc : memref<!tpu.dma_semaphore, #tpu.memory_space<semaphore_mem>>
        %dma_start3A_255 = arith.constant 0 : i32
        %dma_start3A_256 = arith.constant 0 : i32
        %dma_start3A_257 = tpu.memref_slice %arg7[%dma_start3A_255, %dma_start3A_256] : memref<256x128xf32, #tpu.memory_space<vmem>> -> memref<128x128xf32, #tpu.memory_space<vmem>>
        %dma_start3A_258 = arith.constant 0 : i32
        %dma_start3A_259 = tpu.memref_slice %arg6[%run_scoped3A_122, %dma_start3A_258] : memref<16x128xi32, #tpu.memory_space<vmem>> -> memref<1x128xi32, #tpu.memory_space<vmem>>
        %dma_start3A_260 = tpu.memref_squeeze %dma_start3A_259 : memref<1x128xi32, #tpu.memory_space<vmem>> -> memref<128xi32, #tpu.memory_space<vmem>>
        %dma_start3A_261 = arith.constant 0 : i32
        %dma_start3A_262 = arith.constant 0 : i32
        %dma_start3A_263 = tpu.memref_slice %arg8[%dma_start3A_261, %dma_start3A_262] : memref<10240x128xf32, #tpu.memory_space<vmem_shared>> -> memref<10240x128xf32, #tpu.memory_space<vmem_shared>>
        tpu.enqueue_indirect_dma source(%dma_start3A_257 : memref<128x128xf32, #tpu.memory_space<vmem>>) target(%dma_start3A_263 : memref<10240x128xf32, #tpu.memory_space<vmem_shared>>) offsets(%dma_start3A_260 : memref<128xi32, #tpu.memory_space<vmem>>) semaphore(%run_scoped3A_254 : memref<!tpu.dma_semaphore, #tpu.memory_space<semaphore_mem>>) {add = true}
        %dma_wait3A_264 = arith.constant 0 : i32
        %dma_wait3A_265 = arith.constant 0 : i32
        %dma_wait3A_266 = tpu.memref_slice %arg7[%dma_wait3A_264, %dma_wait3A_265] : memref<256x128xf32, #tpu.memory_space<vmem>> -> memref<128x128xf32, #tpu.memory_space<vmem>>
        %dma_wait3A_267 = arith.constant 0 : i32
        %dma_wait3A_268 = tpu.memref_slice %arg6[%run_scoped3A_122, %dma_wait3A_267] : memref<16x128xi32, #tpu.memory_space<vmem>> -> memref<1x128xi32, #tpu.memory_space<vmem>>
        %dma_wait3A_269 = tpu.memref_squeeze %dma_wait3A_268 : memref<1x128xi32, #tpu.memory_space<vmem>> -> memref<128xi32, #tpu.memory_space<vmem>>
        %dma_wait3A_270 = arith.constant 0 : i32
        %dma_wait3A_271 = arith.constant 0 : i32
        %dma_wait3A_272 = tpu.memref_slice %arg8[%dma_wait3A_270, %dma_wait3A_271] : memref<10240x128xf32, #tpu.memory_space<vmem_shared>> -> memref<10240x128xf32, #tpu.memory_space<vmem_shared>>
        tpu.wait_indirect_dma semaphore(%run_scoped3A_254 : memref<!tpu.dma_semaphore, #tpu.memory_space<semaphore_mem>>) src(%dma_wait3A_266 : memref<128x128xf32, #tpu.memory_space<vmem>>) dst(%dma_wait3A_272 : memref<10240x128xf32, #tpu.memory_space<vmem_shared>>)
        tpu.yield
      }) : () -> ()
      %mul3A_123 = arith.constant 80 : i32
      %mul3A_124 = arith.muli %add3A, %mul3A_123 : i32
      %mul3A_125 = arith.constant 8 : i32
      %mul3A_126 = arith.muli %scan3A_9, %mul3A_125 : i32
      %add3A_127 = arith.addi %mul3A_124, %mul3A_126 : i32
      %add3A_128 = arith.constant 4 : i32
      %add3A_129 = arith.addi %add3A_127, %add3A_128 : i32
      %mul3A_130 = arith.constant 128 : i32
      %mul3A_131 = arith.muli %add3A_129, %mul3A_130 : i32
      %dma_start3A_132 = arith.constant 0 : i32
      %dma_start3A_133 = arith.constant 0 : i32
      %dma_start3A_134 = tpu.memref_slice %arg7[%dma_start3A_132, %dma_start3A_133] : memref<256x128xf32, #tpu.memory_space<vmem>> -> memref<128x128xf32, #tpu.memory_space<vmem>>
      %dma_start3A_135 = arith.constant 0 : i32
      %dma_start3A_136 = tpu.memref_slice %arg2[%mul3A_131, %dma_start3A_135] : memref<327680x128xf32, #tpu.memory_space<hbm>> -> memref<128x128xf32, #tpu.memory_space<hbm>>
      %dma_start3A_137 = arith.constant 0 : i32
      %dma_start3A_138 = arith.constant 0 : i32
      %dma_start3A_139 = tpu.memref_slice %arg7[%dma_start3A_137, %dma_start3A_138] : memref<256x128xf32, #tpu.memory_space<vmem>> -> memref<128x128xf32, #tpu.memory_space<vmem>>
      %dma_start3A_140 = arith.constant 0 : i32
      %dma_start3A_141 = tpu.memref_slice %arg2[%mul3A_131, %dma_start3A_140] : memref<327680x128xf32, #tpu.memory_space<hbm>> -> memref<128x128xf32, #tpu.memory_space<hbm>>
      tpu.enqueue_dma source(%dma_start3A_141 : memref<128x128xf32, #tpu.memory_space<hbm>>) target(%dma_start3A_139 : memref<128x128xf32, #tpu.memory_space<vmem>>) target_semaphore(%arg9 : memref<!tpu.dma_semaphore, #tpu.memory_space<semaphore_mem>>)
      %dma_wait3A_142 = arith.constant 128 : i32
      %dma_wait3A_143 = arith.constant 0 : i32
      %dma_wait3A_144 = tpu.memref_slice %arg7[%dma_wait3A_142, %dma_wait3A_143] : memref<256x128xf32, #tpu.memory_space<vmem>> -> memref<128x128xf32, #tpu.memory_space<vmem>>
      %dma_wait3A_145 = arith.constant 0 : i32
      %dma_wait3A_146 = tpu.memref_slice %arg2[%mul3A_101, %dma_wait3A_145] : memref<327680x128xf32, #tpu.memory_space<hbm>> -> memref<128x128xf32, #tpu.memory_space<hbm>>
      %dma_wait3A_147 = arith.constant 128 : i32
      %dma_wait3A_148 = arith.constant 0 : i32
      %dma_wait3A_149 = tpu.memref_slice %arg7[%dma_wait3A_147, %dma_wait3A_148] : memref<256x128xf32, #tpu.memory_space<vmem>> -> memref<128x128xf32, #tpu.memory_space<vmem>>
      %dma_wait3A_150 = arith.constant 0 : i32
      %dma_wait3A_151 = tpu.memref_slice %arg2[%mul3A_101, %dma_wait3A_150] : memref<327680x128xf32, #tpu.memory_space<hbm>> -> memref<128x128xf32, #tpu.memory_space<hbm>>
      tpu.wait_dma2 semaphore(%arg10 : memref<!tpu.dma_semaphore, #tpu.memory_space<semaphore_mem>>) src(%dma_wait3A_151 : memref<128x128xf32, #tpu.memory_space<hbm>>) dst(%dma_wait3A_149 : memref<128x128xf32, #tpu.memory_space<vmem>>)
      %run_scoped3A_152 = arith.constant 7 : i32
      "tpu.region"() ({
        %run_scoped3A_254 = tpu.sem_alloc : memref<!tpu.dma_semaphore, #tpu.memory_space<semaphore_mem>>
        %dma_start3A_255 = arith.constant 128 : i32
        %dma_start3A_256 = arith.constant 0 : i32
        %dma_start3A_257 = tpu.memref_slice %arg7[%dma_start3A_255, %dma_start3A_256] : memref<256x128xf32, #tpu.memory_space<vmem>> -> memref<128x128xf32, #tpu.memory_space<vmem>>
        %dma_start3A_258 = arith.constant 0 : i32
        %dma_start3A_259 = tpu.memref_slice %arg6[%run_scoped3A_152, %dma_start3A_258] : memref<16x128xi32, #tpu.memory_space<vmem>> -> memref<1x128xi32, #tpu.memory_space<vmem>>
        %dma_start3A_260 = tpu.memref_squeeze %dma_start3A_259 : memref<1x128xi32, #tpu.memory_space<vmem>> -> memref<128xi32, #tpu.memory_space<vmem>>
        %dma_start3A_261 = arith.constant 0 : i32
        %dma_start3A_262 = arith.constant 0 : i32
        %dma_start3A_263 = tpu.memref_slice %arg8[%dma_start3A_261, %dma_start3A_262] : memref<10240x128xf32, #tpu.memory_space<vmem_shared>> -> memref<10240x128xf32, #tpu.memory_space<vmem_shared>>
        tpu.enqueue_indirect_dma source(%dma_start3A_257 : memref<128x128xf32, #tpu.memory_space<vmem>>) target(%dma_start3A_263 : memref<10240x128xf32, #tpu.memory_space<vmem_shared>>) offsets(%dma_start3A_260 : memref<128xi32, #tpu.memory_space<vmem>>) semaphore(%run_scoped3A_254 : memref<!tpu.dma_semaphore, #tpu.memory_space<semaphore_mem>>) {add = true}
        %dma_wait3A_264 = arith.constant 128 : i32
        %dma_wait3A_265 = arith.constant 0 : i32
        %dma_wait3A_266 = tpu.memref_slice %arg7[%dma_wait3A_264, %dma_wait3A_265] : memref<256x128xf32, #tpu.memory_space<vmem>> -> memref<128x128xf32, #tpu.memory_space<vmem>>
        %dma_wait3A_267 = arith.constant 0 : i32
        %dma_wait3A_268 = tpu.memref_slice %arg6[%run_scoped3A_152, %dma_wait3A_267] : memref<16x128xi32, #tpu.memory_space<vmem>> -> memref<1x128xi32, #tpu.memory_space<vmem>>
        %dma_wait3A_269 = tpu.memref_squeeze %dma_wait3A_268 : memref<1x128xi32, #tpu.memory_space<vmem>> -> memref<128xi32, #tpu.memory_space<vmem>>
        %dma_wait3A_270 = arith.constant 0 : i32
        %dma_wait3A_271 = arith.constant 0 : i32
        %dma_wait3A_272 = tpu.memref_slice %arg8[%dma_wait3A_270, %dma_wait3A_271] : memref<10240x128xf32, #tpu.memory_space<vmem_shared>> -> memref<10240x128xf32, #tpu.memory_space<vmem_shared>>
        tpu.wait_indirect_dma semaphore(%run_scoped3A_254 : memref<!tpu.dma_semaphore, #tpu.memory_space<semaphore_mem>>) src(%dma_wait3A_266 : memref<128x128xf32, #tpu.memory_space<vmem>>) dst(%dma_wait3A_272 : memref<10240x128xf32, #tpu.memory_space<vmem_shared>>)
        tpu.yield
      }) : () -> ()
      %mul3A_153 = arith.constant 80 : i32
      %mul3A_154 = arith.muli %add3A, %mul3A_153 : i32
      %mul3A_155 = arith.constant 8 : i32
      %mul3A_156 = arith.muli %scan3A_9, %mul3A_155 : i32
      %add3A_157 = arith.addi %mul3A_154, %mul3A_156 : i32
      %add3A_158 = arith.constant 5 : i32
      %add3A_159 = arith.addi %add3A_157, %add3A_158 : i32
      %mul3A_160 = arith.constant 128 : i32
      %mul3A_161 = arith.muli %add3A_159, %mul3A_160 : i32
      %dma_start3A_162 = arith.constant 128 : i32
      %dma_start3A_163 = arith.constant 0 : i32
      %dma_start3A_164 = tpu.memref_slice %arg7[%dma_start3A_162, %dma_start3A_163] : memref<256x128xf32, #tpu.memory_space<vmem>> -> memref<128x128xf32, #tpu.memory_space<vmem>>
      %dma_start3A_165 = arith.constant 0 : i32
      %dma_start3A_166 = tpu.memref_slice %arg2[%mul3A_161, %dma_start3A_165] : memref<327680x128xf32, #tpu.memory_space<hbm>> -> memref<128x128xf32, #tpu.memory_space<hbm>>
      %dma_start3A_167 = arith.constant 128 : i32
      %dma_start3A_168 = arith.constant 0 : i32
      %dma_start3A_169 = tpu.memref_slice %arg7[%dma_start3A_167, %dma_start3A_168] : memref<256x128xf32, #tpu.memory_space<vmem>> -> memref<128x128xf32, #tpu.memory_space<vmem>>
      %dma_start3A_170 = arith.constant 0 : i32
      %dma_start3A_171 = tpu.memref_slice %arg2[%mul3A_161, %dma_start3A_170] : memref<327680x128xf32, #tpu.memory_space<hbm>> -> memref<128x128xf32, #tpu.memory_space<hbm>>
      tpu.enqueue_dma source(%dma_start3A_171 : memref<128x128xf32, #tpu.memory_space<hbm>>) target(%dma_start3A_169 : memref<128x128xf32, #tpu.memory_space<vmem>>) target_semaphore(%arg10 : memref<!tpu.dma_semaphore, #tpu.memory_space<semaphore_mem>>)
      %dma_wait3A_172 = arith.constant 0 : i32
      %dma_wait3A_173 = arith.constant 0 : i32
      %dma_wait3A_174 = tpu.memref_slice %arg7[%dma_wait3A_172, %dma_wait3A_173] : memref<256x128xf32, #tpu.memory_space<vmem>> -> memref<128x128xf32, #tpu.memory_space<vmem>>
      %dma_wait3A_175 = arith.constant 0 : i32
      %dma_wait3A_176 = tpu.memref_slice %arg2[%mul3A_131, %dma_wait3A_175] : memref<327680x128xf32, #tpu.memory_space<hbm>> -> memref<128x128xf32, #tpu.memory_space<hbm>>
      %dma_wait3A_177 = arith.constant 0 : i32
      %dma_wait3A_178 = arith.constant 0 : i32
      %dma_wait3A_179 = tpu.memref_slice %arg7[%dma_wait3A_177, %dma_wait3A_178] : memref<256x128xf32, #tpu.memory_space<vmem>> -> memref<128x128xf32, #tpu.memory_space<vmem>>
      %dma_wait3A_180 = arith.constant 0 : i32
      %dma_wait3A_181 = tpu.memref_slice %arg2[%mul3A_131, %dma_wait3A_180] : memref<327680x128xf32, #tpu.memory_space<hbm>> -> memref<128x128xf32, #tpu.memory_space<hbm>>
      tpu.wait_dma2 semaphore(%arg9 : memref<!tpu.dma_semaphore, #tpu.memory_space<semaphore_mem>>) src(%dma_wait3A_181 : memref<128x128xf32, #tpu.memory_space<hbm>>) dst(%dma_wait3A_179 : memref<128x128xf32, #tpu.memory_space<vmem>>)
      %run_scoped3A_182 = arith.constant 9 : i32
      "tpu.region"() ({
        %run_scoped3A_254 = tpu.sem_alloc : memref<!tpu.dma_semaphore, #tpu.memory_space<semaphore_mem>>
        %dma_start3A_255 = arith.constant 0 : i32
        %dma_start3A_256 = arith.constant 0 : i32
        %dma_start3A_257 = tpu.memref_slice %arg7[%dma_start3A_255, %dma_start3A_256] : memref<256x128xf32, #tpu.memory_space<vmem>> -> memref<128x128xf32, #tpu.memory_space<vmem>>
        %dma_start3A_258 = arith.constant 0 : i32
        %dma_start3A_259 = tpu.memref_slice %arg6[%run_scoped3A_182, %dma_start3A_258] : memref<16x128xi32, #tpu.memory_space<vmem>> -> memref<1x128xi32, #tpu.memory_space<vmem>>
        %dma_start3A_260 = tpu.memref_squeeze %dma_start3A_259 : memref<1x128xi32, #tpu.memory_space<vmem>> -> memref<128xi32, #tpu.memory_space<vmem>>
        %dma_start3A_261 = arith.constant 0 : i32
        %dma_start3A_262 = arith.constant 0 : i32
        %dma_start3A_263 = tpu.memref_slice %arg8[%dma_start3A_261, %dma_start3A_262] : memref<10240x128xf32, #tpu.memory_space<vmem_shared>> -> memref<10240x128xf32, #tpu.memory_space<vmem_shared>>
        tpu.enqueue_indirect_dma source(%dma_start3A_257 : memref<128x128xf32, #tpu.memory_space<vmem>>) target(%dma_start3A_263 : memref<10240x128xf32, #tpu.memory_space<vmem_shared>>) offsets(%dma_start3A_260 : memref<128xi32, #tpu.memory_space<vmem>>) semaphore(%run_scoped3A_254 : memref<!tpu.dma_semaphore, #tpu.memory_space<semaphore_mem>>) {add = true}
        %dma_wait3A_264 = arith.constant 0 : i32
        %dma_wait3A_265 = arith.constant 0 : i32
        %dma_wait3A_266 = tpu.memref_slice %arg7[%dma_wait3A_264, %dma_wait3A_265] : memref<256x128xf32, #tpu.memory_space<vmem>> -> memref<128x128xf32, #tpu.memory_space<vmem>>
        %dma_wait3A_267 = arith.constant 0 : i32
        %dma_wait3A_268 = tpu.memref_slice %arg6[%run_scoped3A_182, %dma_wait3A_267] : memref<16x128xi32, #tpu.memory_space<vmem>> -> memref<1x128xi32, #tpu.memory_space<vmem>>
        %dma_wait3A_269 = tpu.memref_squeeze %dma_wait3A_268 : memref<1x128xi32, #tpu.memory_space<vmem>> -> memref<128xi32, #tpu.memory_space<vmem>>
        %dma_wait3A_270 = arith.constant 0 : i32
        %dma_wait3A_271 = arith.constant 0 : i32
        %dma_wait3A_272 = tpu.memref_slice %arg8[%dma_wait3A_270, %dma_wait3A_271] : memref<10240x128xf32, #tpu.memory_space<vmem_shared>> -> memref<10240x128xf32, #tpu.memory_space<vmem_shared>>
        tpu.wait_indirect_dma semaphore(%run_scoped3A_254 : memref<!tpu.dma_semaphore, #tpu.memory_space<semaphore_mem>>) src(%dma_wait3A_266 : memref<128x128xf32, #tpu.memory_space<vmem>>) dst(%dma_wait3A_272 : memref<10240x128xf32, #tpu.memory_space<vmem_shared>>)
        tpu.yield
      }) : () -> ()
      %mul3A_183 = arith.constant 80 : i32
      %mul3A_184 = arith.muli %add3A, %mul3A_183 : i32
      %mul3A_185 = arith.constant 8 : i32
      %mul3A_186 = arith.muli %scan3A_9, %mul3A_185 : i32
      %add3A_187 = arith.addi %mul3A_184, %mul3A_186 : i32
      %add3A_188 = arith.constant 6 : i32
      %add3A_189 = arith.addi %add3A_187, %add3A_188 : i32
      %mul3A_190 = arith.constant 128 : i32
      %mul3A_191 = arith.muli %add3A_189, %mul3A_190 : i32
      %dma_start3A_192 = arith.constant 0 : i32
      %dma_start3A_193 = arith.constant 0 : i32
      %dma_start3A_194 = tpu.memref_slice %arg7[%dma_start3A_192, %dma_start3A_193] : memref<256x128xf32, #tpu.memory_space<vmem>> -> memref<128x128xf32, #tpu.memory_space<vmem>>
      %dma_start3A_195 = arith.constant 0 : i32
      %dma_start3A_196 = tpu.memref_slice %arg2[%mul3A_191, %dma_start3A_195] : memref<327680x128xf32, #tpu.memory_space<hbm>> -> memref<128x128xf32, #tpu.memory_space<hbm>>
      %dma_start3A_197 = arith.constant 0 : i32
      %dma_start3A_198 = arith.constant 0 : i32
      %dma_start3A_199 = tpu.memref_slice %arg7[%dma_start3A_197, %dma_start3A_198] : memref<256x128xf32, #tpu.memory_space<vmem>> -> memref<128x128xf32, #tpu.memory_space<vmem>>
      %dma_start3A_200 = arith.constant 0 : i32
      %dma_start3A_201 = tpu.memref_slice %arg2[%mul3A_191, %dma_start3A_200] : memref<327680x128xf32, #tpu.memory_space<hbm>> -> memref<128x128xf32, #tpu.memory_space<hbm>>
      tpu.enqueue_dma source(%dma_start3A_201 : memref<128x128xf32, #tpu.memory_space<hbm>>) target(%dma_start3A_199 : memref<128x128xf32, #tpu.memory_space<vmem>>) target_semaphore(%arg9 : memref<!tpu.dma_semaphore, #tpu.memory_space<semaphore_mem>>)
      %dma_wait3A_202 = arith.constant 128 : i32
      %dma_wait3A_203 = arith.constant 0 : i32
      %dma_wait3A_204 = tpu.memref_slice %arg7[%dma_wait3A_202, %dma_wait3A_203] : memref<256x128xf32, #tpu.memory_space<vmem>> -> memref<128x128xf32, #tpu.memory_space<vmem>>
      %dma_wait3A_205 = arith.constant 0 : i32
      %dma_wait3A_206 = tpu.memref_slice %arg2[%mul3A_161, %dma_wait3A_205] : memref<327680x128xf32, #tpu.memory_space<hbm>> -> memref<128x128xf32, #tpu.memory_space<hbm>>
      %dma_wait3A_207 = arith.constant 128 : i32
      %dma_wait3A_208 = arith.constant 0 : i32
      %dma_wait3A_209 = tpu.memref_slice %arg7[%dma_wait3A_207, %dma_wait3A_208] : memref<256x128xf32, #tpu.memory_space<vmem>> -> memref<128x128xf32, #tpu.memory_space<vmem>>
      %dma_wait3A_210 = arith.constant 0 : i32
      %dma_wait3A_211 = tpu.memref_slice %arg2[%mul3A_161, %dma_wait3A_210] : memref<327680x128xf32, #tpu.memory_space<hbm>> -> memref<128x128xf32, #tpu.memory_space<hbm>>
      tpu.wait_dma2 semaphore(%arg10 : memref<!tpu.dma_semaphore, #tpu.memory_space<semaphore_mem>>) src(%dma_wait3A_211 : memref<128x128xf32, #tpu.memory_space<hbm>>) dst(%dma_wait3A_209 : memref<128x128xf32, #tpu.memory_space<vmem>>)
      %run_scoped3A_212 = arith.constant 11 : i32
      "tpu.region"() ({
        %run_scoped3A_254 = tpu.sem_alloc : memref<!tpu.dma_semaphore, #tpu.memory_space<semaphore_mem>>
        %dma_start3A_255 = arith.constant 128 : i32
        %dma_start3A_256 = arith.constant 0 : i32
        %dma_start3A_257 = tpu.memref_slice %arg7[%dma_start3A_255, %dma_start3A_256] : memref<256x128xf32, #tpu.memory_space<vmem>> -> memref<128x128xf32, #tpu.memory_space<vmem>>
        %dma_start3A_258 = arith.constant 0 : i32
        %dma_start3A_259 = tpu.memref_slice %arg6[%run_scoped3A_212, %dma_start3A_258] : memref<16x128xi32, #tpu.memory_space<vmem>> -> memref<1x128xi32, #tpu.memory_space<vmem>>
        %dma_start3A_260 = tpu.memref_squeeze %dma_start3A_259 : memref<1x128xi32, #tpu.memory_space<vmem>> -> memref<128xi32, #tpu.memory_space<vmem>>
        %dma_start3A_261 = arith.constant 0 : i32
        %dma_start3A_262 = arith.constant 0 : i32
        %dma_start3A_263 = tpu.memref_slice %arg8[%dma_start3A_261, %dma_start3A_262] : memref<10240x128xf32, #tpu.memory_space<vmem_shared>> -> memref<10240x128xf32, #tpu.memory_space<vmem_shared>>
        tpu.enqueue_indirect_dma source(%dma_start3A_257 : memref<128x128xf32, #tpu.memory_space<vmem>>) target(%dma_start3A_263 : memref<10240x128xf32, #tpu.memory_space<vmem_shared>>) offsets(%dma_start3A_260 : memref<128xi32, #tpu.memory_space<vmem>>) semaphore(%run_scoped3A_254 : memref<!tpu.dma_semaphore, #tpu.memory_space<semaphore_mem>>) {add = true}
        %dma_wait3A_264 = arith.constant 128 : i32
        %dma_wait3A_265 = arith.constant 0 : i32
        %dma_wait3A_266 = tpu.memref_slice %arg7[%dma_wait3A_264, %dma_wait3A_265] : memref<256x128xf32, #tpu.memory_space<vmem>> -> memref<128x128xf32, #tpu.memory_space<vmem>>
        %dma_wait3A_267 = arith.constant 0 : i32
        %dma_wait3A_268 = tpu.memref_slice %arg6[%run_scoped3A_212, %dma_wait3A_267] : memref<16x128xi32, #tpu.memory_space<vmem>> -> memref<1x128xi32, #tpu.memory_space<vmem>>
        %dma_wait3A_269 = tpu.memref_squeeze %dma_wait3A_268 : memref<1x128xi32, #tpu.memory_space<vmem>> -> memref<128xi32, #tpu.memory_space<vmem>>
        %dma_wait3A_270 = arith.constant 0 : i32
        %dma_wait3A_271 = arith.constant 0 : i32
        %dma_wait3A_272 = tpu.memref_slice %arg8[%dma_wait3A_270, %dma_wait3A_271] : memref<10240x128xf32, #tpu.memory_space<vmem_shared>> -> memref<10240x128xf32, #tpu.memory_space<vmem_shared>>
        tpu.wait_indirect_dma semaphore(%run_scoped3A_254 : memref<!tpu.dma_semaphore, #tpu.memory_space<semaphore_mem>>) src(%dma_wait3A_266 : memref<128x128xf32, #tpu.memory_space<vmem>>) dst(%dma_wait3A_272 : memref<10240x128xf32, #tpu.memory_space<vmem_shared>>)
        tpu.yield
      }) : () -> ()
      %mul3A_213 = arith.constant 80 : i32
      %mul3A_214 = arith.muli %add3A, %mul3A_213 : i32
      %mul3A_215 = arith.constant 8 : i32
      %mul3A_216 = arith.muli %scan3A_9, %mul3A_215 : i32
      %add3A_217 = arith.addi %mul3A_214, %mul3A_216 : i32
      %add3A_218 = arith.constant 7 : i32
      %add3A_219 = arith.addi %add3A_217, %add3A_218 : i32
      %mul3A_220 = arith.constant 128 : i32
      %mul3A_221 = arith.muli %add3A_219, %mul3A_220 : i32
      %dma_start3A_222 = arith.constant 128 : i32
      %dma_start3A_223 = arith.constant 0 : i32
      %dma_start3A_224 = tpu.memref_slice %arg7[%dma_start3A_222, %dma_start3A_223] : memref<256x128xf32, #tpu.memory_space<vmem>> -> memref<128x128xf32, #tpu.memory_space<vmem>>
      %dma_start3A_225 = arith.constant 0 : i32
      %dma_start3A_226 = tpu.memref_slice %arg2[%mul3A_221, %dma_start3A_225] : memref<327680x128xf32, #tpu.memory_space<hbm>> -> memref<128x128xf32, #tpu.memory_space<hbm>>
      %dma_start3A_227 = arith.constant 128 : i32
      %dma_start3A_228 = arith.constant 0 : i32
      %dma_start3A_229 = tpu.memref_slice %arg7[%dma_start3A_227, %dma_start3A_228] : memref<256x128xf32, #tpu.memory_space<vmem>> -> memref<128x128xf32, #tpu.memory_space<vmem>>
      %dma_start3A_230 = arith.constant 0 : i32
      %dma_start3A_231 = tpu.memref_slice %arg2[%mul3A_221, %dma_start3A_230] : memref<327680x128xf32, #tpu.memory_space<hbm>> -> memref<128x128xf32, #tpu.memory_space<hbm>>
      tpu.enqueue_dma source(%dma_start3A_231 : memref<128x128xf32, #tpu.memory_space<hbm>>) target(%dma_start3A_229 : memref<128x128xf32, #tpu.memory_space<vmem>>) target_semaphore(%arg10 : memref<!tpu.dma_semaphore, #tpu.memory_space<semaphore_mem>>)
      %dma_wait3A_232 = arith.constant 0 : i32
      %dma_wait3A_233 = arith.constant 0 : i32
      %dma_wait3A_234 = tpu.memref_slice %arg7[%dma_wait3A_232, %dma_wait3A_233] : memref<256x128xf32, #tpu.memory_space<vmem>> -> memref<128x128xf32, #tpu.memory_space<vmem>>
      %dma_wait3A_235 = arith.constant 0 : i32
      %dma_wait3A_236 = tpu.memref_slice %arg2[%mul3A_191, %dma_wait3A_235] : memref<327680x128xf32, #tpu.memory_space<hbm>> -> memref<128x128xf32, #tpu.memory_space<hbm>>
      %dma_wait3A_237 = arith.constant 0 : i32
      %dma_wait3A_238 = arith.constant 0 : i32
      %dma_wait3A_239 = tpu.memref_slice %arg7[%dma_wait3A_237, %dma_wait3A_238] : memref<256x128xf32, #tpu.memory_space<vmem>> -> memref<128x128xf32, #tpu.memory_space<vmem>>
      %dma_wait3A_240 = arith.constant 0 : i32
      %dma_wait3A_241 = tpu.memref_slice %arg2[%mul3A_191, %dma_wait3A_240] : memref<327680x128xf32, #tpu.memory_space<hbm>> -> memref<128x128xf32, #tpu.memory_space<hbm>>
      tpu.wait_dma2 semaphore(%arg9 : memref<!tpu.dma_semaphore, #tpu.memory_space<semaphore_mem>>) src(%dma_wait3A_241 : memref<128x128xf32, #tpu.memory_space<hbm>>) dst(%dma_wait3A_239 : memref<128x128xf32, #tpu.memory_space<vmem>>)
      %run_scoped3A_242 = arith.constant 13 : i32
      "tpu.region"() ({
        %run_scoped3A_254 = tpu.sem_alloc : memref<!tpu.dma_semaphore, #tpu.memory_space<semaphore_mem>>
        %dma_start3A_255 = arith.constant 0 : i32
        %dma_start3A_256 = arith.constant 0 : i32
        %dma_start3A_257 = tpu.memref_slice %arg7[%dma_start3A_255, %dma_start3A_256] : memref<256x128xf32, #tpu.memory_space<vmem>> -> memref<128x128xf32, #tpu.memory_space<vmem>>
        %dma_start3A_258 = arith.constant 0 : i32
        %dma_start3A_259 = tpu.memref_slice %arg6[%run_scoped3A_242, %dma_start3A_258] : memref<16x128xi32, #tpu.memory_space<vmem>> -> memref<1x128xi32, #tpu.memory_space<vmem>>
        %dma_start3A_260 = tpu.memref_squeeze %dma_start3A_259 : memref<1x128xi32, #tpu.memory_space<vmem>> -> memref<128xi32, #tpu.memory_space<vmem>>
        %dma_start3A_261 = arith.constant 0 : i32
        %dma_start3A_262 = arith.constant 0 : i32
        %dma_start3A_263 = tpu.memref_slice %arg8[%dma_start3A_261, %dma_start3A_262] : memref<10240x128xf32, #tpu.memory_space<vmem_shared>> -> memref<10240x128xf32, #tpu.memory_space<vmem_shared>>
        tpu.enqueue_indirect_dma source(%dma_start3A_257 : memref<128x128xf32, #tpu.memory_space<vmem>>) target(%dma_start3A_263 : memref<10240x128xf32, #tpu.memory_space<vmem_shared>>) offsets(%dma_start3A_260 : memref<128xi32, #tpu.memory_space<vmem>>) semaphore(%run_scoped3A_254 : memref<!tpu.dma_semaphore, #tpu.memory_space<semaphore_mem>>) {add = true}
        %dma_wait3A_264 = arith.constant 0 : i32
        %dma_wait3A_265 = arith.constant 0 : i32
        %dma_wait3A_266 = tpu.memref_slice %arg7[%dma_wait3A_264, %dma_wait3A_265] : memref<256x128xf32, #tpu.memory_space<vmem>> -> memref<128x128xf32, #tpu.memory_space<vmem>>
        %dma_wait3A_267 = arith.constant 0 : i32
        %dma_wait3A_268 = tpu.memref_slice %arg6[%run_scoped3A_242, %dma_wait3A_267] : memref<16x128xi32, #tpu.memory_space<vmem>> -> memref<1x128xi32, #tpu.memory_space<vmem>>
        %dma_wait3A_269 = tpu.memref_squeeze %dma_wait3A_268 : memref<1x128xi32, #tpu.memory_space<vmem>> -> memref<128xi32, #tpu.memory_space<vmem>>
        %dma_wait3A_270 = arith.constant 0 : i32
        %dma_wait3A_271 = arith.constant 0 : i32
        %dma_wait3A_272 = tpu.memref_slice %arg8[%dma_wait3A_270, %dma_wait3A_271] : memref<10240x128xf32, #tpu.memory_space<vmem_shared>> -> memref<10240x128xf32, #tpu.memory_space<vmem_shared>>
        tpu.wait_indirect_dma semaphore(%run_scoped3A_254 : memref<!tpu.dma_semaphore, #tpu.memory_space<semaphore_mem>>) src(%dma_wait3A_266 : memref<128x128xf32, #tpu.memory_space<vmem>>) dst(%dma_wait3A_272 : memref<10240x128xf32, #tpu.memory_space<vmem_shared>>)
        tpu.yield
      }) : () -> ()
      %dma_wait3A_243 = arith.constant 128 : i32
      %dma_wait3A_244 = arith.constant 0 : i32
      %dma_wait3A_245 = tpu.memref_slice %arg7[%dma_wait3A_243, %dma_wait3A_244] : memref<256x128xf32, #tpu.memory_space<vmem>> -> memref<128x128xf32, #tpu.memory_space<vmem>>
      %dma_wait3A_246 = arith.constant 0 : i32
      %dma_wait3A_247 = tpu.memref_slice %arg2[%mul3A_221, %dma_wait3A_246] : memref<327680x128xf32, #tpu.memory_space<hbm>> -> memref<128x128xf32, #tpu.memory_space<hbm>>
      %dma_wait3A_248 = arith.constant 128 : i32
      %dma_wait3A_249 = arith.constant 0 : i32
      %dma_wait3A_250 = tpu.memref_slice %arg7[%dma_wait3A_248, %dma_wait3A_249] : memref<256x128xf32, #tpu.memory_space<vmem>> -> memref<128x128xf32, #tpu.memory_space<vmem>>
      %dma_wait3A_251 = arith.constant 0 : i32
      %dma_wait3A_252 = tpu.memref_slice %arg2[%mul3A_221, %dma_wait3A_251] : memref<327680x128xf32, #tpu.memory_space<hbm>> -> memref<128x128xf32, #tpu.memory_space<hbm>>
      tpu.wait_dma2 semaphore(%arg10 : memref<!tpu.dma_semaphore, #tpu.memory_space<semaphore_mem>>) src(%dma_wait3A_252 : memref<128x128xf32, #tpu.memory_space<hbm>>) dst(%dma_wait3A_250 : memref<128x128xf32, #tpu.memory_space<vmem>>)
      %run_scoped3A_253 = arith.constant 15 : i32
      "tpu.region"() ({
        %run_scoped3A_254 = tpu.sem_alloc : memref<!tpu.dma_semaphore, #tpu.memory_space<semaphore_mem>>
        %dma_start3A_255 = arith.constant 128 : i32
        %dma_start3A_256 = arith.constant 0 : i32
        %dma_start3A_257 = tpu.memref_slice %arg7[%dma_start3A_255, %dma_start3A_256] : memref<256x128xf32, #tpu.memory_space<vmem>> -> memref<128x128xf32, #tpu.memory_space<vmem>>
        %dma_start3A_258 = arith.constant 0 : i32
        %dma_start3A_259 = tpu.memref_slice %arg6[%run_scoped3A_253, %dma_start3A_258] : memref<16x128xi32, #tpu.memory_space<vmem>> -> memref<1x128xi32, #tpu.memory_space<vmem>>
        %dma_start3A_260 = tpu.memref_squeeze %dma_start3A_259 : memref<1x128xi32, #tpu.memory_space<vmem>> -> memref<128xi32, #tpu.memory_space<vmem>>
        %dma_start3A_261 = arith.constant 0 : i32
        %dma_start3A_262 = arith.constant 0 : i32
        %dma_start3A_263 = tpu.memref_slice %arg8[%dma_start3A_261, %dma_start3A_262] : memref<10240x128xf32, #tpu.memory_space<vmem_shared>> -> memref<10240x128xf32, #tpu.memory_space<vmem_shared>>
        tpu.enqueue_indirect_dma source(%dma_start3A_257 : memref<128x128xf32, #tpu.memory_space<vmem>>) target(%dma_start3A_263 : memref<10240x128xf32, #tpu.memory_space<vmem_shared>>) offsets(%dma_start3A_260 : memref<128xi32, #tpu.memory_space<vmem>>) semaphore(%run_scoped3A_254 : memref<!tpu.dma_semaphore, #tpu.memory_space<semaphore_mem>>) {add = true}
        %dma_wait3A_264 = arith.constant 128 : i32
        %dma_wait3A_265 = arith.constant 0 : i32
        %dma_wait3A_266 = tpu.memref_slice %arg7[%dma_wait3A_264, %dma_wait3A_265] : memref<256x128xf32, #tpu.memory_space<vmem>> -> memref<128x128xf32, #tpu.memory_space<vmem>>
        %dma_wait3A_267 = arith.constant 0 : i32
        %dma_wait3A_268 = tpu.memref_slice %arg6[%run_scoped3A_253, %dma_wait3A_267] : memref<16x128xi32, #tpu.memory_space<vmem>> -> memref<1x128xi32, #tpu.memory_space<vmem>>
        %dma_wait3A_269 = tpu.memref_squeeze %dma_wait3A_268 : memref<1x128xi32, #tpu.memory_space<vmem>> -> memref<128xi32, #tpu.memory_space<vmem>>
        %dma_wait3A_270 = arith.constant 0 : i32
        %dma_wait3A_271 = arith.constant 0 : i32
        %dma_wait3A_272 = tpu.memref_slice %arg8[%dma_wait3A_270, %dma_wait3A_271] : memref<10240x128xf32, #tpu.memory_space<vmem_shared>> -> memref<10240x128xf32, #tpu.memory_space<vmem_shared>>
        tpu.wait_indirect_dma semaphore(%run_scoped3A_254 : memref<!tpu.dma_semaphore, #tpu.memory_space<semaphore_mem>>) src(%dma_wait3A_266 : memref<128x128xf32, #tpu.memory_space<vmem>>) dst(%dma_wait3A_272 : memref<10240x128xf32, #tpu.memory_space<vmem_shared>>)
        tpu.yield
      }) : () -> ()
    }
    %scan3A_7 = arith.constant 10 : i32
    %barrier3A_8 = arith.constant 0 : index
    tpu.barrier barrier_id(%barrier3A_8)
    "tpu.region"() ({
      %run_scoped3A = tpu.sem_alloc : memref<!tpu.dma_semaphore, #tpu.memory_space<semaphore_mem>>
      %dma_start3A = arith.constant 0 : i32
      %dma_start3A_9 = tpu.memref_slice %arg5[%arg0, %mul3A_2, %dma_start3A] : memref<2x10240x128xf32, #tpu.memory_space<hbm>> -> memref<1x640x128xf32, #tpu.memory_space<hbm>>
      %dma_start3A_10 = tpu.memref_squeeze %dma_start3A_9 : memref<1x640x128xf32, #tpu.memory_space<hbm>> -> memref<640x128xf32, #tpu.memory_space<hbm>>
      %dma_start3A_11 = arith.constant 0 : i32
      %dma_start3A_12 = tpu.memref_slice %arg8[%mul3A_2, %dma_start3A_11] : memref<10240x128xf32, #tpu.memory_space<vmem_shared>> -> memref<640x128xf32, #tpu.memory_space<vmem_shared>>
      tpu.enqueue_dma source(%dma_start3A_12 : memref<640x128xf32, #tpu.memory_space<vmem_shared>>) target(%dma_start3A_10 : memref<640x128xf32, #tpu.memory_space<hbm>>) target_semaphore(%run_scoped3A : memref<!tpu.dma_semaphore, #tpu.memory_space<semaphore_mem>>)
      %dma_wait3A = arith.constant 0 : i32
      %dma_wait3A_13 = tpu.memref_slice %arg5[%arg0, %mul3A_2, %dma_wait3A] : memref<2x10240x128xf32, #tpu.memory_space<hbm>> -> memref<1x640x128xf32, #tpu.memory_space<hbm>>
      %dma_wait3A_14 = tpu.memref_squeeze %dma_wait3A_13 : memref<1x640x128xf32, #tpu.memory_space<hbm>> -> memref<640x128xf32, #tpu.memory_space<hbm>>
      %dma_wait3A_15 = arith.constant 0 : i32
      %dma_wait3A_16 = tpu.memref_slice %arg8[%mul3A_2, %dma_wait3A_15] : memref<10240x128xf32, #tpu.memory_space<vmem_shared>> -> memref<640x128xf32, #tpu.memory_space<vmem_shared>>
      tpu.wait_dma2 semaphore(%run_scoped3A : memref<!tpu.dma_semaphore, #tpu.memory_space<semaphore_mem>>) src(%dma_wait3A_16 : memref<640x128xf32, #tpu.memory_space<vmem_shared>>) dst(%dma_wait3A_14 : memref<640x128xf32, #tpu.memory_space<hbm>>)
      tpu.yield
    }) : () -> ()
    return
  }
}

#map = affine_map<(d0, d1) -> (0, 0)>
#map1 = affine_map<(d0, d1) -> (0, 0, 0)>
module attributes {stable_mosaic.version = 14 : i64} {
  func.func @_sc_h_body(%arg0: i32, %arg1: i32, %arg2: memref<10000x128xf32, #tpu.memory_space<hbm>>, %arg3: memref<5120x128xi32, #tpu.memory_space<hbm>>, %arg4: memref<10240x128xf32, #tpu.memory_space<hbm>>, %arg5: memref<2x10240x128xf32, #tpu.memory_space<hbm>>, %arg6: memref<16x128xi32, #tpu.memory_space<vmem>>, %arg7: memref<256x128xf32, #tpu.memory_space<vmem>>, %arg8: memref<10240x128xf32, #tpu.memory_space<vmem_shared>>, %arg9: memref<!tpu.dma_semaphore, #tpu.memory_space<semaphore_mem>>, %arg10: memref<!tpu.dma_semaphore, #tpu.memory_space<semaphore_mem>>) attributes {dimension_semantics = [#tpu.dimension_semantics<core_parallel>, #tpu.dimension_semantics<subcore_parallel>], iteration_bounds = array<i64: 2, 16>, scalar_prefetch = 0 : i64, scratch_operands = 5 : i64, tpu.core_type = #tpu.core_type<sc_vector_subcore>, window_params = [{transform_indices = #map}, {transform_indices = #map}, {transform_indices = #map}, {transform_indices = #map1}]} {
    %mul3A = arith.constant 16 : i32
    %mul3A_0 = arith.muli %arg0, %mul3A : i32
    %add3A = arith.addi %mul3A_0, %arg1 : i32
    %mul3A_1 = arith.constant 640 : i32
    %mul3A_2 = arith.muli %arg1, %mul3A_1 : i32
    "tpu.region"() ({
      %run_scoped3A = tpu.sem_alloc : memref<!tpu.dma_semaphore, #tpu.memory_space<semaphore_mem>>
      %dma_start3A = arith.constant 0 : i32
      %dma_start3A_9 = tpu.memref_slice %arg8[%mul3A_2, %dma_start3A] : memref<10240x128xf32, #tpu.memory_space<vmem_shared>> -> memref<640x128xf32, #tpu.memory_space<vmem_shared>>
      %dma_start3A_10 = arith.constant 0 : i32
      %dma_start3A_11 = tpu.memref_slice %arg4[%mul3A_2, %dma_start3A_10] : memref<10240x128xf32, #tpu.memory_space<hbm>> -> memref<640x128xf32, #tpu.memory_space<hbm>>
      tpu.enqueue_dma source(%dma_start3A_11 : memref<640x128xf32, #tpu.memory_space<hbm>>) target(%dma_start3A_9 : memref<640x128xf32, #tpu.memory_space<vmem_shared>>) target_semaphore(%run_scoped3A : memref<!tpu.dma_semaphore, #tpu.memory_space<semaphore_mem>>)
      %dma_wait3A = arith.constant 0 : i32
      %dma_wait3A_12 = tpu.memref_slice %arg8[%mul3A_2, %dma_wait3A] : memref<10240x128xf32, #tpu.memory_space<vmem_shared>> -> memref<640x128xf32, #tpu.memory_space<vmem_shared>>
      %dma_wait3A_13 = arith.constant 0 : i32
      %dma_wait3A_14 = tpu.memref_slice %arg4[%mul3A_2, %dma_wait3A_13] : memref<10240x128xf32, #tpu.memory_space<hbm>> -> memref<640x128xf32, #tpu.memory_space<hbm>>
      tpu.wait_dma2 semaphore(%run_scoped3A : memref<!tpu.dma_semaphore, #tpu.memory_space<semaphore_mem>>) src(%dma_wait3A_14 : memref<640x128xf32, #tpu.memory_space<hbm>>) dst(%dma_wait3A_12 : memref<640x128xf32, #tpu.memory_space<vmem_shared>>)
      tpu.yield
    }) : () -> ()
    %barrier3A = arith.constant 0 : index
    tpu.barrier barrier_id(%barrier3A)
    %scan3A = arith.constant 0 : i32
    %scan3A_3 = arith.constant 0 : i32
    %scan3A_4 = arith.constant 10 : i32
    %scan3A_5 = arith.addi %scan3A_3, %scan3A_4 : i32
    %scan3A_6 = arith.constant 1 : i32
    scf.for %scan3A_9 = %scan3A_3 to %scan3A_5 step %scan3A_6  : i32 {
      %mul3A_10 = arith.constant 80 : i32
      %mul3A_11 = arith.muli %add3A, %mul3A_10 : i32
      %mul3A_12 = arith.constant 8 : i32
      %mul3A_13 = arith.muli %scan3A_9, %mul3A_12 : i32
      %add3A_14 = arith.addi %mul3A_11, %mul3A_13 : i32
      %mul3A_15 = arith.constant 2 : i32
      %mul3A_16 = arith.muli %add3A_14, %mul3A_15 : i32
      "tpu.region"() ({
        %run_scoped3A_182 = tpu.sem_alloc : memref<!tpu.dma_semaphore, #tpu.memory_space<semaphore_mem>>
        %dma_start3A_183 = arith.constant 0 : i32
        %dma_start3A_184 = tpu.memref_slice %arg3[%mul3A_16, %dma_start3A_183] : memref<5120x128xi32, #tpu.memory_space<hbm>> -> memref<16x128xi32, #tpu.memory_space<hbm>>
        %dma_start3A_185 = arith.constant 0 : i32
        %dma_start3A_186 = tpu.memref_slice %arg3[%mul3A_16, %dma_start3A_185] : memref<5120x128xi32, #tpu.memory_space<hbm>> -> memref<16x128xi32, #tpu.memory_space<hbm>>
        tpu.enqueue_dma source(%dma_start3A_186 : memref<16x128xi32, #tpu.memory_space<hbm>>) target(%arg6 : memref<16x128xi32, #tpu.memory_space<vmem>>) target_semaphore(%run_scoped3A_182 : memref<!tpu.dma_semaphore, #tpu.memory_space<semaphore_mem>>)
        %dma_wait3A_187 = arith.constant 0 : i32
        %dma_wait3A_188 = tpu.memref_slice %arg3[%mul3A_16, %dma_wait3A_187] : memref<5120x128xi32, #tpu.memory_space<hbm>> -> memref<16x128xi32, #tpu.memory_space<hbm>>
        %dma_wait3A_189 = arith.constant 0 : i32
        %dma_wait3A_190 = tpu.memref_slice %arg3[%mul3A_16, %dma_wait3A_189] : memref<5120x128xi32, #tpu.memory_space<hbm>> -> memref<16x128xi32, #tpu.memory_space<hbm>>
        tpu.wait_dma2 semaphore(%run_scoped3A_182 : memref<!tpu.dma_semaphore, #tpu.memory_space<semaphore_mem>>) src(%dma_wait3A_190 : memref<16x128xi32, #tpu.memory_space<hbm>>) dst(%arg6 : memref<16x128xi32, #tpu.memory_space<vmem>>)
        tpu.yield
      }) : () -> ()
      %dma_start3A = arith.constant 0 : i32
      %dma_start3A_17 = arith.constant 0 : i32
      %dma_start3A_18 = arith.constant 0 : i32
      %dma_start3A_19 = tpu.memref_slice %arg7[%dma_start3A_17, %dma_start3A_18] : memref<256x128xf32, #tpu.memory_space<vmem>> -> memref<128x128xf32, #tpu.memory_space<vmem>>
      %dma_start3A_20 = arith.constant 0 : i32
      %dma_start3A_21 = tpu.memref_slice %arg6[%dma_start3A, %dma_start3A_20] : memref<16x128xi32, #tpu.memory_space<vmem>> -> memref<1x128xi32, #tpu.memory_space<vmem>>
      %dma_start3A_22 = tpu.memref_squeeze %dma_start3A_21 : memref<1x128xi32, #tpu.memory_space<vmem>> -> memref<128xi32, #tpu.memory_space<vmem>>
      %dma_start3A_23 = arith.constant 0 : i32
      %dma_start3A_24 = arith.constant 0 : i32
      %dma_start3A_25 = tpu.memref_slice %arg2[%dma_start3A_23, %dma_start3A_24] : memref<10000x128xf32, #tpu.memory_space<hbm>> -> memref<10000x128xf32, #tpu.memory_space<hbm>>
      tpu.enqueue_indirect_dma source(%dma_start3A_25 : memref<10000x128xf32, #tpu.memory_space<hbm>>) target(%dma_start3A_19 : memref<128x128xf32, #tpu.memory_space<vmem>>) offsets(%dma_start3A_22 : memref<128xi32, #tpu.memory_space<vmem>>) semaphore(%arg9 : memref<!tpu.dma_semaphore, #tpu.memory_space<semaphore_mem>>)
      %dma_start3A_26 = arith.constant 2 : i32
      %dma_start3A_27 = arith.constant 128 : i32
      %dma_start3A_28 = arith.constant 0 : i32
      %dma_start3A_29 = tpu.memref_slice %arg7[%dma_start3A_27, %dma_start3A_28] : memref<256x128xf32, #tpu.memory_space<vmem>> -> memref<128x128xf32, #tpu.memory_space<vmem>>
      %dma_start3A_30 = arith.constant 0 : i32
      %dma_start3A_31 = tpu.memref_slice %arg6[%dma_start3A_26, %dma_start3A_30] : memref<16x128xi32, #tpu.memory_space<vmem>> -> memref<1x128xi32, #tpu.memory_space<vmem>>
      %dma_start3A_32 = tpu.memref_squeeze %dma_start3A_31 : memref<1x128xi32, #tpu.memory_space<vmem>> -> memref<128xi32, #tpu.memory_space<vmem>>
      %dma_start3A_33 = arith.constant 0 : i32
      %dma_start3A_34 = arith.constant 0 : i32
      %dma_start3A_35 = tpu.memref_slice %arg2[%dma_start3A_33, %dma_start3A_34] : memref<10000x128xf32, #tpu.memory_space<hbm>> -> memref<10000x128xf32, #tpu.memory_space<hbm>>
      tpu.enqueue_indirect_dma source(%dma_start3A_35 : memref<10000x128xf32, #tpu.memory_space<hbm>>) target(%dma_start3A_29 : memref<128x128xf32, #tpu.memory_space<vmem>>) offsets(%dma_start3A_32 : memref<128xi32, #tpu.memory_space<vmem>>) semaphore(%arg10 : memref<!tpu.dma_semaphore, #tpu.memory_space<semaphore_mem>>)
      %dma_wait3A = arith.constant 0 : i32
      %dma_wait3A_36 = arith.constant 0 : i32
      %dma_wait3A_37 = arith.constant 0 : i32
      %dma_wait3A_38 = tpu.memref_slice %arg7[%dma_wait3A_36, %dma_wait3A_37] : memref<256x128xf32, #tpu.memory_space<vmem>> -> memref<128x128xf32, #tpu.memory_space<vmem>>
      %dma_wait3A_39 = arith.constant 0 : i32
      %dma_wait3A_40 = tpu.memref_slice %arg6[%dma_wait3A, %dma_wait3A_39] : memref<16x128xi32, #tpu.memory_space<vmem>> -> memref<1x128xi32, #tpu.memory_space<vmem>>
      %dma_wait3A_41 = tpu.memref_squeeze %dma_wait3A_40 : memref<1x128xi32, #tpu.memory_space<vmem>> -> memref<128xi32, #tpu.memory_space<vmem>>
      %dma_wait3A_42 = arith.constant 0 : i32
      %dma_wait3A_43 = arith.constant 0 : i32
      %dma_wait3A_44 = tpu.memref_slice %arg2[%dma_wait3A_42, %dma_wait3A_43] : memref<10000x128xf32, #tpu.memory_space<hbm>> -> memref<10000x128xf32, #tpu.memory_space<hbm>>
      tpu.wait_indirect_dma semaphore(%arg9 : memref<!tpu.dma_semaphore, #tpu.memory_space<semaphore_mem>>) src(%dma_wait3A_44 : memref<10000x128xf32, #tpu.memory_space<hbm>>) dst(%dma_wait3A_38 : memref<128x128xf32, #tpu.memory_space<vmem>>)
      %run_scoped3A = arith.constant 1 : i32
      "tpu.region"() ({
        %run_scoped3A_182 = tpu.sem_alloc : memref<!tpu.dma_semaphore, #tpu.memory_space<semaphore_mem>>
        %dma_start3A_183 = arith.constant 0 : i32
        %dma_start3A_184 = arith.constant 0 : i32
        %dma_start3A_185 = tpu.memref_slice %arg7[%dma_start3A_183, %dma_start3A_184] : memref<256x128xf32, #tpu.memory_space<vmem>> -> memref<128x128xf32, #tpu.memory_space<vmem>>
        %dma_start3A_186 = arith.constant 0 : i32
        %dma_start3A_187 = tpu.memref_slice %arg6[%run_scoped3A, %dma_start3A_186] : memref<16x128xi32, #tpu.memory_space<vmem>> -> memref<1x128xi32, #tpu.memory_space<vmem>>
        %dma_start3A_188 = tpu.memref_squeeze %dma_start3A_187 : memref<1x128xi32, #tpu.memory_space<vmem>> -> memref<128xi32, #tpu.memory_space<vmem>>
        %dma_start3A_189 = arith.constant 0 : i32
        %dma_start3A_190 = arith.constant 0 : i32
        %dma_start3A_191 = tpu.memref_slice %arg8[%dma_start3A_189, %dma_start3A_190] : memref<10240x128xf32, #tpu.memory_space<vmem_shared>> -> memref<10240x128xf32, #tpu.memory_space<vmem_shared>>
        tpu.enqueue_indirect_dma source(%dma_start3A_185 : memref<128x128xf32, #tpu.memory_space<vmem>>) target(%dma_start3A_191 : memref<10240x128xf32, #tpu.memory_space<vmem_shared>>) offsets(%dma_start3A_188 : memref<128xi32, #tpu.memory_space<vmem>>) semaphore(%run_scoped3A_182 : memref<!tpu.dma_semaphore, #tpu.memory_space<semaphore_mem>>) {add = true}
        %dma_wait3A_192 = arith.constant 0 : i32
        %dma_wait3A_193 = arith.constant 0 : i32
        %dma_wait3A_194 = tpu.memref_slice %arg7[%dma_wait3A_192, %dma_wait3A_193] : memref<256x128xf32, #tpu.memory_space<vmem>> -> memref<128x128xf32, #tpu.memory_space<vmem>>
        %dma_wait3A_195 = arith.constant 0 : i32
        %dma_wait3A_196 = tpu.memref_slice %arg6[%run_scoped3A, %dma_wait3A_195] : memref<16x128xi32, #tpu.memory_space<vmem>> -> memref<1x128xi32, #tpu.memory_space<vmem>>
        %dma_wait3A_197 = tpu.memref_squeeze %dma_wait3A_196 : memref<1x128xi32, #tpu.memory_space<vmem>> -> memref<128xi32, #tpu.memory_space<vmem>>
        %dma_wait3A_198 = arith.constant 0 : i32
        %dma_wait3A_199 = arith.constant 0 : i32
        %dma_wait3A_200 = tpu.memref_slice %arg8[%dma_wait3A_198, %dma_wait3A_199] : memref<10240x128xf32, #tpu.memory_space<vmem_shared>> -> memref<10240x128xf32, #tpu.memory_space<vmem_shared>>
        tpu.wait_indirect_dma semaphore(%run_scoped3A_182 : memref<!tpu.dma_semaphore, #tpu.memory_space<semaphore_mem>>) src(%dma_wait3A_194 : memref<128x128xf32, #tpu.memory_space<vmem>>) dst(%dma_wait3A_200 : memref<10240x128xf32, #tpu.memory_space<vmem_shared>>)
        tpu.yield
      }) : () -> ()
      %dma_start3A_45 = arith.constant 4 : i32
      %dma_start3A_46 = arith.constant 0 : i32
      %dma_start3A_47 = arith.constant 0 : i32
      %dma_start3A_48 = tpu.memref_slice %arg7[%dma_start3A_46, %dma_start3A_47] : memref<256x128xf32, #tpu.memory_space<vmem>> -> memref<128x128xf32, #tpu.memory_space<vmem>>
      %dma_start3A_49 = arith.constant 0 : i32
      %dma_start3A_50 = tpu.memref_slice %arg6[%dma_start3A_45, %dma_start3A_49] : memref<16x128xi32, #tpu.memory_space<vmem>> -> memref<1x128xi32, #tpu.memory_space<vmem>>
      %dma_start3A_51 = tpu.memref_squeeze %dma_start3A_50 : memref<1x128xi32, #tpu.memory_space<vmem>> -> memref<128xi32, #tpu.memory_space<vmem>>
      %dma_start3A_52 = arith.constant 0 : i32
      %dma_start3A_53 = arith.constant 0 : i32
      %dma_start3A_54 = tpu.memref_slice %arg2[%dma_start3A_52, %dma_start3A_53] : memref<10000x128xf32, #tpu.memory_space<hbm>> -> memref<10000x128xf32, #tpu.memory_space<hbm>>
      tpu.enqueue_indirect_dma source(%dma_start3A_54 : memref<10000x128xf32, #tpu.memory_space<hbm>>) target(%dma_start3A_48 : memref<128x128xf32, #tpu.memory_space<vmem>>) offsets(%dma_start3A_51 : memref<128xi32, #tpu.memory_space<vmem>>) semaphore(%arg9 : memref<!tpu.dma_semaphore, #tpu.memory_space<semaphore_mem>>)
      %dma_wait3A_55 = arith.constant 2 : i32
      %dma_wait3A_56 = arith.constant 128 : i32
      %dma_wait3A_57 = arith.constant 0 : i32
      %dma_wait3A_58 = tpu.memref_slice %arg7[%dma_wait3A_56, %dma_wait3A_57] : memref<256x128xf32, #tpu.memory_space<vmem>> -> memref<128x128xf32, #tpu.memory_space<vmem>>
      %dma_wait3A_59 = arith.constant 0 : i32
      %dma_wait3A_60 = tpu.memref_slice %arg6[%dma_wait3A_55, %dma_wait3A_59] : memref<16x128xi32, #tpu.memory_space<vmem>> -> memref<1x128xi32, #tpu.memory_space<vmem>>
      %dma_wait3A_61 = tpu.memref_squeeze %dma_wait3A_60 : memref<1x128xi32, #tpu.memory_space<vmem>> -> memref<128xi32, #tpu.memory_space<vmem>>
      %dma_wait3A_62 = arith.constant 0 : i32
      %dma_wait3A_63 = arith.constant 0 : i32
      %dma_wait3A_64 = tpu.memref_slice %arg2[%dma_wait3A_62, %dma_wait3A_63] : memref<10000x128xf32, #tpu.memory_space<hbm>> -> memref<10000x128xf32, #tpu.memory_space<hbm>>
      tpu.wait_indirect_dma semaphore(%arg10 : memref<!tpu.dma_semaphore, #tpu.memory_space<semaphore_mem>>) src(%dma_wait3A_64 : memref<10000x128xf32, #tpu.memory_space<hbm>>) dst(%dma_wait3A_58 : memref<128x128xf32, #tpu.memory_space<vmem>>)
      %run_scoped3A_65 = arith.constant 3 : i32
      "tpu.region"() ({
        %run_scoped3A_182 = tpu.sem_alloc : memref<!tpu.dma_semaphore, #tpu.memory_space<semaphore_mem>>
        %dma_start3A_183 = arith.constant 128 : i32
        %dma_start3A_184 = arith.constant 0 : i32
        %dma_start3A_185 = tpu.memref_slice %arg7[%dma_start3A_183, %dma_start3A_184] : memref<256x128xf32, #tpu.memory_space<vmem>> -> memref<128x128xf32, #tpu.memory_space<vmem>>
        %dma_start3A_186 = arith.constant 0 : i32
        %dma_start3A_187 = tpu.memref_slice %arg6[%run_scoped3A_65, %dma_start3A_186] : memref<16x128xi32, #tpu.memory_space<vmem>> -> memref<1x128xi32, #tpu.memory_space<vmem>>
        %dma_start3A_188 = tpu.memref_squeeze %dma_start3A_187 : memref<1x128xi32, #tpu.memory_space<vmem>> -> memref<128xi32, #tpu.memory_space<vmem>>
        %dma_start3A_189 = arith.constant 0 : i32
        %dma_start3A_190 = arith.constant 0 : i32
        %dma_start3A_191 = tpu.memref_slice %arg8[%dma_start3A_189, %dma_start3A_190] : memref<10240x128xf32, #tpu.memory_space<vmem_shared>> -> memref<10240x128xf32, #tpu.memory_space<vmem_shared>>
        tpu.enqueue_indirect_dma source(%dma_start3A_185 : memref<128x128xf32, #tpu.memory_space<vmem>>) target(%dma_start3A_191 : memref<10240x128xf32, #tpu.memory_space<vmem_shared>>) offsets(%dma_start3A_188 : memref<128xi32, #tpu.memory_space<vmem>>) semaphore(%run_scoped3A_182 : memref<!tpu.dma_semaphore, #tpu.memory_space<semaphore_mem>>) {add = true}
        %dma_wait3A_192 = arith.constant 128 : i32
        %dma_wait3A_193 = arith.constant 0 : i32
        %dma_wait3A_194 = tpu.memref_slice %arg7[%dma_wait3A_192, %dma_wait3A_193] : memref<256x128xf32, #tpu.memory_space<vmem>> -> memref<128x128xf32, #tpu.memory_space<vmem>>
        %dma_wait3A_195 = arith.constant 0 : i32
        %dma_wait3A_196 = tpu.memref_slice %arg6[%run_scoped3A_65, %dma_wait3A_195] : memref<16x128xi32, #tpu.memory_space<vmem>> -> memref<1x128xi32, #tpu.memory_space<vmem>>
        %dma_wait3A_197 = tpu.memref_squeeze %dma_wait3A_196 : memref<1x128xi32, #tpu.memory_space<vmem>> -> memref<128xi32, #tpu.memory_space<vmem>>
        %dma_wait3A_198 = arith.constant 0 : i32
        %dma_wait3A_199 = arith.constant 0 : i32
        %dma_wait3A_200 = tpu.memref_slice %arg8[%dma_wait3A_198, %dma_wait3A_199] : memref<10240x128xf32, #tpu.memory_space<vmem_shared>> -> memref<10240x128xf32, #tpu.memory_space<vmem_shared>>
        tpu.wait_indirect_dma semaphore(%run_scoped3A_182 : memref<!tpu.dma_semaphore, #tpu.memory_space<semaphore_mem>>) src(%dma_wait3A_194 : memref<128x128xf32, #tpu.memory_space<vmem>>) dst(%dma_wait3A_200 : memref<10240x128xf32, #tpu.memory_space<vmem_shared>>)
        tpu.yield
      }) : () -> ()
      %dma_start3A_66 = arith.constant 6 : i32
      %dma_start3A_67 = arith.constant 128 : i32
      %dma_start3A_68 = arith.constant 0 : i32
      %dma_start3A_69 = tpu.memref_slice %arg7[%dma_start3A_67, %dma_start3A_68] : memref<256x128xf32, #tpu.memory_space<vmem>> -> memref<128x128xf32, #tpu.memory_space<vmem>>
      %dma_start3A_70 = arith.constant 0 : i32
      %dma_start3A_71 = tpu.memref_slice %arg6[%dma_start3A_66, %dma_start3A_70] : memref<16x128xi32, #tpu.memory_space<vmem>> -> memref<1x128xi32, #tpu.memory_space<vmem>>
      %dma_start3A_72 = tpu.memref_squeeze %dma_start3A_71 : memref<1x128xi32, #tpu.memory_space<vmem>> -> memref<128xi32, #tpu.memory_space<vmem>>
      %dma_start3A_73 = arith.constant 0 : i32
      %dma_start3A_74 = arith.constant 0 : i32
      %dma_start3A_75 = tpu.memref_slice %arg2[%dma_start3A_73, %dma_start3A_74] : memref<10000x128xf32, #tpu.memory_space<hbm>> -> memref<10000x128xf32, #tpu.memory_space<hbm>>
      tpu.enqueue_indirect_dma source(%dma_start3A_75 : memref<10000x128xf32, #tpu.memory_space<hbm>>) target(%dma_start3A_69 : memref<128x128xf32, #tpu.memory_space<vmem>>) offsets(%dma_start3A_72 : memref<128xi32, #tpu.memory_space<vmem>>) semaphore(%arg10 : memref<!tpu.dma_semaphore, #tpu.memory_space<semaphore_mem>>)
      %dma_wait3A_76 = arith.constant 4 : i32
      %dma_wait3A_77 = arith.constant 0 : i32
      %dma_wait3A_78 = arith.constant 0 : i32
      %dma_wait3A_79 = tpu.memref_slice %arg7[%dma_wait3A_77, %dma_wait3A_78] : memref<256x128xf32, #tpu.memory_space<vmem>> -> memref<128x128xf32, #tpu.memory_space<vmem>>
      %dma_wait3A_80 = arith.constant 0 : i32
      %dma_wait3A_81 = tpu.memref_slice %arg6[%dma_wait3A_76, %dma_wait3A_80] : memref<16x128xi32, #tpu.memory_space<vmem>> -> memref<1x128xi32, #tpu.memory_space<vmem>>
      %dma_wait3A_82 = tpu.memref_squeeze %dma_wait3A_81 : memref<1x128xi32, #tpu.memory_space<vmem>> -> memref<128xi32, #tpu.memory_space<vmem>>
      %dma_wait3A_83 = arith.constant 0 : i32
      %dma_wait3A_84 = arith.constant 0 : i32
      %dma_wait3A_85 = tpu.memref_slice %arg2[%dma_wait3A_83, %dma_wait3A_84] : memref<10000x128xf32, #tpu.memory_space<hbm>> -> memref<10000x128xf32, #tpu.memory_space<hbm>>
      tpu.wait_indirect_dma semaphore(%arg9 : memref<!tpu.dma_semaphore, #tpu.memory_space<semaphore_mem>>) src(%dma_wait3A_85 : memref<10000x128xf32, #tpu.memory_space<hbm>>) dst(%dma_wait3A_79 : memref<128x128xf32, #tpu.memory_space<vmem>>)
      %run_scoped3A_86 = arith.constant 5 : i32
      "tpu.region"() ({
        %run_scoped3A_182 = tpu.sem_alloc : memref<!tpu.dma_semaphore, #tpu.memory_space<semaphore_mem>>
        %dma_start3A_183 = arith.constant 0 : i32
        %dma_start3A_184 = arith.constant 0 : i32
        %dma_start3A_185 = tpu.memref_slice %arg7[%dma_start3A_183, %dma_start3A_184] : memref<256x128xf32, #tpu.memory_space<vmem>> -> memref<128x128xf32, #tpu.memory_space<vmem>>
        %dma_start3A_186 = arith.constant 0 : i32
        %dma_start3A_187 = tpu.memref_slice %arg6[%run_scoped3A_86, %dma_start3A_186] : memref<16x128xi32, #tpu.memory_space<vmem>> -> memref<1x128xi32, #tpu.memory_space<vmem>>
        %dma_start3A_188 = tpu.memref_squeeze %dma_start3A_187 : memref<1x128xi32, #tpu.memory_space<vmem>> -> memref<128xi32, #tpu.memory_space<vmem>>
        %dma_start3A_189 = arith.constant 0 : i32
        %dma_start3A_190 = arith.constant 0 : i32
        %dma_start3A_191 = tpu.memref_slice %arg8[%dma_start3A_189, %dma_start3A_190] : memref<10240x128xf32, #tpu.memory_space<vmem_shared>> -> memref<10240x128xf32, #tpu.memory_space<vmem_shared>>
        tpu.enqueue_indirect_dma source(%dma_start3A_185 : memref<128x128xf32, #tpu.memory_space<vmem>>) target(%dma_start3A_191 : memref<10240x128xf32, #tpu.memory_space<vmem_shared>>) offsets(%dma_start3A_188 : memref<128xi32, #tpu.memory_space<vmem>>) semaphore(%run_scoped3A_182 : memref<!tpu.dma_semaphore, #tpu.memory_space<semaphore_mem>>) {add = true}
        %dma_wait3A_192 = arith.constant 0 : i32
        %dma_wait3A_193 = arith.constant 0 : i32
        %dma_wait3A_194 = tpu.memref_slice %arg7[%dma_wait3A_192, %dma_wait3A_193] : memref<256x128xf32, #tpu.memory_space<vmem>> -> memref<128x128xf32, #tpu.memory_space<vmem>>
        %dma_wait3A_195 = arith.constant 0 : i32
        %dma_wait3A_196 = tpu.memref_slice %arg6[%run_scoped3A_86, %dma_wait3A_195] : memref<16x128xi32, #tpu.memory_space<vmem>> -> memref<1x128xi32, #tpu.memory_space<vmem>>
        %dma_wait3A_197 = tpu.memref_squeeze %dma_wait3A_196 : memref<1x128xi32, #tpu.memory_space<vmem>> -> memref<128xi32, #tpu.memory_space<vmem>>
        %dma_wait3A_198 = arith.constant 0 : i32
        %dma_wait3A_199 = arith.constant 0 : i32
        %dma_wait3A_200 = tpu.memref_slice %arg8[%dma_wait3A_198, %dma_wait3A_199] : memref<10240x128xf32, #tpu.memory_space<vmem_shared>> -> memref<10240x128xf32, #tpu.memory_space<vmem_shared>>
        tpu.wait_indirect_dma semaphore(%run_scoped3A_182 : memref<!tpu.dma_semaphore, #tpu.memory_space<semaphore_mem>>) src(%dma_wait3A_194 : memref<128x128xf32, #tpu.memory_space<vmem>>) dst(%dma_wait3A_200 : memref<10240x128xf32, #tpu.memory_space<vmem_shared>>)
        tpu.yield
      }) : () -> ()
      %dma_start3A_87 = arith.constant 8 : i32
      %dma_start3A_88 = arith.constant 0 : i32
      %dma_start3A_89 = arith.constant 0 : i32
      %dma_start3A_90 = tpu.memref_slice %arg7[%dma_start3A_88, %dma_start3A_89] : memref<256x128xf32, #tpu.memory_space<vmem>> -> memref<128x128xf32, #tpu.memory_space<vmem>>
      %dma_start3A_91 = arith.constant 0 : i32
      %dma_start3A_92 = tpu.memref_slice %arg6[%dma_start3A_87, %dma_start3A_91] : memref<16x128xi32, #tpu.memory_space<vmem>> -> memref<1x128xi32, #tpu.memory_space<vmem>>
      %dma_start3A_93 = tpu.memref_squeeze %dma_start3A_92 : memref<1x128xi32, #tpu.memory_space<vmem>> -> memref<128xi32, #tpu.memory_space<vmem>>
      %dma_start3A_94 = arith.constant 0 : i32
      %dma_start3A_95 = arith.constant 0 : i32
      %dma_start3A_96 = tpu.memref_slice %arg2[%dma_start3A_94, %dma_start3A_95] : memref<10000x128xf32, #tpu.memory_space<hbm>> -> memref<10000x128xf32, #tpu.memory_space<hbm>>
      tpu.enqueue_indirect_dma source(%dma_start3A_96 : memref<10000x128xf32, #tpu.memory_space<hbm>>) target(%dma_start3A_90 : memref<128x128xf32, #tpu.memory_space<vmem>>) offsets(%dma_start3A_93 : memref<128xi32, #tpu.memory_space<vmem>>) semaphore(%arg9 : memref<!tpu.dma_semaphore, #tpu.memory_space<semaphore_mem>>)
      %dma_wait3A_97 = arith.constant 6 : i32
      %dma_wait3A_98 = arith.constant 128 : i32
      %dma_wait3A_99 = arith.constant 0 : i32
      %dma_wait3A_100 = tpu.memref_slice %arg7[%dma_wait3A_98, %dma_wait3A_99] : memref<256x128xf32, #tpu.memory_space<vmem>> -> memref<128x128xf32, #tpu.memory_space<vmem>>
      %dma_wait3A_101 = arith.constant 0 : i32
      %dma_wait3A_102 = tpu.memref_slice %arg6[%dma_wait3A_97, %dma_wait3A_101] : memref<16x128xi32, #tpu.memory_space<vmem>> -> memref<1x128xi32, #tpu.memory_space<vmem>>
      %dma_wait3A_103 = tpu.memref_squeeze %dma_wait3A_102 : memref<1x128xi32, #tpu.memory_space<vmem>> -> memref<128xi32, #tpu.memory_space<vmem>>
      %dma_wait3A_104 = arith.constant 0 : i32
      %dma_wait3A_105 = arith.constant 0 : i32
      %dma_wait3A_106 = tpu.memref_slice %arg2[%dma_wait3A_104, %dma_wait3A_105] : memref<10000x128xf32, #tpu.memory_space<hbm>> -> memref<10000x128xf32, #tpu.memory_space<hbm>>
      tpu.wait_indirect_dma semaphore(%arg10 : memref<!tpu.dma_semaphore, #tpu.memory_space<semaphore_mem>>) src(%dma_wait3A_106 : memref<10000x128xf32, #tpu.memory_space<hbm>>) dst(%dma_wait3A_100 : memref<128x128xf32, #tpu.memory_space<vmem>>)
      %run_scoped3A_107 = arith.constant 7 : i32
      "tpu.region"() ({
        %run_scoped3A_182 = tpu.sem_alloc : memref<!tpu.dma_semaphore, #tpu.memory_space<semaphore_mem>>
        %dma_start3A_183 = arith.constant 128 : i32
        %dma_start3A_184 = arith.constant 0 : i32
        %dma_start3A_185 = tpu.memref_slice %arg7[%dma_start3A_183, %dma_start3A_184] : memref<256x128xf32, #tpu.memory_space<vmem>> -> memref<128x128xf32, #tpu.memory_space<vmem>>
        %dma_start3A_186 = arith.constant 0 : i32
        %dma_start3A_187 = tpu.memref_slice %arg6[%run_scoped3A_107, %dma_start3A_186] : memref<16x128xi32, #tpu.memory_space<vmem>> -> memref<1x128xi32, #tpu.memory_space<vmem>>
        %dma_start3A_188 = tpu.memref_squeeze %dma_start3A_187 : memref<1x128xi32, #tpu.memory_space<vmem>> -> memref<128xi32, #tpu.memory_space<vmem>>
        %dma_start3A_189 = arith.constant 0 : i32
        %dma_start3A_190 = arith.constant 0 : i32
        %dma_start3A_191 = tpu.memref_slice %arg8[%dma_start3A_189, %dma_start3A_190] : memref<10240x128xf32, #tpu.memory_space<vmem_shared>> -> memref<10240x128xf32, #tpu.memory_space<vmem_shared>>
        tpu.enqueue_indirect_dma source(%dma_start3A_185 : memref<128x128xf32, #tpu.memory_space<vmem>>) target(%dma_start3A_191 : memref<10240x128xf32, #tpu.memory_space<vmem_shared>>) offsets(%dma_start3A_188 : memref<128xi32, #tpu.memory_space<vmem>>) semaphore(%run_scoped3A_182 : memref<!tpu.dma_semaphore, #tpu.memory_space<semaphore_mem>>) {add = true}
        %dma_wait3A_192 = arith.constant 128 : i32
        %dma_wait3A_193 = arith.constant 0 : i32
        %dma_wait3A_194 = tpu.memref_slice %arg7[%dma_wait3A_192, %dma_wait3A_193] : memref<256x128xf32, #tpu.memory_space<vmem>> -> memref<128x128xf32, #tpu.memory_space<vmem>>
        %dma_wait3A_195 = arith.constant 0 : i32
        %dma_wait3A_196 = tpu.memref_slice %arg6[%run_scoped3A_107, %dma_wait3A_195] : memref<16x128xi32, #tpu.memory_space<vmem>> -> memref<1x128xi32, #tpu.memory_space<vmem>>
        %dma_wait3A_197 = tpu.memref_squeeze %dma_wait3A_196 : memref<1x128xi32, #tpu.memory_space<vmem>> -> memref<128xi32, #tpu.memory_space<vmem>>
        %dma_wait3A_198 = arith.constant 0 : i32
        %dma_wait3A_199 = arith.constant 0 : i32
        %dma_wait3A_200 = tpu.memref_slice %arg8[%dma_wait3A_198, %dma_wait3A_199] : memref<10240x128xf32, #tpu.memory_space<vmem_shared>> -> memref<10240x128xf32, #tpu.memory_space<vmem_shared>>
        tpu.wait_indirect_dma semaphore(%run_scoped3A_182 : memref<!tpu.dma_semaphore, #tpu.memory_space<semaphore_mem>>) src(%dma_wait3A_194 : memref<128x128xf32, #tpu.memory_space<vmem>>) dst(%dma_wait3A_200 : memref<10240x128xf32, #tpu.memory_space<vmem_shared>>)
        tpu.yield
      }) : () -> ()
      %dma_start3A_108 = arith.constant 10 : i32
      %dma_start3A_109 = arith.constant 128 : i32
      %dma_start3A_110 = arith.constant 0 : i32
      %dma_start3A_111 = tpu.memref_slice %arg7[%dma_start3A_109, %dma_start3A_110] : memref<256x128xf32, #tpu.memory_space<vmem>> -> memref<128x128xf32, #tpu.memory_space<vmem>>
      %dma_start3A_112 = arith.constant 0 : i32
      %dma_start3A_113 = tpu.memref_slice %arg6[%dma_start3A_108, %dma_start3A_112] : memref<16x128xi32, #tpu.memory_space<vmem>> -> memref<1x128xi32, #tpu.memory_space<vmem>>
      %dma_start3A_114 = tpu.memref_squeeze %dma_start3A_113 : memref<1x128xi32, #tpu.memory_space<vmem>> -> memref<128xi32, #tpu.memory_space<vmem>>
      %dma_start3A_115 = arith.constant 0 : i32
      %dma_start3A_116 = arith.constant 0 : i32
      %dma_start3A_117 = tpu.memref_slice %arg2[%dma_start3A_115, %dma_start3A_116] : memref<10000x128xf32, #tpu.memory_space<hbm>> -> memref<10000x128xf32, #tpu.memory_space<hbm>>
      tpu.enqueue_indirect_dma source(%dma_start3A_117 : memref<10000x128xf32, #tpu.memory_space<hbm>>) target(%dma_start3A_111 : memref<128x128xf32, #tpu.memory_space<vmem>>) offsets(%dma_start3A_114 : memref<128xi32, #tpu.memory_space<vmem>>) semaphore(%arg10 : memref<!tpu.dma_semaphore, #tpu.memory_space<semaphore_mem>>)
      %dma_wait3A_118 = arith.constant 8 : i32
      %dma_wait3A_119 = arith.constant 0 : i32
      %dma_wait3A_120 = arith.constant 0 : i32
      %dma_wait3A_121 = tpu.memref_slice %arg7[%dma_wait3A_119, %dma_wait3A_120] : memref<256x128xf32, #tpu.memory_space<vmem>> -> memref<128x128xf32, #tpu.memory_space<vmem>>
      %dma_wait3A_122 = arith.constant 0 : i32
      %dma_wait3A_123 = tpu.memref_slice %arg6[%dma_wait3A_118, %dma_wait3A_122] : memref<16x128xi32, #tpu.memory_space<vmem>> -> memref<1x128xi32, #tpu.memory_space<vmem>>
      %dma_wait3A_124 = tpu.memref_squeeze %dma_wait3A_123 : memref<1x128xi32, #tpu.memory_space<vmem>> -> memref<128xi32, #tpu.memory_space<vmem>>
      %dma_wait3A_125 = arith.constant 0 : i32
      %dma_wait3A_126 = arith.constant 0 : i32
      %dma_wait3A_127 = tpu.memref_slice %arg2[%dma_wait3A_125, %dma_wait3A_126] : memref<10000x128xf32, #tpu.memory_space<hbm>> -> memref<10000x128xf32, #tpu.memory_space<hbm>>
      tpu.wait_indirect_dma semaphore(%arg9 : memref<!tpu.dma_semaphore, #tpu.memory_space<semaphore_mem>>) src(%dma_wait3A_127 : memref<10000x128xf32, #tpu.memory_space<hbm>>) dst(%dma_wait3A_121 : memref<128x128xf32, #tpu.memory_space<vmem>>)
      %run_scoped3A_128 = arith.constant 9 : i32
      "tpu.region"() ({
        %run_scoped3A_182 = tpu.sem_alloc : memref<!tpu.dma_semaphore, #tpu.memory_space<semaphore_mem>>
        %dma_start3A_183 = arith.constant 0 : i32
        %dma_start3A_184 = arith.constant 0 : i32
        %dma_start3A_185 = tpu.memref_slice %arg7[%dma_start3A_183, %dma_start3A_184] : memref<256x128xf32, #tpu.memory_space<vmem>> -> memref<128x128xf32, #tpu.memory_space<vmem>>
        %dma_start3A_186 = arith.constant 0 : i32
        %dma_start3A_187 = tpu.memref_slice %arg6[%run_scoped3A_128, %dma_start3A_186] : memref<16x128xi32, #tpu.memory_space<vmem>> -> memref<1x128xi32, #tpu.memory_space<vmem>>
        %dma_start3A_188 = tpu.memref_squeeze %dma_start3A_187 : memref<1x128xi32, #tpu.memory_space<vmem>> -> memref<128xi32, #tpu.memory_space<vmem>>
        %dma_start3A_189 = arith.constant 0 : i32
        %dma_start3A_190 = arith.constant 0 : i32
        %dma_start3A_191 = tpu.memref_slice %arg8[%dma_start3A_189, %dma_start3A_190] : memref<10240x128xf32, #tpu.memory_space<vmem_shared>> -> memref<10240x128xf32, #tpu.memory_space<vmem_shared>>
        tpu.enqueue_indirect_dma source(%dma_start3A_185 : memref<128x128xf32, #tpu.memory_space<vmem>>) target(%dma_start3A_191 : memref<10240x128xf32, #tpu.memory_space<vmem_shared>>) offsets(%dma_start3A_188 : memref<128xi32, #tpu.memory_space<vmem>>) semaphore(%run_scoped3A_182 : memref<!tpu.dma_semaphore, #tpu.memory_space<semaphore_mem>>) {add = true}
        %dma_wait3A_192 = arith.constant 0 : i32
        %dma_wait3A_193 = arith.constant 0 : i32
        %dma_wait3A_194 = tpu.memref_slice %arg7[%dma_wait3A_192, %dma_wait3A_193] : memref<256x128xf32, #tpu.memory_space<vmem>> -> memref<128x128xf32, #tpu.memory_space<vmem>>
        %dma_wait3A_195 = arith.constant 0 : i32
        %dma_wait3A_196 = tpu.memref_slice %arg6[%run_scoped3A_128, %dma_wait3A_195] : memref<16x128xi32, #tpu.memory_space<vmem>> -> memref<1x128xi32, #tpu.memory_space<vmem>>
        %dma_wait3A_197 = tpu.memref_squeeze %dma_wait3A_196 : memref<1x128xi32, #tpu.memory_space<vmem>> -> memref<128xi32, #tpu.memory_space<vmem>>
        %dma_wait3A_198 = arith.constant 0 : i32
        %dma_wait3A_199 = arith.constant 0 : i32
        %dma_wait3A_200 = tpu.memref_slice %arg8[%dma_wait3A_198, %dma_wait3A_199] : memref<10240x128xf32, #tpu.memory_space<vmem_shared>> -> memref<10240x128xf32, #tpu.memory_space<vmem_shared>>
        tpu.wait_indirect_dma semaphore(%run_scoped3A_182 : memref<!tpu.dma_semaphore, #tpu.memory_space<semaphore_mem>>) src(%dma_wait3A_194 : memref<128x128xf32, #tpu.memory_space<vmem>>) dst(%dma_wait3A_200 : memref<10240x128xf32, #tpu.memory_space<vmem_shared>>)
        tpu.yield
      }) : () -> ()
      %dma_start3A_129 = arith.constant 12 : i32
      %dma_start3A_130 = arith.constant 0 : i32
      %dma_start3A_131 = arith.constant 0 : i32
      %dma_start3A_132 = tpu.memref_slice %arg7[%dma_start3A_130, %dma_start3A_131] : memref<256x128xf32, #tpu.memory_space<vmem>> -> memref<128x128xf32, #tpu.memory_space<vmem>>
      %dma_start3A_133 = arith.constant 0 : i32
      %dma_start3A_134 = tpu.memref_slice %arg6[%dma_start3A_129, %dma_start3A_133] : memref<16x128xi32, #tpu.memory_space<vmem>> -> memref<1x128xi32, #tpu.memory_space<vmem>>
      %dma_start3A_135 = tpu.memref_squeeze %dma_start3A_134 : memref<1x128xi32, #tpu.memory_space<vmem>> -> memref<128xi32, #tpu.memory_space<vmem>>
      %dma_start3A_136 = arith.constant 0 : i32
      %dma_start3A_137 = arith.constant 0 : i32
      %dma_start3A_138 = tpu.memref_slice %arg2[%dma_start3A_136, %dma_start3A_137] : memref<10000x128xf32, #tpu.memory_space<hbm>> -> memref<10000x128xf32, #tpu.memory_space<hbm>>
      tpu.enqueue_indirect_dma source(%dma_start3A_138 : memref<10000x128xf32, #tpu.memory_space<hbm>>) target(%dma_start3A_132 : memref<128x128xf32, #tpu.memory_space<vmem>>) offsets(%dma_start3A_135 : memref<128xi32, #tpu.memory_space<vmem>>) semaphore(%arg9 : memref<!tpu.dma_semaphore, #tpu.memory_space<semaphore_mem>>)
      %dma_wait3A_139 = arith.constant 10 : i32
      %dma_wait3A_140 = arith.constant 128 : i32
      %dma_wait3A_141 = arith.constant 0 : i32
      %dma_wait3A_142 = tpu.memref_slice %arg7[%dma_wait3A_140, %dma_wait3A_141] : memref<256x128xf32, #tpu.memory_space<vmem>> -> memref<128x128xf32, #tpu.memory_space<vmem>>
      %dma_wait3A_143 = arith.constant 0 : i32
      %dma_wait3A_144 = tpu.memref_slice %arg6[%dma_wait3A_139, %dma_wait3A_143] : memref<16x128xi32, #tpu.memory_space<vmem>> -> memref<1x128xi32, #tpu.memory_space<vmem>>
      %dma_wait3A_145 = tpu.memref_squeeze %dma_wait3A_144 : memref<1x128xi32, #tpu.memory_space<vmem>> -> memref<128xi32, #tpu.memory_space<vmem>>
      %dma_wait3A_146 = arith.constant 0 : i32
      %dma_wait3A_147 = arith.constant 0 : i32
      %dma_wait3A_148 = tpu.memref_slice %arg2[%dma_wait3A_146, %dma_wait3A_147] : memref<10000x128xf32, #tpu.memory_space<hbm>> -> memref<10000x128xf32, #tpu.memory_space<hbm>>
      tpu.wait_indirect_dma semaphore(%arg10 : memref<!tpu.dma_semaphore, #tpu.memory_space<semaphore_mem>>) src(%dma_wait3A_148 : memref<10000x128xf32, #tpu.memory_space<hbm>>) dst(%dma_wait3A_142 : memref<128x128xf32, #tpu.memory_space<vmem>>)
      %run_scoped3A_149 = arith.constant 11 : i32
      "tpu.region"() ({
        %run_scoped3A_182 = tpu.sem_alloc : memref<!tpu.dma_semaphore, #tpu.memory_space<semaphore_mem>>
        %dma_start3A_183 = arith.constant 128 : i32
        %dma_start3A_184 = arith.constant 0 : i32
        %dma_start3A_185 = tpu.memref_slice %arg7[%dma_start3A_183, %dma_start3A_184] : memref<256x128xf32, #tpu.memory_space<vmem>> -> memref<128x128xf32, #tpu.memory_space<vmem>>
        %dma_start3A_186 = arith.constant 0 : i32
        %dma_start3A_187 = tpu.memref_slice %arg6[%run_scoped3A_149, %dma_start3A_186] : memref<16x128xi32, #tpu.memory_space<vmem>> -> memref<1x128xi32, #tpu.memory_space<vmem>>
        %dma_start3A_188 = tpu.memref_squeeze %dma_start3A_187 : memref<1x128xi32, #tpu.memory_space<vmem>> -> memref<128xi32, #tpu.memory_space<vmem>>
        %dma_start3A_189 = arith.constant 0 : i32
        %dma_start3A_190 = arith.constant 0 : i32
        %dma_start3A_191 = tpu.memref_slice %arg8[%dma_start3A_189, %dma_start3A_190] : memref<10240x128xf32, #tpu.memory_space<vmem_shared>> -> memref<10240x128xf32, #tpu.memory_space<vmem_shared>>
        tpu.enqueue_indirect_dma source(%dma_start3A_185 : memref<128x128xf32, #tpu.memory_space<vmem>>) target(%dma_start3A_191 : memref<10240x128xf32, #tpu.memory_space<vmem_shared>>) offsets(%dma_start3A_188 : memref<128xi32, #tpu.memory_space<vmem>>) semaphore(%run_scoped3A_182 : memref<!tpu.dma_semaphore, #tpu.memory_space<semaphore_mem>>) {add = true}
        %dma_wait3A_192 = arith.constant 128 : i32
        %dma_wait3A_193 = arith.constant 0 : i32
        %dma_wait3A_194 = tpu.memref_slice %arg7[%dma_wait3A_192, %dma_wait3A_193] : memref<256x128xf32, #tpu.memory_space<vmem>> -> memref<128x128xf32, #tpu.memory_space<vmem>>
        %dma_wait3A_195 = arith.constant 0 : i32
        %dma_wait3A_196 = tpu.memref_slice %arg6[%run_scoped3A_149, %dma_wait3A_195] : memref<16x128xi32, #tpu.memory_space<vmem>> -> memref<1x128xi32, #tpu.memory_space<vmem>>
        %dma_wait3A_197 = tpu.memref_squeeze %dma_wait3A_196 : memref<1x128xi32, #tpu.memory_space<vmem>> -> memref<128xi32, #tpu.memory_space<vmem>>
        %dma_wait3A_198 = arith.constant 0 : i32
        %dma_wait3A_199 = arith.constant 0 : i32
        %dma_wait3A_200 = tpu.memref_slice %arg8[%dma_wait3A_198, %dma_wait3A_199] : memref<10240x128xf32, #tpu.memory_space<vmem_shared>> -> memref<10240x128xf32, #tpu.memory_space<vmem_shared>>
        tpu.wait_indirect_dma semaphore(%run_scoped3A_182 : memref<!tpu.dma_semaphore, #tpu.memory_space<semaphore_mem>>) src(%dma_wait3A_194 : memref<128x128xf32, #tpu.memory_space<vmem>>) dst(%dma_wait3A_200 : memref<10240x128xf32, #tpu.memory_space<vmem_shared>>)
        tpu.yield
      }) : () -> ()
      %dma_start3A_150 = arith.constant 14 : i32
      %dma_start3A_151 = arith.constant 128 : i32
      %dma_start3A_152 = arith.constant 0 : i32
      %dma_start3A_153 = tpu.memref_slice %arg7[%dma_start3A_151, %dma_start3A_152] : memref<256x128xf32, #tpu.memory_space<vmem>> -> memref<128x128xf32, #tpu.memory_space<vmem>>
      %dma_start3A_154 = arith.constant 0 : i32
      %dma_start3A_155 = tpu.memref_slice %arg6[%dma_start3A_150, %dma_start3A_154] : memref<16x128xi32, #tpu.memory_space<vmem>> -> memref<1x128xi32, #tpu.memory_space<vmem>>
      %dma_start3A_156 = tpu.memref_squeeze %dma_start3A_155 : memref<1x128xi32, #tpu.memory_space<vmem>> -> memref<128xi32, #tpu.memory_space<vmem>>
      %dma_start3A_157 = arith.constant 0 : i32
      %dma_start3A_158 = arith.constant 0 : i32
      %dma_start3A_159 = tpu.memref_slice %arg2[%dma_start3A_157, %dma_start3A_158] : memref<10000x128xf32, #tpu.memory_space<hbm>> -> memref<10000x128xf32, #tpu.memory_space<hbm>>
      tpu.enqueue_indirect_dma source(%dma_start3A_159 : memref<10000x128xf32, #tpu.memory_space<hbm>>) target(%dma_start3A_153 : memref<128x128xf32, #tpu.memory_space<vmem>>) offsets(%dma_start3A_156 : memref<128xi32, #tpu.memory_space<vmem>>) semaphore(%arg10 : memref<!tpu.dma_semaphore, #tpu.memory_space<semaphore_mem>>)
      %dma_wait3A_160 = arith.constant 12 : i32
      %dma_wait3A_161 = arith.constant 0 : i32
      %dma_wait3A_162 = arith.constant 0 : i32
      %dma_wait3A_163 = tpu.memref_slice %arg7[%dma_wait3A_161, %dma_wait3A_162] : memref<256x128xf32, #tpu.memory_space<vmem>> -> memref<128x128xf32, #tpu.memory_space<vmem>>
      %dma_wait3A_164 = arith.constant 0 : i32
      %dma_wait3A_165 = tpu.memref_slice %arg6[%dma_wait3A_160, %dma_wait3A_164] : memref<16x128xi32, #tpu.memory_space<vmem>> -> memref<1x128xi32, #tpu.memory_space<vmem>>
      %dma_wait3A_166 = tpu.memref_squeeze %dma_wait3A_165 : memref<1x128xi32, #tpu.memory_space<vmem>> -> memref<128xi32, #tpu.memory_space<vmem>>
      %dma_wait3A_167 = arith.constant 0 : i32
      %dma_wait3A_168 = arith.constant 0 : i32
      %dma_wait3A_169 = tpu.memref_slice %arg2[%dma_wait3A_167, %dma_wait3A_168] : memref<10000x128xf32, #tpu.memory_space<hbm>> -> memref<10000x128xf32, #tpu.memory_space<hbm>>
      tpu.wait_indirect_dma semaphore(%arg9 : memref<!tpu.dma_semaphore, #tpu.memory_space<semaphore_mem>>) src(%dma_wait3A_169 : memref<10000x128xf32, #tpu.memory_space<hbm>>) dst(%dma_wait3A_163 : memref<128x128xf32, #tpu.memory_space<vmem>>)
      %run_scoped3A_170 = arith.constant 13 : i32
      "tpu.region"() ({
        %run_scoped3A_182 = tpu.sem_alloc : memref<!tpu.dma_semaphore, #tpu.memory_space<semaphore_mem>>
        %dma_start3A_183 = arith.constant 0 : i32
        %dma_start3A_184 = arith.constant 0 : i32
        %dma_start3A_185 = tpu.memref_slice %arg7[%dma_start3A_183, %dma_start3A_184] : memref<256x128xf32, #tpu.memory_space<vmem>> -> memref<128x128xf32, #tpu.memory_space<vmem>>
        %dma_start3A_186 = arith.constant 0 : i32
        %dma_start3A_187 = tpu.memref_slice %arg6[%run_scoped3A_170, %dma_start3A_186] : memref<16x128xi32, #tpu.memory_space<vmem>> -> memref<1x128xi32, #tpu.memory_space<vmem>>
        %dma_start3A_188 = tpu.memref_squeeze %dma_start3A_187 : memref<1x128xi32, #tpu.memory_space<vmem>> -> memref<128xi32, #tpu.memory_space<vmem>>
        %dma_start3A_189 = arith.constant 0 : i32
        %dma_start3A_190 = arith.constant 0 : i32
        %dma_start3A_191 = tpu.memref_slice %arg8[%dma_start3A_189, %dma_start3A_190] : memref<10240x128xf32, #tpu.memory_space<vmem_shared>> -> memref<10240x128xf32, #tpu.memory_space<vmem_shared>>
        tpu.enqueue_indirect_dma source(%dma_start3A_185 : memref<128x128xf32, #tpu.memory_space<vmem>>) target(%dma_start3A_191 : memref<10240x128xf32, #tpu.memory_space<vmem_shared>>) offsets(%dma_start3A_188 : memref<128xi32, #tpu.memory_space<vmem>>) semaphore(%run_scoped3A_182 : memref<!tpu.dma_semaphore, #tpu.memory_space<semaphore_mem>>) {add = true}
        %dma_wait3A_192 = arith.constant 0 : i32
        %dma_wait3A_193 = arith.constant 0 : i32
        %dma_wait3A_194 = tpu.memref_slice %arg7[%dma_wait3A_192, %dma_wait3A_193] : memref<256x128xf32, #tpu.memory_space<vmem>> -> memref<128x128xf32, #tpu.memory_space<vmem>>
        %dma_wait3A_195 = arith.constant 0 : i32
        %dma_wait3A_196 = tpu.memref_slice %arg6[%run_scoped3A_170, %dma_wait3A_195] : memref<16x128xi32, #tpu.memory_space<vmem>> -> memref<1x128xi32, #tpu.memory_space<vmem>>
        %dma_wait3A_197 = tpu.memref_squeeze %dma_wait3A_196 : memref<1x128xi32, #tpu.memory_space<vmem>> -> memref<128xi32, #tpu.memory_space<vmem>>
        %dma_wait3A_198 = arith.constant 0 : i32
        %dma_wait3A_199 = arith.constant 0 : i32
        %dma_wait3A_200 = tpu.memref_slice %arg8[%dma_wait3A_198, %dma_wait3A_199] : memref<10240x128xf32, #tpu.memory_space<vmem_shared>> -> memref<10240x128xf32, #tpu.memory_space<vmem_shared>>
        tpu.wait_indirect_dma semaphore(%run_scoped3A_182 : memref<!tpu.dma_semaphore, #tpu.memory_space<semaphore_mem>>) src(%dma_wait3A_194 : memref<128x128xf32, #tpu.memory_space<vmem>>) dst(%dma_wait3A_200 : memref<10240x128xf32, #tpu.memory_space<vmem_shared>>)
        tpu.yield
      }) : () -> ()
      %dma_wait3A_171 = arith.constant 14 : i32
      %dma_wait3A_172 = arith.constant 128 : i32
      %dma_wait3A_173 = arith.constant 0 : i32
      %dma_wait3A_174 = tpu.memref_slice %arg7[%dma_wait3A_172, %dma_wait3A_173] : memref<256x128xf32, #tpu.memory_space<vmem>> -> memref<128x128xf32, #tpu.memory_space<vmem>>
      %dma_wait3A_175 = arith.constant 0 : i32
      %dma_wait3A_176 = tpu.memref_slice %arg6[%dma_wait3A_171, %dma_wait3A_175] : memref<16x128xi32, #tpu.memory_space<vmem>> -> memref<1x128xi32, #tpu.memory_space<vmem>>
      %dma_wait3A_177 = tpu.memref_squeeze %dma_wait3A_176 : memref<1x128xi32, #tpu.memory_space<vmem>> -> memref<128xi32, #tpu.memory_space<vmem>>
      %dma_wait3A_178 = arith.constant 0 : i32
      %dma_wait3A_179 = arith.constant 0 : i32
      %dma_wait3A_180 = tpu.memref_slice %arg2[%dma_wait3A_178, %dma_wait3A_179] : memref<10000x128xf32, #tpu.memory_space<hbm>> -> memref<10000x128xf32, #tpu.memory_space<hbm>>
      tpu.wait_indirect_dma semaphore(%arg10 : memref<!tpu.dma_semaphore, #tpu.memory_space<semaphore_mem>>) src(%dma_wait3A_180 : memref<10000x128xf32, #tpu.memory_space<hbm>>) dst(%dma_wait3A_174 : memref<128x128xf32, #tpu.memory_space<vmem>>)
      %run_scoped3A_181 = arith.constant 15 : i32
      "tpu.region"() ({
        %run_scoped3A_182 = tpu.sem_alloc : memref<!tpu.dma_semaphore, #tpu.memory_space<semaphore_mem>>
        %dma_start3A_183 = arith.constant 128 : i32
        %dma_start3A_184 = arith.constant 0 : i32
        %dma_start3A_185 = tpu.memref_slice %arg7[%dma_start3A_183, %dma_start3A_184] : memref<256x128xf32, #tpu.memory_space<vmem>> -> memref<128x128xf32, #tpu.memory_space<vmem>>
        %dma_start3A_186 = arith.constant 0 : i32
        %dma_start3A_187 = tpu.memref_slice %arg6[%run_scoped3A_181, %dma_start3A_186] : memref<16x128xi32, #tpu.memory_space<vmem>> -> memref<1x128xi32, #tpu.memory_space<vmem>>
        %dma_start3A_188 = tpu.memref_squeeze %dma_start3A_187 : memref<1x128xi32, #tpu.memory_space<vmem>> -> memref<128xi32, #tpu.memory_space<vmem>>
        %dma_start3A_189 = arith.constant 0 : i32
        %dma_start3A_190 = arith.constant 0 : i32
        %dma_start3A_191 = tpu.memref_slice %arg8[%dma_start3A_189, %dma_start3A_190] : memref<10240x128xf32, #tpu.memory_space<vmem_shared>> -> memref<10240x128xf32, #tpu.memory_space<vmem_shared>>
        tpu.enqueue_indirect_dma source(%dma_start3A_185 : memref<128x128xf32, #tpu.memory_space<vmem>>) target(%dma_start3A_191 : memref<10240x128xf32, #tpu.memory_space<vmem_shared>>) offsets(%dma_start3A_188 : memref<128xi32, #tpu.memory_space<vmem>>) semaphore(%run_scoped3A_182 : memref<!tpu.dma_semaphore, #tpu.memory_space<semaphore_mem>>) {add = true}
        %dma_wait3A_192 = arith.constant 128 : i32
        %dma_wait3A_193 = arith.constant 0 : i32
        %dma_wait3A_194 = tpu.memref_slice %arg7[%dma_wait3A_192, %dma_wait3A_193] : memref<256x128xf32, #tpu.memory_space<vmem>> -> memref<128x128xf32, #tpu.memory_space<vmem>>
        %dma_wait3A_195 = arith.constant 0 : i32
        %dma_wait3A_196 = tpu.memref_slice %arg6[%run_scoped3A_181, %dma_wait3A_195] : memref<16x128xi32, #tpu.memory_space<vmem>> -> memref<1x128xi32, #tpu.memory_space<vmem>>
        %dma_wait3A_197 = tpu.memref_squeeze %dma_wait3A_196 : memref<1x128xi32, #tpu.memory_space<vmem>> -> memref<128xi32, #tpu.memory_space<vmem>>
        %dma_wait3A_198 = arith.constant 0 : i32
        %dma_wait3A_199 = arith.constant 0 : i32
        %dma_wait3A_200 = tpu.memref_slice %arg8[%dma_wait3A_198, %dma_wait3A_199] : memref<10240x128xf32, #tpu.memory_space<vmem_shared>> -> memref<10240x128xf32, #tpu.memory_space<vmem_shared>>
        tpu.wait_indirect_dma semaphore(%run_scoped3A_182 : memref<!tpu.dma_semaphore, #tpu.memory_space<semaphore_mem>>) src(%dma_wait3A_194 : memref<128x128xf32, #tpu.memory_space<vmem>>) dst(%dma_wait3A_200 : memref<10240x128xf32, #tpu.memory_space<vmem_shared>>)
        tpu.yield
      }) : () -> ()
    }
    %scan3A_7 = arith.constant 10 : i32
    %barrier3A_8 = arith.constant 0 : index
    tpu.barrier barrier_id(%barrier3A_8)
    "tpu.region"() ({
      %run_scoped3A = tpu.sem_alloc : memref<!tpu.dma_semaphore, #tpu.memory_space<semaphore_mem>>
      %dma_start3A = arith.constant 0 : i32
      %dma_start3A_9 = tpu.memref_slice %arg5[%arg0, %mul3A_2, %dma_start3A] : memref<2x10240x128xf32, #tpu.memory_space<hbm>> -> memref<1x640x128xf32, #tpu.memory_space<hbm>>
      %dma_start3A_10 = tpu.memref_squeeze %dma_start3A_9 : memref<1x640x128xf32, #tpu.memory_space<hbm>> -> memref<640x128xf32, #tpu.memory_space<hbm>>
      %dma_start3A_11 = arith.constant 0 : i32
      %dma_start3A_12 = tpu.memref_slice %arg8[%mul3A_2, %dma_start3A_11] : memref<10240x128xf32, #tpu.memory_space<vmem_shared>> -> memref<640x128xf32, #tpu.memory_space<vmem_shared>>
      tpu.enqueue_dma source(%dma_start3A_12 : memref<640x128xf32, #tpu.memory_space<vmem_shared>>) target(%dma_start3A_10 : memref<640x128xf32, #tpu.memory_space<hbm>>) target_semaphore(%run_scoped3A : memref<!tpu.dma_semaphore, #tpu.memory_space<semaphore_mem>>)
      %dma_wait3A = arith.constant 0 : i32
      %dma_wait3A_13 = tpu.memref_slice %arg5[%arg0, %mul3A_2, %dma_wait3A] : memref<2x10240x128xf32, #tpu.memory_space<hbm>> -> memref<1x640x128xf32, #tpu.memory_space<hbm>>
      %dma_wait3A_14 = tpu.memref_squeeze %dma_wait3A_13 : memref<1x640x128xf32, #tpu.memory_space<hbm>> -> memref<640x128xf32, #tpu.memory_space<hbm>>
      %dma_wait3A_15 = arith.constant 0 : i32
      %dma_wait3A_16 = tpu.memref_slice %arg8[%mul3A_2, %dma_wait3A_15] : memref<10240x128xf32, #tpu.memory_space<vmem_shared>> -> memref<640x128xf32, #tpu.memory_space<vmem_shared>>
      tpu.wait_dma2 semaphore(%run_scoped3A : memref<!tpu.dma_semaphore, #tpu.memory_space<semaphore_mem>>) src(%dma_wait3A_16 : memref<640x128xf32, #tpu.memory_space<vmem_shared>>) dst(%dma_wait3A_14 : memref<640x128xf32, #tpu.memory_space<hbm>>)
      tpu.yield
    }) : () -> ()
    return
  }
}

module attributes {stable_mosaic.version = 14 : i64} {
  func.func @_proj_body(%arg0: i32, %arg1: memref<400x128xf32, #tpu.memory_space<vmem>>, %arg2: memref<128x128xf32, #tpu.memory_space<vmem>>, %arg3: memref<1x128xf32, #tpu.memory_space<vmem>>, %arg4: memref<400x128xf32, #tpu.memory_space<vmem>>) attributes {dimension_semantics = [#tpu.dimension_semantics<arbitrary>], iteration_bounds = array<i64: 25>, scalar_prefetch = 0 : i64, scratch_operands = 0 : i64, tpu.core_type = #tpu.core_type<tc>, window_params = [{transform_indices = @transform_0, window_bounds = array<i64: 400, 128>}, {pipeline_mode = #tpu.pipeline_mode<synchronous>, transform_indices = @transform_1, window_bounds = array<i64: 128, 128>}, {pipeline_mode = #tpu.pipeline_mode<synchronous>, transform_indices = @transform_2, window_bounds = array<i64: 1, 128>}, {transform_indices = @transform_3, window_bounds = array<i64: 400, 128>}]} {
    %get3A = arith.constant 0 : index
    %get3A_0 = arith.constant 0 : index
    %get3A_1 = vector.load %arg1[%get3A, %get3A_0] : memref<400x128xf32, #tpu.memory_space<vmem>>, vector<400x128xf32>
    %get3A_2 = arith.constant 0 : index
    %get3A_3 = arith.constant 0 : index
    %get3A_4 = vector.load %arg2[%get3A_2, %get3A_3] : memref<128x128xf32, #tpu.memory_space<vmem>>, vector<128x128xf32>
    %dot_general3A = arith.constant dense<0.000000e+00> : vector<400x128xf32>
    %dot_general3A_5 = tpu.matmul %get3A_1, %get3A_4, %dot_general3A {dimension_numbers = #tpu.dot_dimension_numbers<[1], [0], [0], [1], [0, 0, 1, 1], [], []>, transpose_lhs_hint = false} : vector<400x128xf32>, vector<128x128xf32>, vector<400x128xf32> -> vector<400x128xf32>
    %get3A_6 = arith.constant 0 : index
    %get3A_7 = arith.constant 0 : index
    %get3A_8 = vector.load %arg3[%get3A_6, %get3A_7] : memref<1x128xf32, #tpu.memory_space<vmem>>, vector<1x128xf32>
    %add3A = vector.broadcast %get3A_8 : vector<1x128xf32> to vector<400x128xf32>
    %add3A_9 = arith.addf %dot_general3A_5, %add3A : vector<400x128xf32>
    %swap3A = arith.constant 0 : index
    %swap3A_10 = arith.constant 0 : index
    %swap3A_11 = vector.load %arg4[%swap3A, %swap3A_10] : memref<400x128xf32, #tpu.memory_space<vmem>>, vector<400x128xf32>
    tpu.vector_store %arg4[%swap3A, %swap3A_10], %add3A_9 {strides = array<i32>} : memref<400x128xf32, #tpu.memory_space<vmem>>, vector<400x128xf32>,
    return
  }
  func.func @transform_0(%arg0: i32) -> (i32, i32) {
    %c0_i32 = arith.constant 0 : i32
    %c0_i32_0 = arith.constant 0 : i32
    return %arg0, %c0_i32 : i32, i32
  }
  func.func @transform_1(%arg0: i32) -> (i32, i32) {
    %c0_i32 = arith.constant 0 : i32
    %c0_i32_0 = arith.constant 0 : i32
    %c0_i32_1 = arith.constant 0 : i32
    return %c0_i32, %c0_i32_0 : i32, i32
  }
  func.func @transform_2(%arg0: i32) -> (i32, i32) {
    %c0_i32 = arith.constant 0 : i32
    %c0_i32_0 = arith.constant 0 : i32
    %c0_i32_1 = arith.constant 0 : i32
    return %c0_i32, %c0_i32_0 : i32, i32
  }
  func.func @transform_3(%arg0: i32) -> (i32, i32) {
    %c0_i32 = arith.constant 0 : i32
    %c0_i32_0 = arith.constant 0 : i32
    return %arg0, %c0_i32 : i32, i32
  }
}

module attributes {stable_mosaic.version = 14 : i64} {
  func.func @_mix_body(%arg0: i32, %arg1: memref<2x400x128xf32, #tpu.memory_space<vmem>>, %arg2: memref<2x400x128xf32, #tpu.memory_space<vmem>>, %arg3: memref<128x896xf32, #tpu.memory_space<vmem>>, %arg4: memref<128x896xf32, #tpu.memory_space<vmem>>, %arg5: memref<1x896xf32, #tpu.memory_space<vmem>>, %arg6: memref<1x896xf32, #tpu.memory_space<vmem>>, %arg7: memref<1x896xf32, #tpu.memory_space<vmem>>, %arg8: memref<1x896xf32, #tpu.memory_space<vmem>>, %arg9: memref<896x28xf32, #tpu.memory_space<vmem>>, %arg10: memref<28x896xf32, #tpu.memory_space<vmem>>, %arg11: memref<896x128xf32, #tpu.memory_space<vmem>>, %arg12: memref<128x1xf32, #tpu.memory_space<vmem>>, %arg13: memref<400x128xf32, #tpu.memory_space<vmem>>, %arg14: memref<2x128xf32, #tpu.memory_space<vmem>>) attributes {dimension_semantics = [#tpu.dimension_semantics<arbitrary>], iteration_bounds = array<i64: 25>, scalar_prefetch = 0 : i64, scratch_operands = 0 : i64, tpu.core_type = #tpu.core_type<tc>, window_params = [{transform_indices = @transform_0, window_bounds = array<i64: 2, 400, 128>}, {transform_indices = @transform_1, window_bounds = array<i64: 2, 400, 128>}, {pipeline_mode = #tpu.pipeline_mode<synchronous>, transform_indices = @transform_2, window_bounds = array<i64: 128, 896>}, {pipeline_mode = #tpu.pipeline_mode<synchronous>, transform_indices = @transform_3, window_bounds = array<i64: 128, 896>}, {pipeline_mode = #tpu.pipeline_mode<synchronous>, transform_indices = @transform_4, window_bounds = array<i64: 1, 896>}, {pipeline_mode = #tpu.pipeline_mode<synchronous>, transform_indices = @transform_5, window_bounds = array<i64: 1, 896>}, {pipeline_mode = #tpu.pipeline_mode<synchronous>, transform_indices = @transform_6, window_bounds = array<i64: 1, 896>}, {pipeline_mode = #tpu.pipeline_mode<synchronous>, transform_indices = @transform_7, window_bounds = array<i64: 1, 896>}, {pipeline_mode = #tpu.pipeline_mode<synchronous>, transform_indices = @transform_8, window_bounds = array<i64: 896, 28>}, {pipeline_mode = #tpu.pipeline_mode<synchronous>, transform_indices = @transform_9, window_bounds = array<i64: 28, 896>}, {pipeline_mode = #tpu.pipeline_mode<synchronous>, transform_indices = @transform_10, window_bounds = array<i64: 896, 128>}, {pipeline_mode = #tpu.pipeline_mode<synchronous>, transform_indices = @transform_11, window_bounds = array<i64: 128, 1>}, {transform_indices = @transform_12, window_bounds = array<i64: 400, 128>}, {pipeline_mode = #tpu.pipeline_mode<synchronous>, transform_indices = @transform_13, window_bounds = array<i64: 2, 128>}]} {
    %get3A = arith.constant 0 : index
    %get3A_0 = arith.constant 0 : index
    %get3A_1 = arith.constant 0 : index
    %get3A_2 = vector.load %arg1[%get3A, %get3A_0, %get3A_1] : memref<2x400x128xf32, #tpu.memory_space<vmem>>, vector<2x400x128xf32>
    %slice3A = vector.extract_strided_slice %get3A_2 {offsets = [0, 0, 0], sizes = [1, 400, 128], strides = [1, 1, 1]} : vector<2x400x128xf32> to vector<1x400x128xf32>
    %squeeze3A = vector.shape_cast %slice3A : vector<1x400x128xf32> to vector<400x128xf32>
    %slice3A_3 = vector.extract_strided_slice %get3A_2 {offsets = [1, 0, 0], sizes = [1, 400, 128], strides = [1, 1, 1]} : vector<2x400x128xf32> to vector<1x400x128xf32>
    %squeeze3A_4 = vector.shape_cast %slice3A_3 : vector<1x400x128xf32> to vector<400x128xf32>
    %add3A = arith.addf %squeeze3A, %squeeze3A_4 : vector<400x128xf32>
    %get3A_5 = arith.constant 0 : index
    %get3A_6 = arith.constant 0 : index
    %get3A_7 = arith.constant 0 : index
    %get3A_8 = vector.load %arg2[%get3A_5, %get3A_6, %get3A_7] : memref<2x400x128xf32, #tpu.memory_space<vmem>>, vector<2x400x128xf32>
    %slice3A_9 = vector.extract_strided_slice %get3A_8 {offsets = [0, 0, 0], sizes = [1, 400, 128], strides = [1, 1, 1]} : vector<2x400x128xf32> to vector<1x400x128xf32>
    %squeeze3A_10 = vector.shape_cast %slice3A_9 : vector<1x400x128xf32> to vector<400x128xf32>
    %slice3A_11 = vector.extract_strided_slice %get3A_8 {offsets = [1, 0, 0], sizes = [1, 400, 128], strides = [1, 1, 1]} : vector<2x400x128xf32> to vector<1x400x128xf32>
    %squeeze3A_12 = vector.shape_cast %slice3A_11 : vector<1x400x128xf32> to vector<400x128xf32>
    %add3A_13 = arith.addf %squeeze3A_10, %squeeze3A_12 : vector<400x128xf32>
    %get3A_14 = arith.constant 0 : index
    %get3A_15 = arith.constant 0 : index
    %get3A_16 = vector.load %arg12[%get3A_14, %get3A_15] : memref<128x1xf32, #tpu.memory_space<vmem>>, vector<128x1xf32>
    %dot_general3A = arith.constant dense<0.000000e+00> : vector<400x1xf32>
    %dot_general3A_17 = tpu.matmul %add3A_13, %get3A_16, %dot_general3A {dimension_numbers = #tpu.dot_dimension_numbers<[1], [0], [0], [1], [0, 0, 1, 1], [], []>, transpose_lhs_hint = false} : vector<400x128xf32>, vector<128x1xf32>, vector<400x1xf32> -> vector<400x1xf32>
    %max3A = arith.constant 1.000000e+00 : f32
    %max3A_18 = vector.broadcast %max3A : f32 to vector<400x1xf32>
    %max3A_19 = arith.maximumf %dot_general3A_17, %max3A_18 : vector<400x1xf32>
    %div3A = arith.constant 1.000000e+00 : f32
    %div3A_20 = vector.broadcast %div3A : f32 to vector<400x1xf32>
    %div3A_21 = arith.divf %div3A_20, %max3A_19 : vector<400x1xf32>
    %mul3A = vector.broadcast %div3A_21 : vector<400x1xf32> to vector<400x128xf32>
    %mul3A_22 = arith.mulf %add3A, %mul3A : vector<400x128xf32>
    %mul3A_23 = vector.broadcast %div3A_21 : vector<400x1xf32> to vector<400x128xf32>
    %mul3A_24 = arith.mulf %add3A_13, %mul3A_23 : vector<400x128xf32>
    %get3A_25 = arith.constant 0 : index
    %get3A_26 = arith.constant 0 : index
    %get3A_27 = vector.load %arg3[%get3A_25, %get3A_26] : memref<128x896xf32, #tpu.memory_space<vmem>>, vector<128x896xf32>
    %dot_general3A_28 = arith.constant dense<0.000000e+00> : vector<400x896xf32>
    %dot_general3A_29 = tpu.matmul %mul3A_22, %get3A_27, %dot_general3A_28 {dimension_numbers = #tpu.dot_dimension_numbers<[1], [0], [0], [1], [0, 0, 1, 1], [], []>, transpose_lhs_hint = false} : vector<400x128xf32>, vector<128x896xf32>, vector<400x896xf32> -> vector<400x896xf32>
    %get3A_30 = arith.constant 0 : index
    %get3A_31 = arith.constant 0 : index
    %get3A_32 = vector.load %arg4[%get3A_30, %get3A_31] : memref<128x896xf32, #tpu.memory_space<vmem>>, vector<128x896xf32>
    %dot_general3A_33 = arith.constant dense<0.000000e+00> : vector<400x896xf32>
    %dot_general3A_34 = tpu.matmul %mul3A_24, %get3A_32, %dot_general3A_33 {dimension_numbers = #tpu.dot_dimension_numbers<[1], [0], [0], [1], [0, 0, 1, 1], [], []>, transpose_lhs_hint = false} : vector<400x128xf32>, vector<128x896xf32>, vector<400x896xf32> -> vector<400x896xf32>
    %add3A_35 = arith.addf %dot_general3A_29, %dot_general3A_34 : vector<400x896xf32>
    %get3A_36 = arith.constant 0 : index
    %get3A_37 = arith.constant 0 : index
    %get3A_38 = vector.load %arg5[%get3A_36, %get3A_37] : memref<1x896xf32, #tpu.memory_space<vmem>>, vector<1x896xf32>
    %add3A_39 = vector.broadcast %get3A_38 : vector<1x896xf32> to vector<400x896xf32>
    %add3A_40 = arith.addf %add3A_35, %add3A_39 : vector<400x896xf32>
    %get3A_41 = arith.constant 0 : index
    %get3A_42 = arith.constant 0 : index
    %get3A_43 = vector.load %arg9[%get3A_41, %get3A_42] : memref<896x28xf32, #tpu.memory_space<vmem>>, vector<896x28xf32>
    %dot_general3A_44 = arith.constant dense<0.000000e+00> : vector<400x28xf32>
    %dot_general3A_45 = tpu.matmul %add3A_40, %get3A_43, %dot_general3A_44 {dimension_numbers = #tpu.dot_dimension_numbers<[1], [0], [0], [1], [0, 0, 1, 1], [], []>, transpose_lhs_hint = false} : vector<400x896xf32>, vector<896x28xf32>, vector<400x28xf32> -> vector<400x28xf32>
    %mul3A_46 = arith.constant 3.125000e-02 : f32
    %mul3A_47 = vector.broadcast %mul3A_46 : f32 to vector<400x28xf32>
    %mul3A_48 = arith.mulf %dot_general3A_45, %mul3A_47 : vector<400x28xf32>
    %mul3A_49 = arith.mulf %add3A_40, %add3A_40 : vector<400x896xf32>
    %get3A_50 = arith.constant 0 : index
    %get3A_51 = arith.constant 0 : index
    %get3A_52 = vector.load %arg9[%get3A_50, %get3A_51] : memref<896x28xf32, #tpu.memory_space<vmem>>, vector<896x28xf32>
    %dot_general3A_53 = arith.constant dense<0.000000e+00> : vector<400x28xf32>
    %dot_general3A_54 = tpu.matmul %mul3A_49, %get3A_52, %dot_general3A_53 {dimension_numbers = #tpu.dot_dimension_numbers<[1], [0], [0], [1], [0, 0, 1, 1], [], []>, transpose_lhs_hint = false} : vector<400x896xf32>, vector<896x28xf32>, vector<400x28xf32> -> vector<400x28xf32>
    %mul3A_55 = arith.constant 3.125000e-02 : f32
    %mul3A_56 = vector.broadcast %mul3A_55 : f32 to vector<400x28xf32>
    %mul3A_57 = arith.mulf %dot_general3A_54, %mul3A_56 : vector<400x28xf32>
    %get3A_58 = arith.constant 0 : index
    %get3A_59 = arith.constant 0 : index
    %get3A_60 = vector.load %arg10[%get3A_58, %get3A_59] : memref<28x896xf32, #tpu.memory_space<vmem>>, vector<28x896xf32>
    %dot_general3A_61 = arith.constant dense<0.000000e+00> : vector<400x896xf32>
    %dot_general3A_62 = tpu.matmul %mul3A_48, %get3A_60, %dot_general3A_61 {dimension_numbers = #tpu.dot_dimension_numbers<[1], [0], [0], [1], [0, 0, 1, 1], [], []>, transpose_lhs_hint = false} : vector<400x28xf32>, vector<28x896xf32>, vector<400x896xf32> -> vector<400x896xf32>
    %get3A_63 = arith.constant 0 : index
    %get3A_64 = arith.constant 0 : index
    %get3A_65 = vector.load %arg10[%get3A_63, %get3A_64] : memref<28x896xf32, #tpu.memory_space<vmem>>, vector<28x896xf32>
    %dot_general3A_66 = arith.constant dense<0.000000e+00> : vector<400x896xf32>
    %dot_general3A_67 = tpu.matmul %mul3A_57, %get3A_65, %dot_general3A_66 {dimension_numbers = #tpu.dot_dimension_numbers<[1], [0], [0], [1], [0, 0, 1, 1], [], []>, transpose_lhs_hint = false} : vector<400x28xf32>, vector<28x896xf32>, vector<400x896xf32> -> vector<400x896xf32>
    %mul3A_68 = arith.mulf %dot_general3A_62, %dot_general3A_62 : vector<400x896xf32>
    %sub3A = arith.subf %dot_general3A_67, %mul3A_68 : vector<400x896xf32>
    %sub3A_69 = arith.subf %add3A_40, %dot_general3A_62 : vector<400x896xf32>
    %add3A_70 = arith.constant 9.99999974E-6 : f32
    %add3A_71 = vector.broadcast %add3A_70 : f32 to vector<400x896xf32>
    %add3A_72 = arith.addf %sub3A, %add3A_71 : vector<400x896xf32>
    %rsqrt3A = math.rsqrt %add3A_72 : vector<400x896xf32>
    %mul3A_73 = arith.mulf %sub3A_69, %rsqrt3A : vector<400x896xf32>
    %get3A_74 = arith.constant 0 : index
    %get3A_75 = arith.constant 0 : index
    %get3A_76 = vector.load %arg6[%get3A_74, %get3A_75] : memref<1x896xf32, #tpu.memory_space<vmem>>, vector<1x896xf32>
    %mul3A_77 = vector.broadcast %get3A_76 : vector<1x896xf32> to vector<400x896xf32>
    %mul3A_78 = arith.mulf %mul3A_73, %mul3A_77 : vector<400x896xf32>
    %get3A_79 = arith.constant 0 : index
    %get3A_80 = arith.constant 0 : index
    %get3A_81 = vector.load %arg7[%get3A_79, %get3A_80] : memref<1x896xf32, #tpu.memory_space<vmem>>, vector<1x896xf32>
    %add3A_82 = vector.broadcast %get3A_81 : vector<1x896xf32> to vector<400x896xf32>
    %add3A_83 = arith.addf %mul3A_78, %add3A_82 : vector<400x896xf32>
    %get3A_84 = arith.constant 0 : index
    %get3A_85 = arith.constant 0 : index
    %get3A_86 = vector.load %arg8[%get3A_84, %get3A_85] : memref<1x896xf32, #tpu.memory_space<vmem>>, vector<1x896xf32>
    %mul3A_87 = vector.broadcast %get3A_86 : vector<1x896xf32> to vector<400x896xf32>
    %mul3A_88 = arith.mulf %add3A_83, %mul3A_87 : vector<400x896xf32>
    %get3A_89 = arith.constant 0 : index
    %get3A_90 = arith.constant 0 : index
    %get3A_91 = vector.load %arg11[%get3A_89, %get3A_90] : memref<896x128xf32, #tpu.memory_space<vmem>>, vector<896x128xf32>
    %dot_general3A_92 = arith.constant dense<0.000000e+00> : vector<400x128xf32>
    %dot_general3A_93 = tpu.matmul %mul3A_88, %get3A_91, %dot_general3A_92 {dimension_numbers = #tpu.dot_dimension_numbers<[1], [0], [0], [1], [0, 0, 1, 1], [], []>, transpose_lhs_hint = false} : vector<400x896xf32>, vector<896x128xf32>, vector<400x128xf32> -> vector<400x128xf32>
    %swap3A = arith.constant 0 : index
    %swap3A_94 = arith.constant 0 : index
    %swap3A_95 = vector.load %arg13[%swap3A, %swap3A_94] : memref<400x128xf32, #tpu.memory_space<vmem>>, vector<400x128xf32>
    tpu.vector_store %arg13[%swap3A, %swap3A_94], %dot_general3A_93 {strides = array<i32>} : memref<400x128xf32, #tpu.memory_space<vmem>>, vector<400x128xf32>,
    %eq3A = arith.constant 0 : i32
    %eq3A_96 = arith.cmpi eq, %arg0, %eq3A : i32
    %convert_element_type3A = arith.extui %eq3A_96 : i1 to i32
    %cond3A = arith.constant 0 : i32
    %cond3A_97 = arith.cmpi ne, %convert_element_type3A, %cond3A : i32
    scf.if %cond3A_97 {
      %broadcast_in_dim3A_110 = arith.constant 0.000000e+00 : f32
      %broadcast_in_dim3A_111 = vector.broadcast %broadcast_in_dim3A_110 : f32 to vector<2x128xf32>
      %swap3A_112 = arith.constant 0 : index
      %swap3A_113 = arith.constant 0 : index
      %swap3A_114 = vector.load %arg14[%swap3A_112, %swap3A_113] : memref<2x128xf32, #tpu.memory_space<vmem>>, vector<2x128xf32>
      tpu.vector_store %arg14[%swap3A_112, %swap3A_113], %broadcast_in_dim3A_111 {strides = array<i32>} : memref<2x128xf32, #tpu.memory_space<vmem>>, vector<2x128xf32>,
    } else {
    }
    %get3A_98 = arith.constant 0 : index
    %get3A_99 = arith.constant 0 : index
    %get3A_100 = vector.load %arg14[%get3A_98, %get3A_99] : memref<2x128xf32, #tpu.memory_space<vmem>>, vector<2x128xf32>
    %reduce_sum3A = arith.constant dense<0.000000e+00> : vector<128xf32>
    %reduce_sum3A_101 = vector.multi_reduction <add>, %dot_general3A_93, %reduce_sum3A [0] : vector<400x128xf32> to vector<128xf32>
    %broadcast_in_dim3A = vector.shape_cast %reduce_sum3A_101 : vector<128xf32> to vector<1x128xf32>
    %mul3A_102 = arith.mulf %dot_general3A_93, %dot_general3A_93 : vector<400x128xf32>
    %reduce_sum3A_103 = arith.constant dense<0.000000e+00> : vector<128xf32>
    %reduce_sum3A_104 = vector.multi_reduction <add>, %mul3A_102, %reduce_sum3A_103 [0] : vector<400x128xf32> to vector<128xf32>
    %broadcast_in_dim3A_105 = vector.shape_cast %reduce_sum3A_104 : vector<128xf32> to vector<1x128xf32>
    %concatenate3A = tpu.concatenate %broadcast_in_dim3A, %broadcast_in_dim3A_105 in 0 : vector<1x128xf32>, vector<1x128xf32> -> vector<2x128xf32>
    %add3A_106 = arith.addf %get3A_100, %concatenate3A : vector<2x128xf32>
    %swap3A_107 = arith.constant 0 : index
    %swap3A_108 = arith.constant 0 : index
    %swap3A_109 = vector.load %arg14[%swap3A_107, %swap3A_108] : memref<2x128xf32, #tpu.memory_space<vmem>>, vector<2x128xf32>
    tpu.vector_store %arg14[%swap3A_107, %swap3A_108], %add3A_106 {strides = array<i32>} : memref<2x128xf32, #tpu.memory_space<vmem>>, vector<2x128xf32>,
    return
  }
  func.func @transform_0(%arg0: i32) -> (i32, i32, i32) {
    %c0_i32 = arith.constant 0 : i32
    %c0_i32_0 = arith.constant 0 : i32
    %c0_i32_1 = arith.constant 0 : i32
    return %c0_i32, %arg0, %c0_i32_0 : i32, i32, i32
  }
  func.func @transform_1(%arg0: i32) -> (i32, i32, i32) {
    %c0_i32 = arith.constant 0 : i32
    %c0_i32_0 = arith.constant 0 : i32
    %c0_i32_1 = arith.constant 0 : i32
    return %c0_i32, %arg0, %c0_i32_0 : i32, i32, i32
  }
  func.func @transform_2(%arg0: i32) -> (i32, i32) {
    %c0_i32 = arith.constant 0 : i32
    %c0_i32_0 = arith.constant 0 : i32
    %c0_i32_1 = arith.constant 0 : i32
    return %c0_i32, %c0_i32_0 : i32, i32
  }
  func.func @transform_3(%arg0: i32) -> (i32, i32) {
    %c0_i32 = arith.constant 0 : i32
    %c0_i32_0 = arith.constant 0 : i32
    %c0_i32_1 = arith.constant 0 : i32
    return %c0_i32, %c0_i32_0 : i32, i32
  }
  func.func @transform_4(%arg0: i32) -> (i32, i32) {
    %c0_i32 = arith.constant 0 : i32
    %c0_i32_0 = arith.constant 0 : i32
    %c0_i32_1 = arith.constant 0 : i32
    return %c0_i32, %c0_i32_0 : i32, i32
  }
  func.func @transform_5(%arg0: i32) -> (i32, i32) {
    %c0_i32 = arith.constant 0 : i32
    %c0_i32_0 = arith.constant 0 : i32
    %c0_i32_1 = arith.constant 0 : i32
    return %c0_i32, %c0_i32_0 : i32, i32
  }
  func.func @transform_6(%arg0: i32) -> (i32, i32) {
    %c0_i32 = arith.constant 0 : i32
    %c0_i32_0 = arith.constant 0 : i32
    %c0_i32_1 = arith.constant 0 : i32
    return %c0_i32, %c0_i32_0 : i32, i32
  }
  func.func @transform_7(%arg0: i32) -> (i32, i32) {
    %c0_i32 = arith.constant 0 : i32
    %c0_i32_0 = arith.constant 0 : i32
    %c0_i32_1 = arith.constant 0 : i32
    return %c0_i32, %c0_i32_0 : i32, i32
  }
  func.func @transform_8(%arg0: i32) -> (i32, i32) {
    %c0_i32 = arith.constant 0 : i32
    %c0_i32_0 = arith.constant 0 : i32
    %c0_i32_1 = arith.constant 0 : i32
    return %c0_i32, %c0_i32_0 : i32, i32
  }
  func.func @transform_9(%arg0: i32) -> (i32, i32) {
    %c0_i32 = arith.constant 0 : i32
    %c0_i32_0 = arith.constant 0 : i32
    %c0_i32_1 = arith.constant 0 : i32
    return %c0_i32, %c0_i32_0 : i32, i32
  }
  func.func @transform_10(%arg0: i32) -> (i32, i32) {
    %c0_i32 = arith.constant 0 : i32
    %c0_i32_0 = arith.constant 0 : i32
    %c0_i32_1 = arith.constant 0 : i32
    return %c0_i32, %c0_i32_0 : i32, i32
  }
  func.func @transform_11(%arg0: i32) -> (i32, i32) {
    %c0_i32 = arith.constant 0 : i32
    %c0_i32_0 = arith.constant 0 : i32
    %c0_i32_1 = arith.constant 0 : i32
    return %c0_i32, %c0_i32_0 : i32, i32
  }
  func.func @transform_12(%arg0: i32) -> (i32, i32) {
    %c0_i32 = arith.constant 0 : i32
    %c0_i32_0 = arith.constant 0 : i32
    return %arg0, %c0_i32 : i32, i32
  }
  func.func @transform_13(%arg0: i32) -> (i32, i32) {
    %c0_i32 = arith.constant 0 : i32
    %c0_i32_0 = arith.constant 0 : i32
    %c0_i32_1 = arith.constant 0 : i32
    return %c0_i32, %c0_i32_0 : i32, i32
  }
}

module attributes {stable_mosaic.version = 14 : i64} {
  func.func @_bn_body(%arg0: i32, %arg1: memref<400x128xf32, #tpu.memory_space<vmem>>, %arg2: memref<2x128xf32, #tpu.memory_space<vmem>>, %arg3: memref<400x128xf32, #tpu.memory_space<vmem>>) attributes {dimension_semantics = [#tpu.dimension_semantics<arbitrary>], iteration_bounds = array<i64: 25>, scalar_prefetch = 0 : i64, scratch_operands = 0 : i64, tpu.core_type = #tpu.core_type<tc>, window_params = [{transform_indices = @transform_0, window_bounds = array<i64: 400, 128>}, {pipeline_mode = #tpu.pipeline_mode<synchronous>, transform_indices = @transform_1, window_bounds = array<i64: 2, 128>}, {transform_indices = @transform_2, window_bounds = array<i64: 400, 128>}]} {
    %get3A = arith.constant 0 : index
    %get3A_0 = arith.constant 0 : index
    %get3A_1 = vector.load %arg2[%get3A, %get3A_0] : memref<2x128xf32, #tpu.memory_space<vmem>>, vector<2x128xf32>
    %slice3A = vector.extract_strided_slice %get3A_1 {offsets = [0, 0], sizes = [1, 128], strides = [1, 1]} : vector<2x128xf32> to vector<1x128xf32>
    %mul3A = arith.constant 9.99999974E-5 : f32
    %mul3A_2 = vector.broadcast %mul3A : f32 to vector<1x128xf32>
    %mul3A_3 = arith.mulf %slice3A, %mul3A_2 : vector<1x128xf32>
    %slice3A_4 = vector.extract_strided_slice %get3A_1 {offsets = [1, 0], sizes = [1, 128], strides = [1, 1]} : vector<2x128xf32> to vector<1x128xf32>
    %mul3A_5 = arith.constant 9.99999974E-5 : f32
    %mul3A_6 = vector.broadcast %mul3A_5 : f32 to vector<1x128xf32>
    %mul3A_7 = arith.mulf %slice3A_4, %mul3A_6 : vector<1x128xf32>
    %mul3A_8 = arith.mulf %mul3A_3, %mul3A_3 : vector<1x128xf32>
    %sub3A = arith.subf %mul3A_7, %mul3A_8 : vector<1x128xf32>
    %get3A_9 = arith.constant 0 : index
    %get3A_10 = arith.constant 0 : index
    %get3A_11 = vector.load %arg1[%get3A_9, %get3A_10] : memref<400x128xf32, #tpu.memory_space<vmem>>, vector<400x128xf32>
    %sub3A_12 = vector.broadcast %mul3A_3 : vector<1x128xf32> to vector<400x128xf32>
    %sub3A_13 = arith.subf %get3A_11, %sub3A_12 : vector<400x128xf32>
    %add3A = arith.constant 9.99999974E-6 : f32
    %add3A_14 = vector.broadcast %add3A : f32 to vector<1x128xf32>
    %add3A_15 = arith.addf %sub3A, %add3A_14 : vector<1x128xf32>
    %rsqrt3A = math.rsqrt %add3A_15 : vector<1x128xf32>
    %mul3A_16 = vector.broadcast %rsqrt3A : vector<1x128xf32> to vector<400x128xf32>
    %mul3A_17 = arith.mulf %sub3A_13, %mul3A_16 : vector<400x128xf32>
    %max3A = arith.constant 0.000000e+00 : f32
    %max3A_18 = vector.broadcast %max3A : f32 to vector<400x128xf32>
    %max3A_19 = arith.maximumf %mul3A_17, %max3A_18 : vector<400x128xf32>
    %swap3A = arith.constant 0 : index
    %swap3A_20 = arith.constant 0 : index
    %swap3A_21 = vector.load %arg3[%swap3A, %swap3A_20] : memref<400x128xf32, #tpu.memory_space<vmem>>, vector<400x128xf32>
    tpu.vector_store %arg3[%swap3A, %swap3A_20], %max3A_19 {strides = array<i32>} : memref<400x128xf32, #tpu.memory_space<vmem>>, vector<400x128xf32>,
    return
  }
  func.func @transform_0(%arg0: i32) -> (i32, i32) {
    %c0_i32 = arith.constant 0 : i32
    %c0_i32_0 = arith.constant 0 : i32
    return %arg0, %c0_i32 : i32, i32
  }
  func.func @transform_1(%arg0: i32) -> (i32, i32) {
    %c0_i32 = arith.constant 0 : i32
    %c0_i32_0 = arith.constant 0 : i32
    %c0_i32_1 = arith.constant 0 : i32
    return %c0_i32, %c0_i32_0 : i32, i32
  }
  func.func @transform_2(%arg0: i32) -> (i32, i32) {
    %c0_i32 = arith.constant 0 : i32
    %c0_i32_0 = arith.constant 0 : i32
    return %arg0, %c0_i32 : i32, i32
  }
}

module attributes {stable_mosaic.version = 14 : i64} {
  func.func @_final_body(%arg0: i32, %arg1: memref<400x128xf32, #tpu.memory_space<vmem>>, %arg2: memref<400x128xf32, #tpu.memory_space<vmem>>, %arg3: memref<400x128xf32, #tpu.memory_space<vmem>>, %arg4: memref<2x128xf32, #tpu.memory_space<vmem>>, %arg5: memref<6x128x10xf32, #tpu.memory_space<vmem>>, %arg6: memref<6x128x10xf32, #tpu.memory_space<vmem>>, %arg7: memref<1x10xf32, #tpu.memory_space<vmem>>, %arg8: memref<1x10xf32, #tpu.memory_space<vmem>>, %arg9: memref<3x128xf32, #tpu.memory_space<vmem>>, %arg10: memref<3x128xf32, #tpu.memory_space<vmem>>) attributes {dimension_semantics = [#tpu.dimension_semantics<arbitrary>], iteration_bounds = array<i64: 25>, scalar_prefetch = 0 : i64, scratch_operands = 2 : i64, tpu.core_type = #tpu.core_type<tc>, window_params = [{transform_indices = @transform_0, window_bounds = array<i64: 400, 128>}, {transform_indices = @transform_1, window_bounds = array<i64: 400, 128>}, {transform_indices = @transform_2, window_bounds = array<i64: 400, 128>}, {pipeline_mode = #tpu.pipeline_mode<synchronous>, transform_indices = @transform_3, window_bounds = array<i64: 2, 128>}, {pipeline_mode = #tpu.pipeline_mode<synchronous>, transform_indices = @transform_4, window_bounds = array<i64: 6, 128, 10>}, {pipeline_mode = #tpu.pipeline_mode<synchronous>, transform_indices = @transform_5, window_bounds = array<i64: 6, 128, 10>}, {pipeline_mode = #tpu.pipeline_mode<synchronous>, transform_indices = @transform_6, window_bounds = array<i64: 1, 10>}, {pipeline_mode = #tpu.pipeline_mode<synchronous>, transform_indices = @transform_7, window_bounds = array<i64: 1, 10>}]} {
    %eq3A = arith.constant 0 : i32
    %eq3A_0 = arith.cmpi eq, %arg0, %eq3A : i32
    %convert_element_type3A = arith.extui %eq3A_0 : i1 to i32
    %cond3A = arith.constant 0 : i32
    %cond3A_1 = arith.cmpi ne, %convert_element_type3A, %cond3A : i32
    scf.if %cond3A_1 {
      %broadcast_in_dim3A_89 = arith.constant 0.000000e+00 : f32
      %broadcast_in_dim3A_90 = vector.broadcast %broadcast_in_dim3A_89 : f32 to vector<3x128xf32>
      %swap3A_91 = arith.constant 0 : index
      %swap3A_92 = arith.constant 0 : index
      %swap3A_93 = vector.load %arg9[%swap3A_91, %swap3A_92] : memref<3x128xf32, #tpu.memory_space<vmem>>, vector<3x128xf32>
      tpu.vector_store %arg9[%swap3A_91, %swap3A_92], %broadcast_in_dim3A_90 {strides = array<i32>} : memref<3x128xf32, #tpu.memory_space<vmem>>, vector<3x128xf32>,
      %broadcast_in_dim3A_94 = arith.constant 0xFF800000 : f32
      %broadcast_in_dim3A_95 = vector.broadcast %broadcast_in_dim3A_94 : f32 to vector<3x128xf32>
      %swap3A_96 = arith.constant 0 : index
      %swap3A_97 = arith.constant 0 : index
      %swap3A_98 = vector.load %arg10[%swap3A_96, %swap3A_97] : memref<3x128xf32, #tpu.memory_space<vmem>>, vector<3x128xf32>
      tpu.vector_store %arg10[%swap3A_96, %swap3A_97], %broadcast_in_dim3A_95 {strides = array<i32>} : memref<3x128xf32, #tpu.memory_space<vmem>>, vector<3x128xf32>,
    } else {
    }
    %get3A = arith.constant 0 : index
    %get3A_2 = arith.constant 0 : index
    %get3A_3 = vector.load %arg4[%get3A, %get3A_2] : memref<2x128xf32, #tpu.memory_space<vmem>>, vector<2x128xf32>
    %slice3A = vector.extract_strided_slice %get3A_3 {offsets = [0, 0], sizes = [1, 128], strides = [1, 1]} : vector<2x128xf32> to vector<1x128xf32>
    %mul3A = arith.constant 9.99999974E-5 : f32
    %mul3A_4 = vector.broadcast %mul3A : f32 to vector<1x128xf32>
    %mul3A_5 = arith.mulf %slice3A, %mul3A_4 : vector<1x128xf32>
    %slice3A_6 = vector.extract_strided_slice %get3A_3 {offsets = [1, 0], sizes = [1, 128], strides = [1, 1]} : vector<2x128xf32> to vector<1x128xf32>
    %mul3A_7 = arith.constant 9.99999974E-5 : f32
    %mul3A_8 = vector.broadcast %mul3A_7 : f32 to vector<1x128xf32>
    %mul3A_9 = arith.mulf %slice3A_6, %mul3A_8 : vector<1x128xf32>
    %mul3A_10 = arith.mulf %mul3A_5, %mul3A_5 : vector<1x128xf32>
    %sub3A = arith.subf %mul3A_9, %mul3A_10 : vector<1x128xf32>
    %get3A_11 = arith.constant 0 : index
    %get3A_12 = arith.constant 0 : index
    %get3A_13 = vector.load %arg3[%get3A_11, %get3A_12] : memref<400x128xf32, #tpu.memory_space<vmem>>, vector<400x128xf32>
    %sub3A_14 = vector.broadcast %mul3A_5 : vector<1x128xf32> to vector<400x128xf32>
    %sub3A_15 = arith.subf %get3A_13, %sub3A_14 : vector<400x128xf32>
    %add3A = arith.constant 9.99999974E-6 : f32
    %add3A_16 = vector.broadcast %add3A : f32 to vector<1x128xf32>
    %add3A_17 = arith.addf %sub3A, %add3A_16 : vector<1x128xf32>
    %rsqrt3A = math.rsqrt %add3A_17 : vector<1x128xf32>
    %mul3A_18 = vector.broadcast %rsqrt3A : vector<1x128xf32> to vector<400x128xf32>
    %mul3A_19 = arith.mulf %sub3A_15, %mul3A_18 : vector<400x128xf32>
    %max3A = arith.constant 0.000000e+00 : f32
    %max3A_20 = vector.broadcast %max3A : f32 to vector<400x128xf32>
    %max3A_21 = arith.maximumf %mul3A_19, %max3A_20 : vector<400x128xf32>
    %get3A_22 = arith.constant 0 : index
    %get3A_23 = arith.constant 0 : index
    %get3A_24 = vector.load %arg1[%get3A_22, %get3A_23] : memref<400x128xf32, #tpu.memory_space<vmem>>, vector<400x128xf32>
    %get3A_25 = arith.constant 0 : index
    %get3A_26 = arith.constant 0 : index
    %get3A_27 = vector.load %arg2[%get3A_25, %get3A_26] : memref<400x128xf32, #tpu.memory_space<vmem>>, vector<400x128xf32>
    %get3A_28 = arith.constant 0 : index
    %get3A_29 = arith.constant 0 : index
    %get3A_30 = vector.load %arg9[%get3A_28, %get3A_29] : memref<3x128xf32, #tpu.memory_space<vmem>>, vector<1x128xf32>
    %reduce_sum3A = arith.constant dense<0.000000e+00> : vector<128xf32>
    %reduce_sum3A_31 = vector.multi_reduction <add>, %get3A_24, %reduce_sum3A [0] : vector<400x128xf32> to vector<128xf32>
    %broadcast_in_dim3A = vector.shape_cast %reduce_sum3A_31 : vector<128xf32> to vector<1x128xf32>
    %add3A_32 = arith.addf %get3A_30, %broadcast_in_dim3A : vector<1x128xf32>
    %swap3A = arith.constant 0 : index
    %swap3A_33 = arith.constant 0 : index
    %swap3A_34 = vector.load %arg9[%swap3A, %swap3A_33] : memref<3x128xf32, #tpu.memory_space<vmem>>, vector<1x128xf32>
    tpu.vector_store %arg9[%swap3A, %swap3A_33], %add3A_32 {strides = array<i32>} : memref<3x128xf32, #tpu.memory_space<vmem>>, vector<1x128xf32>,
    %get3A_35 = arith.constant 0 : index
    %get3A_36 = arith.constant 0 : index
    %get3A_37 = vector.load %arg10[%get3A_35, %get3A_36] : memref<3x128xf32, #tpu.memory_space<vmem>>, vector<1x128xf32>
    %reduce_max3A = arith.constant dense<0xFF800000> : vector<128xf32>
    %reduce_max3A_38 = vector.multi_reduction <maximumf>, %get3A_24, %reduce_max3A [0] : vector<400x128xf32> to vector<128xf32>
    %broadcast_in_dim3A_39 = vector.shape_cast %reduce_max3A_38 : vector<128xf32> to vector<1x128xf32>
    %max3A_40 = arith.maximumf %get3A_37, %broadcast_in_dim3A_39 : vector<1x128xf32>
    %swap3A_41 = arith.constant 0 : index
    %swap3A_42 = arith.constant 0 : index
    %swap3A_43 = vector.load %arg10[%swap3A_41, %swap3A_42] : memref<3x128xf32, #tpu.memory_space<vmem>>, vector<1x128xf32>
    tpu.vector_store %arg10[%swap3A_41, %swap3A_42], %max3A_40 {strides = array<i32>} : memref<3x128xf32, #tpu.memory_space<vmem>>, vector<1x128xf32>,
    %get3A_44 = arith.constant 1 : index
    %get3A_45 = arith.constant 0 : index
    %get3A_46 = vector.load %arg9[%get3A_44, %get3A_45] : memref<3x128xf32, #tpu.memory_space<vmem>>, vector<1x128xf32>
    %reduce_sum3A_47 = arith.constant dense<0.000000e+00> : vector<128xf32>
    %reduce_sum3A_48 = vector.multi_reduction <add>, %get3A_27, %reduce_sum3A_47 [0] : vector<400x128xf32> to vector<128xf32>
    %broadcast_in_dim3A_49 = vector.shape_cast %reduce_sum3A_48 : vector<128xf32> to vector<1x128xf32>
    %add3A_50 = arith.addf %get3A_46, %broadcast_in_dim3A_49 : vector<1x128xf32>
    %swap3A_51 = arith.constant 1 : index
    %swap3A_52 = arith.constant 0 : index
    %swap3A_53 = vector.load %arg9[%swap3A_51, %swap3A_52] : memref<3x128xf32, #tpu.memory_space<vmem>>, vector<1x128xf32>
    tpu.vector_store %arg9[%swap3A_51, %swap3A_52], %add3A_50 {strides = array<i32>} : memref<3x128xf32, #tpu.memory_space<vmem>>, vector<1x128xf32>,
    %get3A_54 = arith.constant 1 : index
    %get3A_55 = arith.constant 0 : index
    %get3A_56 = vector.load %arg10[%get3A_54, %get3A_55] : memref<3x128xf32, #tpu.memory_space<vmem>>, vector<1x128xf32>
    %reduce_max3A_57 = arith.constant dense<0xFF800000> : vector<128xf32>
    %reduce_max3A_58 = vector.multi_reduction <maximumf>, %get3A_27, %reduce_max3A_57 [0] : vector<400x128xf32> to vector<128xf32>
    %broadcast_in_dim3A_59 = vector.shape_cast %reduce_max3A_58 : vector<128xf32> to vector<1x128xf32>
    %max3A_60 = arith.maximumf %get3A_56, %broadcast_in_dim3A_59 : vector<1x128xf32>
    %swap3A_61 = arith.constant 1 : index
    %swap3A_62 = arith.constant 0 : index
    %swap3A_63 = vector.load %arg10[%swap3A_61, %swap3A_62] : memref<3x128xf32, #tpu.memory_space<vmem>>, vector<1x128xf32>
    tpu.vector_store %arg10[%swap3A_61, %swap3A_62], %max3A_60 {strides = array<i32>} : memref<3x128xf32, #tpu.memory_space<vmem>>, vector<1x128xf32>,
    %get3A_64 = arith.constant 2 : index
    %get3A_65 = arith.constant 0 : index
    %get3A_66 = vector.load %arg9[%get3A_64, %get3A_65] : memref<3x128xf32, #tpu.memory_space<vmem>>, vector<1x128xf32>
    %reduce_sum3A_67 = arith.constant dense<0.000000e+00> : vector<128xf32>
    %reduce_sum3A_68 = vector.multi_reduction <add>, %max3A_21, %reduce_sum3A_67 [0] : vector<400x128xf32> to vector<128xf32>
    %broadcast_in_dim3A_69 = vector.shape_cast %reduce_sum3A_68 : vector<128xf32> to vector<1x128xf32>
    %add3A_70 = arith.addf %get3A_66, %broadcast_in_dim3A_69 : vector<1x128xf32>
    %swap3A_71 = arith.constant 2 : index
    %swap3A_72 = arith.constant 0 : index
    %swap3A_73 = vector.load %arg9[%swap3A_71, %swap3A_72] : memref<3x128xf32, #tpu.memory_space<vmem>>, vector<1x128xf32>
    tpu.vector_store %arg9[%swap3A_71, %swap3A_72], %add3A_70 {strides = array<i32>} : memref<3x128xf32, #tpu.memory_space<vmem>>, vector<1x128xf32>,
    %get3A_74 = arith.constant 2 : index
    %get3A_75 = arith.constant 0 : index
    %get3A_76 = vector.load %arg10[%get3A_74, %get3A_75] : memref<3x128xf32, #tpu.memory_space<vmem>>, vector<1x128xf32>
    %reduce_max3A_77 = arith.constant dense<0xFF800000> : vector<128xf32>
    %reduce_max3A_78 = vector.multi_reduction <maximumf>, %max3A_21, %reduce_max3A_77 [0] : vector<400x128xf32> to vector<128xf32>
    %broadcast_in_dim3A_79 = vector.shape_cast %reduce_max3A_78 : vector<128xf32> to vector<1x128xf32>
    %max3A_80 = arith.maximumf %get3A_76, %broadcast_in_dim3A_79 : vector<1x128xf32>
    %swap3A_81 = arith.constant 2 : index
    %swap3A_82 = arith.constant 0 : index
    %swap3A_83 = vector.load %arg10[%swap3A_81, %swap3A_82] : memref<3x128xf32, #tpu.memory_space<vmem>>, vector<1x128xf32>
    tpu.vector_store %arg10[%swap3A_81, %swap3A_82], %max3A_80 {strides = array<i32>} : memref<3x128xf32, #tpu.memory_space<vmem>>, vector<1x128xf32>,
    %eq3A_84 = arith.constant 24 : i32
    %eq3A_85 = arith.cmpi eq, %arg0, %eq3A_84 : i32
    %convert_element_type3A_86 = arith.extui %eq3A_85 : i1 to i32
    %cond3A_87 = arith.constant 0 : i32
    %cond3A_88 = arith.cmpi ne, %convert_element_type3A_86, %cond3A_87 : i32
    scf.if %cond3A_88 {
      %get3A_89 = arith.constant 0 : index
      %get3A_90 = arith.constant 0 : index
      %get3A_91 = arith.constant 0 : index
      %get3A_92 = vector.load %arg5[%get3A_89, %get3A_90, %get3A_91] : memref<6x128x10xf32, #tpu.memory_space<vmem>>, vector<6x128x10xf32>
      %get3A_93 = arith.constant 0 : index
      %get3A_94 = arith.constant 0 : index
      %get3A_95 = arith.constant 0 : index
      %get3A_96 = vector.load %arg6[%get3A_93, %get3A_94, %get3A_95] : memref<6x128x10xf32, #tpu.memory_space<vmem>>, vector<6x128x10xf32>
      %mul3A_97 = arith.mulf %get3A_92, %get3A_96 : vector<6x128x10xf32>
      %get3A_98 = arith.constant 0 : index
      %get3A_99 = arith.constant 0 : index
      %get3A_100 = vector.load %arg9[%get3A_98, %get3A_99] : memref<3x128xf32, #tpu.memory_space<vmem>>, vector<3x128xf32>
      %mul3A_101 = arith.constant 9.99999974E-5 : f32
      %mul3A_102 = vector.broadcast %mul3A_101 : f32 to vector<3x128xf32>
      %mul3A_103 = arith.mulf %get3A_100, %mul3A_102 : vector<3x128xf32>
      %get3A_104 = arith.constant 0 : index
      %get3A_105 = arith.constant 0 : index
      %get3A_106 = vector.load %arg10[%get3A_104, %get3A_105] : memref<3x128xf32, #tpu.memory_space<vmem>>, vector<3x128xf32>
      %get3A_107 = arith.constant 0 : index
      %get3A_108 = arith.constant 0 : index
      %get3A_109 = vector.load %arg7[%get3A_107, %get3A_108] : memref<1x10xf32, #tpu.memory_space<vmem>>, vector<1x10xf32>
      %slice3A_110 = vector.extract_strided_slice %mul3A_103 {offsets = [0, 0], sizes = [1, 128], strides = [1, 1]} : vector<3x128xf32> to vector<1x128xf32>
      %slice3A_111 = vector.extract_strided_slice %mul3A_97 {offsets = [0, 0, 0], sizes = [1, 128, 10], strides = [1, 1, 1]} : vector<6x128x10xf32> to vector<1x128x10xf32>
      %squeeze3A = vector.shape_cast %slice3A_111 : vector<1x128x10xf32> to vector<128x10xf32>
      %dot_general3A = arith.constant dense<0.000000e+00> : vector<1x10xf32>
      %dot_general3A_112 = tpu.matmul %slice3A_110, %squeeze3A, %dot_general3A {dimension_numbers = #tpu.dot_dimension_numbers<[1], [0], [0], [1], [0, 0, 1, 1], [], []>, transpose_lhs_hint = false} : vector<1x128xf32>, vector<128x10xf32>, vector<1x10xf32> -> vector<1x10xf32>
      %add3A_113 = arith.addf %get3A_109, %dot_general3A_112 : vector<1x10xf32>
      %slice3A_114 = vector.extract_strided_slice %mul3A_103 {offsets = [1, 0], sizes = [1, 128], strides = [1, 1]} : vector<3x128xf32> to vector<1x128xf32>
      %slice3A_115 = vector.extract_strided_slice %mul3A_97 {offsets = [1, 0, 0], sizes = [1, 128, 10], strides = [1, 1, 1]} : vector<6x128x10xf32> to vector<1x128x10xf32>
      %squeeze3A_116 = vector.shape_cast %slice3A_115 : vector<1x128x10xf32> to vector<128x10xf32>
      %dot_general3A_117 = arith.constant dense<0.000000e+00> : vector<1x10xf32>
      %dot_general3A_118 = tpu.matmul %slice3A_114, %squeeze3A_116, %dot_general3A_117 {dimension_numbers = #tpu.dot_dimension_numbers<[1], [0], [0], [1], [0, 0, 1, 1], [], []>, transpose_lhs_hint = false} : vector<1x128xf32>, vector<128x10xf32>, vector<1x10xf32> -> vector<1x10xf32>
      %add3A_119 = arith.addf %add3A_113, %dot_general3A_118 : vector<1x10xf32>
      %slice3A_120 = vector.extract_strided_slice %mul3A_103 {offsets = [2, 0], sizes = [1, 128], strides = [1, 1]} : vector<3x128xf32> to vector<1x128xf32>
      %slice3A_121 = vector.extract_strided_slice %mul3A_97 {offsets = [2, 0, 0], sizes = [1, 128, 10], strides = [1, 1, 1]} : vector<6x128x10xf32> to vector<1x128x10xf32>
      %squeeze3A_122 = vector.shape_cast %slice3A_121 : vector<1x128x10xf32> to vector<128x10xf32>
      %dot_general3A_123 = arith.constant dense<0.000000e+00> : vector<1x10xf32>
      %dot_general3A_124 = tpu.matmul %slice3A_120, %squeeze3A_122, %dot_general3A_123 {dimension_numbers = #tpu.dot_dimension_numbers<[1], [0], [0], [1], [0, 0, 1, 1], [], []>, transpose_lhs_hint = false} : vector<1x128xf32>, vector<128x10xf32>, vector<1x10xf32> -> vector<1x10xf32>
      %add3A_125 = arith.addf %add3A_119, %dot_general3A_124 : vector<1x10xf32>
      %slice3A_126 = vector.extract_strided_slice %get3A_106 {offsets = [0, 0], sizes = [1, 128], strides = [1, 1]} : vector<3x128xf32> to vector<1x128xf32>
      %slice3A_127 = vector.extract_strided_slice %mul3A_97 {offsets = [3, 0, 0], sizes = [1, 128, 10], strides = [1, 1, 1]} : vector<6x128x10xf32> to vector<1x128x10xf32>
      %squeeze3A_128 = vector.shape_cast %slice3A_127 : vector<1x128x10xf32> to vector<128x10xf32>
      %dot_general3A_129 = arith.constant dense<0.000000e+00> : vector<1x10xf32>
      %dot_general3A_130 = tpu.matmul %slice3A_126, %squeeze3A_128, %dot_general3A_129 {dimension_numbers = #tpu.dot_dimension_numbers<[1], [0], [0], [1], [0, 0, 1, 1], [], []>, transpose_lhs_hint = false} : vector<1x128xf32>, vector<128x10xf32>, vector<1x10xf32> -> vector<1x10xf32>
      %add3A_131 = arith.addf %add3A_125, %dot_general3A_130 : vector<1x10xf32>
      %slice3A_132 = vector.extract_strided_slice %get3A_106 {offsets = [1, 0], sizes = [1, 128], strides = [1, 1]} : vector<3x128xf32> to vector<1x128xf32>
      %slice3A_133 = vector.extract_strided_slice %mul3A_97 {offsets = [4, 0, 0], sizes = [1, 128, 10], strides = [1, 1, 1]} : vector<6x128x10xf32> to vector<1x128x10xf32>
      %squeeze3A_134 = vector.shape_cast %slice3A_133 : vector<1x128x10xf32> to vector<128x10xf32>
      %dot_general3A_135 = arith.constant dense<0.000000e+00> : vector<1x10xf32>
      %dot_general3A_136 = tpu.matmul %slice3A_132, %squeeze3A_134, %dot_general3A_135 {dimension_numbers = #tpu.dot_dimension_numbers<[1], [0], [0], [1], [0, 0, 1, 1], [], []>, transpose_lhs_hint = false} : vector<1x128xf32>, vector<128x10xf32>, vector<1x10xf32> -> vector<1x10xf32>
      %add3A_137 = arith.addf %add3A_131, %dot_general3A_136 : vector<1x10xf32>
      %slice3A_138 = vector.extract_strided_slice %get3A_106 {offsets = [2, 0], sizes = [1, 128], strides = [1, 1]} : vector<3x128xf32> to vector<1x128xf32>
      %slice3A_139 = vector.extract_strided_slice %mul3A_97 {offsets = [5, 0, 0], sizes = [1, 128, 10], strides = [1, 1, 1]} : vector<6x128x10xf32> to vector<1x128x10xf32>
      %squeeze3A_140 = vector.shape_cast %slice3A_139 : vector<1x128x10xf32> to vector<128x10xf32>
      %dot_general3A_141 = arith.constant dense<0.000000e+00> : vector<1x10xf32>
      %dot_general3A_142 = tpu.matmul %slice3A_138, %squeeze3A_140, %dot_general3A_141 {dimension_numbers = #tpu.dot_dimension_numbers<[1], [0], [0], [1], [0, 0, 1, 1], [], []>, transpose_lhs_hint = false} : vector<1x128xf32>, vector<128x10xf32>, vector<1x10xf32> -> vector<1x10xf32>
      %add3A_143 = arith.addf %add3A_137, %dot_general3A_142 : vector<1x10xf32>
      %swap3A_144 = arith.constant 0 : index
      %swap3A_145 = arith.constant 0 : index
      %swap3A_146 = vector.load %arg8[%swap3A_144, %swap3A_145] : memref<1x10xf32, #tpu.memory_space<vmem>>, vector<1x10xf32>
      tpu.vector_store %arg8[%swap3A_144, %swap3A_145], %add3A_143 {strides = array<i32>} : memref<1x10xf32, #tpu.memory_space<vmem>>, vector<1x10xf32>,
    } else {
    }
    return
  }
  func.func @transform_0(%arg0: i32) -> (i32, i32) {
    %c0_i32 = arith.constant 0 : i32
    %c0_i32_0 = arith.constant 0 : i32
    return %arg0, %c0_i32 : i32, i32
  }
  func.func @transform_1(%arg0: i32) -> (i32, i32) {
    %c0_i32 = arith.constant 0 : i32
    %c0_i32_0 = arith.constant 0 : i32
    return %arg0, %c0_i32 : i32, i32
  }
  func.func @transform_2(%arg0: i32) -> (i32, i32) {
    %c0_i32 = arith.constant 0 : i32
    %c0_i32_0 = arith.constant 0 : i32
    return %arg0, %c0_i32 : i32, i32
  }
  func.func @transform_3(%arg0: i32) -> (i32, i32) {
    %c0_i32 = arith.constant 0 : i32
    %c0_i32_0 = arith.constant 0 : i32
    %c0_i32_1 = arith.constant 0 : i32
    return %c0_i32, %c0_i32_0 : i32, i32
  }
  func.func @transform_4(%arg0: i32) -> (i32, i32, i32) {
    %c0_i32 = arith.constant 0 : i32
    %c0_i32_0 = arith.constant 0 : i32
    %c0_i32_1 = arith.constant 0 : i32
    %c0_i32_2 = arith.constant 0 : i32
    return %c0_i32, %c0_i32_0, %c0_i32_1 : i32, i32, i32
  }
  func.func @transform_5(%arg0: i32) -> (i32, i32, i32) {
    %c0_i32 = arith.constant 0 : i32
    %c0_i32_0 = arith.constant 0 : i32
    %c0_i32_1 = arith.constant 0 : i32
    %c0_i32_2 = arith.constant 0 : i32
    return %c0_i32, %c0_i32_0, %c0_i32_1 : i32, i32, i32
  }
  func.func @transform_6(%arg0: i32) -> (i32, i32) {
    %c0_i32 = arith.constant 0 : i32
    %c0_i32_0 = arith.constant 0 : i32
    %c0_i32_1 = arith.constant 0 : i32
    return %c0_i32, %c0_i32_0 : i32, i32
  }
  func.func @transform_7(%arg0: i32) -> (i32, i32) {
    %c0_i32 = arith.constant 0 : i32
    %c0_i32_0 = arith.constant 0 : i32
    %c0_i32_1 = arith.constant 0 : i32
    return %c0_i32, %c0_i32_0 : i32, i32
  }
}

</mosaic_0001>

<sc_bundles>
// kernel: kernel.10.cloned.1.call-start
scs
__scs_entry_jumppad:
0x0: {  	(pc) =	sbr.rel $0x88, $3  }
0x1: {  	(tag) =	ssettag $0x0;
	lr =	simm.s32 $0x1  }
0x2: {  	[smem:$0x3F93] =	sst lr;
	_ =	strace $0xD0000000  }
0x3: {  	_ = 	snop  }
0x4: {  	_ = 	snop  }
0x5: {  	_ = 	snop  }
0x6: {  	_ = 	snop  }
0x7: {  	_ = 	snop  }
__scs_overlays_trampoline_lowered:
0x8: {  	[smem:$0x3FA2] =	sst s0  }
0x9: {  	[smem:$0x3FA3] =	sst s1  }
0xa: {  	[smem:$0x3FA4] =	sst s2  }
0xb: {  	[smem:$0x3FA5] =	sst s3  }
0xc: {  	[smem:$0x3FA6] =	sst s4  }
0xd: {  	[smem:$0x3FA7] =	sst s5  }
0xe: {  	[smem:$0x3FA8] =	sst s6  }
0xf: {  	[smem:$0x3FA9] =	sst s7  }
0x10: {  	[smem:$0x3FAA] =	sst s8  }
0x11: {  	[smem:$0x3FAB] =	sst s9;
	s0 =	simm.s32 @!p0 $0x0  }
0x12: {  	s1 =	sld [smem:$0x3F91];
	s0 =	simm.s32 @p0 $0x1  }
0x13: {  	[smem:$0x3FAC] =	sst s0;
	s0 =	simm.s32 @!p1 $0x0  }
0x14: {  	s2 =	sld [smem:$0x3F90];
	s0 =	simm.s32 @p1 $0x1  }
0x15: {  	[smem:$0x3FAD] =	sst s0;
	s0 =	simm.s32 @!p2 $0x0  }
0x16: {  	s3 =	sld [smem:$0x3FDB];
	s0 =	simm.s32 @p2 $0x1  }
0x17: {  	s4 =	simm.s32 $0x1BF5;
	[smem:$0x3FAF] =	sst s0  }
0x18: {  	s0 =	sld [smem:$0x3F92];
	_ =	swait.ge [sflag:s4], $0x0  }
0x19: {  	s7 =	sld [smem:$0x3F93]  }
0x1a: {  	s8 =	sadd.s32 $0xFFFFE003, lr  }
0x1b: {  	s9 =	sadd.s32 $0xFFFFFEF7, lr;
	s5 =	simm.s32 $0xFFFFFFFF;
	p2 =	slt.u32 s8, $0xFFFFF086  }
0x1c: {  	p1 =	slt.u32 s9, $0xF7A;
	s5 =	simm.s32 @!p2 $0x0  }
0x1d: {  	s5 =	simm.s32 @p1 $0x1;
	p0 =	seq.s32 s7, s2  }
0x1e: {  	s7 =	smul.u32 @!p0 $0xF7A, s2;
	p2 =	seq.s32 @!p0 s5, $0x0  }
0x1f: {  	s9 =	smul.u32 $0xF7A, s1;
	s8 =	simm.s32 @!p0 $0x1BF5;
	p2 =	por !p2, p0  }
0x20: {  	[sflag:s8] =	ssyncset.s32 @!p0 $0xFFFFF086;
	s6 =	sadd.s32 @!p0 s3, s7;
	s7 =	simm.s32 @!p0 $0x108  }
0x21: {  	s3 =	sadd.s32 s3, s9;
	s6 =	sadd.s32 @!p0 $0x88, s6;
	s7 =	simm.s32 @p2 $0x1082  }
0x22: {  	[simem:s7], [sflag:s8] =	dma.local @!p0 [hbm:s6], $0xF7A  }
0x23: {  	s9 =	sor.u32 $0xD0000000, s2;
	s6 =	simm.s32 $0x108;
	_ =	swait.ge @!p0 [sflag:s8], $0x0  }
0x24: {  	s3 =	sadd.s32 $0x88, s3;
	s6 =	simm.s32 @!p1 $0x1082;
	[sflag:s4] =	ssyncset.s32 $0xFFFFF086  }
0x25: {  	[simem:s6], [sflag:s4] =	dma.local [hbm:s3], $0xF7A  }
0x26: {  	[smem:$0x3F93] =	sst s1;
	(tag) =	ssettag s2;
	_ =	strace s9  }
0x27: {  	s1 =	sld [smem:$0x3FA3]  }
0x28: {  	s2 =	sld [smem:$0x3FA4]  }
0x29: {  	s4 =	sld [smem:$0x3FA6]  }
0x2a: {  	p0 =	seq.s32 s5, $0x0;
	s5 =	sld [smem:$0x3FA7]  }
0x2b: {  	s6 =	sld [smem:$0x3FA8]  }
0x2c: {  	s7 =	sld [smem:$0x3FA9]  }
0x2d: {  	s3 =	simm.s32 $0x108;
	s8 =	sld [smem:$0x3FAA]  }
0x2e: {  	s3 =	simm.s32 @!p0 $0x1082;
	s9 =	sld [smem:$0x3FAB]  }
0x2f: {  	lr =	sadd.s32 s0, s3;
	s0 =	sld [smem:$0x3FA2]  }
0x30: {  	s3 =	sld [smem:$0x3FA5]  }
0x31: {  	[smem:$0x3FAE] =	sst s10  }
0x32: {  	s10 =	sld [smem:$0x3FAC];
	_ =	sdelay $0x3  }
0x33: {  	p0 =	seq.s32 s10, $0x1;
	s10 =	sld [smem:$0x3FAE];
	_ =	sdelay $0x3  }
0x34: {  	[smem:$0x3FAE] =	sst s10  }
0x35: {  	s10 =	sld [smem:$0x3FAD];
	_ =	sdelay $0x3  }
0x36: {  	p1 =	seq.s32 s10, $0x1;
	s10 =	sld [smem:$0x3FAE];
	_ =	sdelay $0x3  }
0x37: {  	[smem:$0x3FAE] =	sst s10  }
0x38: {  	s10 =	sld [smem:$0x3FAF]  }
0x39: {  	_ = 	snop;
	(pc) =	sbr.ind lr, $3  }
0x3a: {  	_ = 	snop  }
0x3b: {  	_ = 	snop  }
0x3c: {  	p2 =	seq.s32 s10, $0x1;
	s10 =	sld [smem:$0x3FAE]  }
0x3d: {  	_ =	shalt  }
0x3e: {  	_ =	shalt  }
0x3f: {  	_ =	shalt  }
0x40: {  	_ =	shalt  }
0x41: {  	_ =	shalt  }
0x42: {  	_ =	shalt  }
0x43: {  	_ =	shalt  }
0x44: {  	_ =	shalt  }
0x45: {  	_ =	shalt  }
0x46: {  	_ =	shalt  }
0x47: {  	_ =	shalt  }
0x48: {  	_ =	shalt  }
0x49: {  	_ =	shalt  }
0x4a: {  	_ =	shalt  }
0x4b: {  	_ =	shalt  }
0x4c: {  	_ =	shalt  }
0x4d: {  	_ =	shalt  }
0x4e: {  	_ =	shalt  }
0x4f: {  	_ =	shalt  }
0x50: {  	_ =	shalt  }
0x51: {  	_ =	shalt  }
0x52: {  	_ =	shalt  }
0x53: {  	_ =	shalt  }
0x54: {  	_ =	shalt  }
0x55: {  	_ =	shalt  }
0x56: {  	_ =	shalt  }
0x57: {  	_ =	shalt  }
0x58: {  	_ =	shalt  }
0x59: {  	_ =	shalt  }
0x5a: {  	_ =	shalt  }
0x5b: {  	_ =	shalt  }
0x5c: {  	_ =	shalt  }
0x5d: {  	_ =	shalt  }
0x5e: {  	_ =	shalt  }
0x5f: {  	_ =	shalt  }
0x60: {  	_ =	shalt  }
0x61: {  	_ =	shalt  }
0x62: {  	_ =	shalt  }
0x63: {  	_ =	shalt  }
0x64: {  	_ =	shalt  }
0x65: {  	_ =	shalt  }
0x66: {  	_ =	shalt  }
0x67: {  	_ =	shalt  }
0x68: {  	_ =	shalt  }
0x69: {  	_ =	shalt  }
0x6a: {  	_ =	shalt  }
0x6b: {  	_ =	shalt  }
0x6c: {  	_ =	shalt  }
0x6d: {  	_ =	shalt  }
0x6e: {  	_ =	shalt  }
0x6f: {  	_ =	shalt  }
0x70: {  	_ =	shalt  }
0x71: {  	_ =	shalt  }
0x72: {  	_ =	shalt  }
0x73: {  	_ =	shalt  }
0x74: {  	_ =	shalt  }
0x75: {  	_ =	shalt  }
0x76: {  	_ =	shalt  }
0x77: {  	_ =	shalt  }
0x78: {  	_ =	shalt  }
0x79: {  	_ =	shalt  }
0x7a: {  	_ =	shalt  }
0x7b: {  	_ =	shalt  }
0x7c: {  	_ =	shalt  }
0x7d: {  	_ =	shalt  }
0x7e: {  	_ =	shalt  }
0x7f: {  	_ =	shalt  }
0x80: {  	_ =	shalt  }
0x81: {  	_ =	shalt  }
0x82: {  	_ =	shalt  }
0x83: {  	_ =	shalt  }
0x84: {  	_ =	shalt  }
0x85: {  	_ =	shalt  }
0x86: {  	_ =	shalt  }
0x87: {  	_ =	shalt  }
.Lfunc_end0:
.L_simem_size_0:
called_computation_lowered:
.L_overlay_start_0:
0x88: {  	s2 =	sld [smem:$0x3FD9]  }
0x89: {  	s3 =	sld [smem:$0x3FFE];
	_ =	sdelay $0x1  }
0x8a: {  	s1 =	srdreg.scid  }
0x8b: {  	s0 =	sand.u32 $0x1, s1  }
0x8c: {  	s16 =	sshll.u32 s0, $0xA;
	s2 =	sadd.s32 s3, s2  }
0x8d: {  	s2 =	sadd.s32 s2, s16  }
0x8e: {  	[smem:$0x3FBA] =	sst s2  }
0x8f: {  	_ = 	snop  }
0x90: {  	(tm) =	ssettm $0x1  }
0x91: {  	s17 =	sld [smem:$0x3FFB];
	_ =	sdelay $0x3  }
0x92: {  	_ =	strace s17  }
0x93: {  	s2 =	sld [smem:$0x3FFC];
	_ =	sdelay $0x3  }
0x94: {  	_ =	strace s2  }
0x95: {  	s2 =	sld [smem:$0x3FFD];
	_ =	sdelay $0x3  }
0x96: {  	_ =	strace s2  }
0x97: {  	_ =	strace $0x8FFFFFFF  }
0x98: {  	s18 =	sld [smem:$0x3FDB];
	_ =	sdelay $0x1  }
0x99: {  	s19 =	simm.s32 $_scs_section_size  }
0x9a: {  	s4 =	simm.s32 $_size__tile_overlayer_lowered;
	s5 =	simm.s32 $_tile_overlayer_lowered  }
0x9b: {  	s22 =	simm.s32 $0x1BFF;
	s21 =	sshll.u32 s5, $0x1;
	s2 =	sadd.s32 s19, s18  }
0x9c: {  	s6 =	simm.s32 $0x0;
	s20 =	sshll.u32 s4, $0x1;
	s4 =	sadd.s32 s21, s2  }
0x9d: {  	[timem:s6], [sflag:s22] =	dma.local [hbm:s4], s20  }
0x9e: {  	_ =	swait.ge [sflag:s22], s20  }
0x9f: {  	s3 =	ssub.s32 $0x0, s20;
	[sflag:s22] =	ssyncset.done $0x0  }
0xa0: {  	[sflag:s22] =	ssyncadd.s32 s3;
	_ =	sdelay $0x1  }
0xa1: {  	s23 =	simm.s32 $0x1B8B  }
0xa2: {  	_ =	swait.ge [sflag:s23], $0x1  }
0xa3: {  	[sflag:s23] =	ssyncset.done $0x0  }
0xa4: {  	s25 =	simm.s32 $0x1B8E;
	s24 =	sld [smem:$0x3FFE];
	[sflag:s23] =	ssyncadd.s32 $0xFFFFFFFF  }
0xa5: {  	s26 =	simm.s32 $execute0_lowered;
	[smem:$0x3FD2] =	sst s25  }
0xa6: {  	s4 =	sshll.u32 s26, $0x1;
	_ =	strace $0x80000046;
	[dreg:$0x1] =	wrdreg $0xFFFFFFFF  }
0xa7: {  	s28 =	simm.s32 $_size_execute0_lowered;
	s2 =	sadd.s32 s2, s4;
	[dreg:$0x0] =	wrdreg $0x0  }
0xa8: {  	s4 =	sshll.u32 s28, $0x1;
	[dreg:$0x2] =	wrdreg s2  }
0xa9: {  	[dreg:$0x3] =	wrdreg s4  }
0xaa: {  	[dreg:$0x4] =	wrdreg $0xC0  }
0xab: {  	_ =	task [dreg:s6], $0x5FFFF  }
0xac: {  	[dreg:$0x1] =	wrdreg $0xFFFFFFFF  }
0xad: {  	[dreg:$0x0] =	wrdreg $0x60  }
0xae: {  	[dreg:$0x2] =	wrdreg s24  }
0xaf: {  	[dreg:$0x3] =	wrdreg $0x88000  }
0xb0: {  	[dreg:$0x4] =	wrdreg $0x9  }
0xb1: {  	_ =	task.clear_ibuf [dreg:s6], $0x5FFFF;
	_ =	strace $0x90000046  }
0xb2: {  	s29 =	simm.s32 $0x9;
	_ =	strace $0x80000048  }
0xb3: {  	_ =	swait.ge [sflag:s29], $0x1  }
0xb4: {  	[sflag:s29] =	ssyncadd.s32 $0xFFFFFFFF  }
0xb5: {  	_ =	strace $0x90000048  }
0xb6: {  	_ =	sfence  }
0xb7: {  	s30 =	sld [smem:$0x0];
	_ =	sdelay $0x2  }
0xb8: {  	s31 =	sshll.u32 s1, $0xD;
	s1 =	sshrl.u32 s1, $0x2  }
0xb9: {  	s3 =	sand.u32 $0x4000, s31;
	s1 =	sadd.s32 s1, s30  }
0xba: {  	s0 =	sor.u32 s3, s0;
	s1 =	sshll.u32 s1, $0x11  }
0xbb: {  	s0 =	sor.u32 s1, s0  }
0xbc: {  	s0 =	sadd.s32 $0x8F2B, s0  }
0xbd: {  	[sflag:s0] =	ssyncadd.remote.s32 $0x1  }
0xbe: {  	_ =	sfence.sel $0xFFFF  }
0xbf: {  	[dreg:$0x0] =	wrdreg $0xFFFFFFFF;
	(pc) =	sbr.abs _section_cstart, $3  }
0xc0: {  	[dreg:$0x1] =	wrdreg $0xFFFFFFFF  }
0xc1: {  	_ =	task.clear_ibuf [dreg:s6], $0x2FFFF;
	_ =	strace $0x9FFFFFFF  }
0xc2: {  	(tm) =	ssettm $0x7FFFFFFF  }
0xc3: {  	_ =	shalt  }
tec
execute0_lowered:
.L_overlay_start_1:
0x0: {  	(tag) =	ssettag $0x1  }
0x1: {  	s4 =	rddreg [dreg:$0x0]  }
0x2: {  	s0 =	srdreg.scid;
	s1 =	rddreg [dreg:$0x1];
	s3 =	simm.s32 $0x0  }
0x3: {  	s2 =	stileid.u32;
	s14 =	simm.s32 $0x1;
	s15 =	simm.s32 $0x80  }
0x4: {  	s16 =	simm.s32 $0x2;
	s17 =	simm.s32 $0x180;
	s8 =	smul.u32 $0x14000, s2  }
0x5: {  	s18 =	simm.s32 $0x280;
	s19 =	simm.s32 $0x380;
	s11 =	smul.u32 $0x50000, s2  }
0x6: {  	s20 =	simm.s32 $0x480;
	s21 =	simm.s32 $0x580;
	s12 =	smul.u32 $0x28000, s2  }
0x7: {  	s22 =	simm.s32 $0x680;
	s5 =	sand.u32 $0x1, s0;
	s29 =	smul.u32 $0xA00, s2  }
0x8: {  	s23 =	simm.s32 $0x780;
	s0 =	rddreg [dreg:$0x2];
	s6 =	smul.u32 $0x280000, s5  }
0x9: {  	[smem:$0x7FF] =	sst s3;
	s28 =	sshll.u32 s2, $0x6;
	s7 =	smul.u32 $0xA000, s5  }
0xa: {  	_ =	strace $0x80000047;
	s9 =	smul.u32 $0x140000, s5;
	s5 =	ssub.s32 $0x2, s5  }
0xb: {  	s24 =	sshrl.u32 s8, $0x3;
	s25 =	sshrl.u32 s5, $0x1;
	s26 =	sshrl.u32 s11, $0x2  }
0xc: {  	s11 =	simm.s32 $0x3;
	s10 =	sadd.s32 s6, s4;
	s7 =	sadd.s32 s7, s4  }
0xd: {  	s6 =	sadd.s32 s24, s4;
	s8 =	sadd.s32 s8, s9;
	s9 =	ssub.s32 s5, s25  }
0xe: {  	s13 =	sadd.s32 s26, s1;
	s5 =	sor.u32 $0x1C03, s28;
	s24 =	simm.s32 $0x0  }
0xf: {  	s8 =	sshrl.u32 s8, $0x3;
	s30 =	sadd.s32 s12, s10;
	s31 =	sadd.s32 s29, s7  }
0x10: {  	s7 =	smax.u32 s9, $0x1;
	s10 =	sshrl.u32 s13, $0x3;
	s12 =	simm.s32 $0x800  }
0x11: {  	s13 =	simm.s32 $0x4800;
	s8 =	sadd.s32 s8, s4;
	s4 =	sadd.s32 $0x18800, s6  }
0x12: {  	s9 =	sadd.s32 $0x4800, s31;
	s6 =	sadd.s32 $0x40800, s8;
	s8 =	sadd.s32 $0x9DC800, s30  }
.LBB2_1:
0x13: {  	[spmem:s10], [sflag:s5] =	dma.local [hbm:s4], $0x2800  }
0x14: {  	_ =	swait.ge [sflag:s11], $0x2800  }
0x15: {  	[sflag:s11] =	ssyncset.done $0x0  }
0x16: {  	[sflag:s11] =	ssyncadd.s32 $0xFFFFD800  }
0x17: {  	[bflag:$0x0] =	sbarrier.arrive $0xFFFF  }
0x18: {  	[tilespmem:s3], [sflag:$0x3] =	stream.linear.gather [hbm4b:s9+s3], $0x800, $0x38;
	[tilespmem:$0x1C800] =	vst v63  }
0x19: {  	_ =	swait.ge [sflag:s11], $0x800  }
0x1a: {  	[sflag:s11] =	ssyncset.done $0x0  }
0x1b: {  	s25 =	sadd.s32 $0x0, s8;
	[sflag:s11] =	ssyncadd.s32 $0xFFFFF800  }
0x1c: {  	[tilespmem:s12], [sflag:$0x1] =	stream.linear.gather [hbm4b:s25+s3], $0x4000, $0x38;
	[tilespmem:$0x1C800] =	vst v63  }
0x1d: {  	s26 =	sadd.s32 $0x800, s25  }
0x1e: {  	[tilespmem:s13], [sflag:$0x2] =	stream.linear.gather [hbm4b:s26+s3], $0x4000, $0x38;
	[tilespmem:$0x1C800] =	vst v63  }
0x1f: {  	_ =	swait.ge [sflag:s14], $0x4000  }
0x20: {  	[sflag:s14] =	ssyncset.done $0x0  }
0x21: {  	[sflag:s14] =	ssyncadd.s32 $0xFFFFC000  }
0x22: {  	[spmem:s1] =	stream.indirect.scatter.add.f32 [tilespmem:s12], [sflag:$0x3], $0x80, s15, s15, $0xb8;
	[tilespmem:$0x1C800] =	vst v63  }
0x23: {  	_ =	swait.ge [sflag:s11], $0x4000  }
0x24: {  	[sflag:s11] =	ssyncset.done $0x0  }
0x25: {  	s31 =	sadd.s32 $0x1000, s25;
	[sflag:s11] =	ssyncadd.s32 $0xFFFFC000  }
0x26: {  	[tilespmem:s12], [sflag:$0x1] =	stream.linear.gather [hbm4b:s31+s3], $0x4000, $0x38;
	[tilespmem:$0x1C800] =	vst v63  }
0x27: {  	_ =	swait.ge [sflag:s16], $0x4000  }
0x28: {  	[sflag:s16] =	ssyncset.done $0x0  }
0x29: {  	[sflag:s16] =	ssyncadd.s32 $0xFFFFC000  }
0x2a: {  	[spmem:s1] =	stream.indirect.scatter.add.f32 [tilespmem:s13], [sflag:$0x3], $0x80, s17, s15, $0xb8;
	[tilespmem:$0x1C800] =	vst v63  }
0x2b: {  	_ =	swait.ge [sflag:s11], $0x4000  }
0x2c: {  	[sflag:s11] =	ssyncset.done $0x0  }
0x2d: {  	s28 =	sadd.s32 $0x1800, s25;
	[sflag:s11] =	ssyncadd.s32 $0xFFFFC000  }
0x2e: {  	[tilespmem:s13], [sflag:$0x2] =	stream.linear.gather [hbm4b:s28+s3], $0x4000, $0x38;
	[tilespmem:$0x1C800] =	vst v63  }
0x2f: {  	_ =	swait.ge [sflag:s14], $0x4000  }
0x30: {  	[sflag:s14] =	ssyncset.done $0x0  }
0x31: {  	[sflag:s14] =	ssyncadd.s32 $0xFFFFC000  }
0x32: {  	[spmem:s1] =	stream.indirect.scatter.add.f32 [tilespmem:s12], [sflag:$0x3], $0x80, s18, s15, $0xb8;
	[tilespmem:$0x1C800] =	vst v63  }
0x33: {  	_ =	swait.ge [sflag:s11], $0x4000  }
0x34: {  	[sflag:s11] =	ssyncset.done $0x0  }
0x35: {  	s29 =	sadd.s32 $0x2000, s25;
	[sflag:s11] =	ssyncadd.s32 $0xFFFFC000  }
0x36: {  	[tilespmem:s12], [sflag:$0x1] =	stream.linear.gather [hbm4b:s29+s3], $0x4000, $0x38;
	[tilespmem:$0x1C800] =	vst v63  }
0x37: {  	_ =	swait.ge [sflag:s16], $0x4000  }
0x38: {  	[sflag:s16] =	ssyncset.done $0x0  }
0x39: {  	[sflag:s16] =	ssyncadd.s32 $0xFFFFC000  }
0x3a: {  	[spmem:s1] =	stream.indirect.scatter.add.f32 [tilespmem:s13], [sflag:$0x3], $0x80, s19, s15, $0xb8;
	[tilespmem:$0x1C800] =	vst v63  }
0x3b: {  	_ =	swait.ge [sflag:s11], $0x4000  }
0x3c: {  	[sflag:s11] =	ssyncset.done $0x0  }
0x3d: {  	s30 =	sadd.s32 $0x2800, s25;
	[sflag:s11] =	ssyncadd.s32 $0xFFFFC000  }
0x3e: {  	[tilespmem:s13], [sflag:$0x2] =	stream.linear.gather [hbm4b:s30+s3], $0x4000, $0x38;
	[tilespmem:$0x1C800] =	vst v63  }
0x3f: {  	_ =	swait.ge [sflag:s14], $0x4000  }
0x40: {  	[sflag:s14] =	ssyncset.done $0x0  }
0x41: {  	[sflag:s14] =	ssyncadd.s32 $0xFFFFC000  }
0x42: {  	[spmem:s1] =	stream.indirect.scatter.add.f32 [tilespmem:s12], [sflag:$0x3], $0x80, s20, s15, $0xb8;
	[tilespmem:$0x1C800] =	vst v63  }
0x43: {  	_ =	swait.ge [sflag:s11], $0x4000  }
0x44: {  	[sflag:s11] =	ssyncset.done $0x0  }
0x45: {  	s31 =	sadd.s32 $0x3000, s25;
	[sflag:s11] =	ssyncadd.s32 $0xFFFFC000  }
0x46: {  	[tilespmem:s12], [sflag:$0x1] =	stream.linear.gather [hbm4b:s31+s3], $0x4000, $0x38;
	[tilespmem:$0x1C800] =	vst v63  }
0x47: {  	_ =	swait.ge [sflag:s16], $0x4000  }
0x48: {  	[sflag:s16] =	ssyncset.done $0x0  }
0x49: {  	[sflag:s16] =	ssyncadd.s32 $0xFFFFC000  }
0x4a: {  	[spmem:s1] =	stream.indirect.scatter.add.f32 [tilespmem:s13], [sflag:$0x3], $0x80, s21, s15, $0xb8;
	[tilespmem:$0x1C800] =	vst v63  }
0x4b: {  	_ =	swait.ge [sflag:s11], $0x4000  }
0x4c: {  	[sflag:s11] =	ssyncset.done $0x0  }
0x4d: {  	s25 =	sadd.s32 $0x3800, s25;
	[sflag:s11] =	ssyncadd.s32 $0xFFFFC000  }
0x4e: {  	[tilespmem:s13], [sflag:$0x2] =	stream.linear.gather [hbm4b:s25+s3], $0x4000, $0x38;
	[tilespmem:$0x1C800] =	vst v63  }
0x4f: {  	_ =	swait.ge [sflag:s14], $0x4000  }
0x50: {  	[sflag:s14] =	ssyncset.done $0x0  }
0x51: {  	[sflag:s14] =	ssyncadd.s32 $0xFFFFC000  }
0x52: {  	[spmem:s1] =	stream.indirect.scatter.add.f32 [tilespmem:s12], [sflag:$0x3], $0x80, s22, s15, $0xb8;
	[tilespmem:$0x1C800] =	vst v63  }
0x53: {  	_ =	swait.ge [sflag:s11], $0x4000  }
0x54: {  	[sflag:s11] =	ssyncset.done $0x0  }
0x55: {  	[sflag:s11] =	ssyncadd.s32 $0xFFFFC000  }
0x56: {  	_ =	swait.ge [sflag:s16], $0x4000  }
0x57: {  	[sflag:s16] =	ssyncset.done $0x0  }
0x58: {  	[sflag:s16] =	ssyncadd.s32 $0xFFFFC000  }
0x59: {  	[spmem:s1] =	stream.indirect.scatter.add.f32 [tilespmem:s13], [sflag:$0x3], $0x80, s23, s15, $0xb8;
	[tilespmem:$0x1C800] =	vst v63  }
0x5a: {  	_ =	swait.ge [sflag:s11], $0x4000  }
0x5b: {  	s26 =	smov.u32 s9;
	s25 =	simm.s32 $0x4000;
	[sflag:s11] =	ssyncset.done $0x0  }
.LBB2_2:
0x5c: {  	p0 =	sne.s32 s25, $0x24000;
	[sflag:s11] =	ssyncadd.s32 $0xFFFFC000;
	s26 =	sadd.s32 $0x100, s26  }
0x5d: {  	[tilespmem:s3], [sflag:$0x3] =	stream.linear.gather [hbm4b:s26+s3], $0x800, $0x38;
	[tilespmem:$0x1C800] =	vst v63  }
0x5e: {  	s28 =	smov.u32 s25;
	s25 =	sadd.s32 $0x4000, s25;
	_ =	swait.ge [sflag:s11], $0x800  }
0x5f: {  	[sflag:s11] =	ssyncset.done $0x0  }
0x60: {  	s28 =	sadd.s32 s28, s8;
	[sflag:s11] =	ssyncadd.s32 $0xFFFFF800  }
0x61: {  	[tilespmem:s12], [sflag:$0x1] =	stream.linear.gather [hbm4b:s28+s3], $0x4000, $0x38;
	[tilespmem:$0x1C800] =	vst v63  }
0x62: {  	s29 =	sadd.s32 $0x800, s28  }
0x63: {  	[tilespmem:s13], [sflag:$0x2] =	stream.linear.gather [hbm4b:s29+s3], $0x4000, $0x38;
	[tilespmem:$0x1C800] =	vst v63  }
0x64: {  	_ =	swait.ge [sflag:s14], $0x4000  }
0x65: {  	[sflag:s14] =	ssyncset.done $0x0  }
0x66: {  	[sflag:s14] =	ssyncadd.s32 $0xFFFFC000  }
0x67: {  	[spmem:s1] =	stream.indirect.scatter.add.f32 [tilespmem:s12], [sflag:$0x3], $0x80, s15, s15, $0xb8;
	[tilespmem:$0x1C800] =	vst v63  }
0x68: {  	_ =	swait.ge [sflag:s11], $0x4000  }
0x69: {  	[sflag:s11] =	ssyncset.done $0x0  }
0x6a: {  	s29 =	sadd.s32 $0x1000, s28;
	[sflag:s11] =	ssyncadd.s32 $0xFFFFC000  }
0x6b: {  	[tilespmem:s12], [sflag:$0x1] =	stream.linear.gather [hbm4b:s29+s3], $0x4000, $0x38;
	[tilespmem:$0x1C800] =	vst v63  }
0x6c: {  	_ =	swait.ge [sflag:s16], $0x4000  }
0x6d: {  	[sflag:s16] =	ssyncset.done $0x0  }
0x6e: {  	[sflag:s16] =	ssyncadd.s32 $0xFFFFC000  }
0x6f: {  	[spmem:s1] =	stream.indirect.scatter.add.f32 [tilespmem:s13], [sflag:$0x3], $0x80, s17, s15, $0xb8;
	[tilespmem:$0x1C800] =	vst v63  }
0x70: {  	_ =	swait.ge [sflag:s11], $0x4000  }
0x71: {  	[sflag:s11] =	ssyncset.done $0x0  }
0x72: {  	s29 =	sadd.s32 $0x1800, s28;
	[sflag:s11] =	ssyncadd.s32 $0xFFFFC000  }
0x73: {  	[tilespmem:s13], [sflag:$0x2] =	stream.linear.gather [hbm4b:s29+s3], $0x4000, $0x38;
	[tilespmem:$0x1C800] =	vst v63  }
0x74: {  	_ =	swait.ge [sflag:s14], $0x4000  }
0x75: {  	[sflag:s14] =	ssyncset.done $0x0  }
0x76: {  	[sflag:s14] =	ssyncadd.s32 $0xFFFFC000  }
0x77: {  	[spmem:s1] =	stream.indirect.scatter.add.f32 [tilespmem:s12], [sflag:$0x3], $0x80, s18, s15, $0xb8;
	[tilespmem:$0x1C800] =	vst v63  }
0x78: {  	_ =	swait.ge [sflag:s11], $0x4000  }
0x79: {  	[sflag:s11] =	ssyncset.done $0x0  }
0x7a: {  	s29 =	sadd.s32 $0x2000, s28;
	[sflag:s11] =	ssyncadd.s32 $0xFFFFC000  }
0x7b: {  	[tilespmem:s12], [sflag:$0x1] =	stream.linear.gather [hbm4b:s29+s3], $0x4000, $0x38;
	[tilespmem:$0x1C800] =	vst v63  }
0x7c: {  	_ =	swait.ge [sflag:s16], $0x4000  }
0x7d: {  	[sflag:s16] =	ssyncset.done $0x0  }
0x7e: {  	[sflag:s16] =	ssyncadd.s32 $0xFFFFC000  }
0x7f: {  	[spmem:s1] =	stream.indirect.scatter.add.f32 [tilespmem:s13], [sflag:$0x3], $0x80, s19, s15, $0xb8;
	[tilespmem:$0x1C800] =	vst v63  }
0x80: {  	_ =	swait.ge [sflag:s11], $0x4000  }
0x81: {  	[sflag:s11] =	ssyncset.done $0x0  }
0x82: {  	s29 =	sadd.s32 $0x2800, s28;
	[sflag:s11] =	ssyncadd.s32 $0xFFFFC000  }
0x83: {  	[tilespmem:s13], [sflag:$0x2] =	stream.linear.gather [hbm4b:s29+s3], $0x4000, $0x38;
	[tilespmem:$0x1C800] =	vst v63  }
0x84: {  	_ =	swait.ge [sflag:s14], $0x4000  }
0x85: {  	[sflag:s14] =	ssyncset.done $0x0  }
0x86: {  	[sflag:s14] =	ssyncadd.s32 $0xFFFFC000  }
0x87: {  	[spmem:s1] =	stream.indirect.scatter.add.f32 [tilespmem:s12], [sflag:$0x3], $0x80, s20, s15, $0xb8;
	[tilespmem:$0x1C800] =	vst v63  }
0x88: {  	_ =	swait.ge [sflag:s11], $0x4000  }
0x89: {  	[sflag:s11] =	ssyncset.done $0x0  }
0x8a: {  	s29 =	sadd.s32 $0x3000, s28;
	[sflag:s11] =	ssyncadd.s32 $0xFFFFC000  }
0x8b: {  	[tilespmem:s12], [sflag:$0x1] =	stream.linear.gather [hbm4b:s29+s3], $0x4000, $0x38;
	[tilespmem:$0x1C800] =	vst v63  }
0x8c: {  	_ =	swait.ge [sflag:s16], $0x4000  }
0x8d: {  	[sflag:s16] =	ssyncset.done $0x0  }
0x8e: {  	[sflag:s16] =	ssyncadd.s32 $0xFFFFC000  }
0x8f: {  	[spmem:s1] =	stream.indirect.scatter.add.f32 [tilespmem:s13], [sflag:$0x3], $0x80, s21, s15, $0xb8;
	[tilespmem:$0x1C800] =	vst v63  }
0x90: {  	_ =	swait.ge [sflag:s11], $0x4000  }
0x91: {  	[sflag:s11] =	ssyncset.done $0x0  }
0x92: {  	s28 =	sadd.s32 $0x3800, s28;
	[sflag:s11] =	ssyncadd.s32 $0xFFFFC000  }
0x93: {  	[tilespmem:s13], [sflag:$0x2] =	stream.linear.gather [hbm4b:s28+s3], $0x4000, $0x38;
	[tilespmem:$0x1C800] =	vst v63  }
0x94: {  	_ =	swait.ge [sflag:s14], $0x4000  }
0x95: {  	[sflag:s14] =	ssyncset.done $0x0  }
0x96: {  	[sflag:s14] =	ssyncadd.s32 $0xFFFFC000  }
0x97: {  	[spmem:s1] =	stream.indirect.scatter.add.f32 [tilespmem:s12], [sflag:$0x3], $0x80, s22, s15, $0xb8;
	[tilespmem:$0x1C800] =	vst v63  }
0x98: {  	_ =	swait.ge [sflag:s11], $0x4000  }
0x99: {  	[sflag:s11] =	ssyncset.done $0x0  }
0x9a: {  	[sflag:s11] =	ssyncadd.s32 $0xFFFFC000  }
0x9b: {  	_ =	swait.ge [sflag:s16], $0x4000  }
.Ltmp0:
0x9c: {  	[sflag:s16] =	ssyncset.done $0x0;
	(pc) =	sbr.rel @p0 .LBB2_2-.Ltmp0, $4  }
0x9d: {  	[sflag:s16] =	ssyncadd.s32 $0xFFFFC000  }
0x9e: {  	[spmem:s1] =	stream.indirect.scatter.add.f32 [tilespmem:s13], [sflag:$0x3], $0x80, s23, s15, $0xb8;
	[tilespmem:$0x1C800] =	vst v63  }
0x9f: {  	_ =	swait.ge [sflag:s11], $0x4000  }
0xa0: {  	[sflag:s11] =	ssyncset.done $0x0  }
0xa1: {  	s24 =	sadd.s32 $0x1, s24  }
0xa2: {  	[sflag:s11] =	ssyncadd.s32 $0xFFFFC000;
	p0 =	sne.s32 s24, s7  }
.Ltmp1:
0xa3: {  	[bflag:$0x0] =	sbarrier.arrive $0xFFFF;
	(pc) =	sbr.rel @p0 .LBB2_1-.Ltmp1, $4  }
0xa4: {  	[hbm:s6], [sflag:s5] =	dma.local [spmem:s10], $0x2800  }
0xa5: {  	_ =	swait.ge [sflag:s11], $0x2800  }
0xa6: {  	[sflag:s11] =	ssyncset.done $0x0  }
0xa7: {  	[sflag:s11] =	ssyncadd.s32 $0xFFFFD800  }
0xa8: {  	_ =	sfence.sel $0x180000  }
0xa9: {  	[bflag:$0x0] =	sbarrier.arrive $0xFFFF  }
0xaa: {  	p0 =	sne.s32 s2, $0x0;
	_ =	strace $0x90000047  }
0xab: {  	s0 =	sadd.s32 @!p0 $0x100000, s0;
	[bflag:$0x2] =	sbarrier.arrive $0xFFFF  }
0xac: {  	[sflag:s0] =	ssyncadd.tile.s32 @!p0 $0x1;
	_ =	shalt  }
.Lfunc_end2:
_tile_overlayer_lowered:
.L_overlay_start_2:
0xad: {  	(tag) =	ssettag $0x2  }
0xae: {  	s0 =	rddreg [dreg:$0x0];
	s2 =	stileid.u32  }
0xaf: {  	s1 =	rddreg [dreg:$0x1];
	p0 =	sne.s32 s2, $0x0  }
0xb0: {  	s3 =	rddreg [dreg:$0x2];
	[bflag:$0x3] =	sbarrier.arrive $0xFFFF;
	s2 =	simm.s32 @!p0 $0x1C03  }
0xb1: {  	[timem:s3], [sflag:s2] =	dma.local @!p0 [hbm:s0], s1  }
0xb2: {  	s0 =	simm.s32 @!p0 $0x3  }
0xb3: {  	_ =	swait.ge @!p0 [sflag:s0], s1  }
0xb4: {  	s1 =	ssub.s32 @!p0 $0x0, s1;
	[sflag:s0] =	ssyncset.done @!p0 $0x0  }
0xb5: {  	[sflag:s0] =	ssyncadd.s32 @!p0 s1  }
0xb6: {  	[bflag:$0x3] =	sbarrier.arrive $0xFFFF  }
0xb7: {  	_ =	shalt  }

// kernel: kernel.13.cloned.1.call-start
scs
__scs_entry_jumppad:
0x0: {  	(pc) =	sbr.rel $0x88, $3  }
0x1: {  	(tag) =	ssettag $0x0;
	lr =	simm.s32 $0x1  }
0x2: {  	[smem:$0x3F93] =	sst lr;
	_ =	strace $0xD0000000  }
0x3: {  	_ = 	snop  }
0x4: {  	_ = 	snop  }
0x5: {  	_ = 	snop  }
0x6: {  	_ = 	snop  }
0x7: {  	_ = 	snop  }
__scs_overlays_trampoline_lowered:
0x8: {  	[smem:$0x3FA2] =	sst s0  }
0x9: {  	[smem:$0x3FA3] =	sst s1  }
0xa: {  	[smem:$0x3FA4] =	sst s2  }
0xb: {  	[smem:$0x3FA5] =	sst s3  }
0xc: {  	[smem:$0x3FA6] =	sst s4  }
0xd: {  	[smem:$0x3FA7] =	sst s5  }
0xe: {  	[smem:$0x3FA8] =	sst s6  }
0xf: {  	[smem:$0x3FA9] =	sst s7  }
0x10: {  	[smem:$0x3FAA] =	sst s8  }
0x11: {  	[smem:$0x3FAB] =	sst s9;
	s0 =	simm.s32 @!p0 $0x0  }
0x12: {  	s1 =	sld [smem:$0x3F91];
	s0 =	simm.s32 @p0 $0x1  }
0x13: {  	[smem:$0x3FAC] =	sst s0;
	s0 =	simm.s32 @!p1 $0x0  }
0x14: {  	s2 =	sld [smem:$0x3F90];
	s0 =	simm.s32 @p1 $0x1  }
0x15: {  	[smem:$0x3FAD] =	sst s0;
	s0 =	simm.s32 @!p2 $0x0  }
0x16: {  	s3 =	sld [smem:$0x3FDB];
	s0 =	simm.s32 @p2 $0x1  }
0x17: {  	s4 =	simm.s32 $0x1BF5;
	[smem:$0x3FAF] =	sst s0  }
0x18: {  	s0 =	sld [smem:$0x3F92];
	_ =	swait.ge [sflag:s4], $0x0  }
0x19: {  	s7 =	sld [smem:$0x3F93]  }
0x1a: {  	s8 =	sadd.s32 $0xFFFFE003, lr  }
0x1b: {  	s9 =	sadd.s32 $0xFFFFFEF7, lr;
	s5 =	simm.s32 $0xFFFFFFFF;
	p2 =	slt.u32 s8, $0xFFFFF086  }
0x1c: {  	p1 =	slt.u32 s9, $0xF7A;
	s5 =	simm.s32 @!p2 $0x0  }
0x1d: {  	s5 =	simm.s32 @p1 $0x1;
	p0 =	seq.s32 s7, s2  }
0x1e: {  	s7 =	smul.u32 @!p0 $0xF7A, s2;
	p2 =	seq.s32 @!p0 s5, $0x0  }
0x1f: {  	s9 =	smul.u32 $0xF7A, s1;
	s8 =	simm.s32 @!p0 $0x1BF5;
	p2 =	por !p2, p0  }
0x20: {  	[sflag:s8] =	ssyncset.s32 @!p0 $0xFFFFF086;
	s6 =	sadd.s32 @!p0 s3, s7;
	s7 =	simm.s32 @!p0 $0x108  }
0x21: {  	s3 =	sadd.s32 s3, s9;
	s6 =	sadd.s32 @!p0 $0x88, s6;
	s7 =	simm.s32 @p2 $0x1082  }
0x22: {  	[simem:s7], [sflag:s8] =	dma.local @!p0 [hbm:s6], $0xF7A  }
0x23: {  	s9 =	sor.u32 $0xD0000000, s2;
	s6 =	simm.s32 $0x108;
	_ =	swait.ge @!p0 [sflag:s8], $0x0  }
0x24: {  	s3 =	sadd.s32 $0x88, s3;
	s6 =	simm.s32 @!p1 $0x1082;
	[sflag:s4] =	ssyncset.s32 $0xFFFFF086  }
0x25: {  	[simem:s6], [sflag:s4] =	dma.local [hbm:s3], $0xF7A  }
0x26: {  	[smem:$0x3F93] =	sst s1;
	(tag) =	ssettag s2;
	_ =	strace s9  }
0x27: {  	s1 =	sld [smem:$0x3FA3]  }
0x28: {  	s2 =	sld [smem:$0x3FA4]  }
0x29: {  	s4 =	sld [smem:$0x3FA6]  }
0x2a: {  	p0 =	seq.s32 s5, $0x0;
	s5 =	sld [smem:$0x3FA7]  }
0x2b: {  	s6 =	sld [smem:$0x3FA8]  }
0x2c: {  	s7 =	sld [smem:$0x3FA9]  }
0x2d: {  	s3 =	simm.s32 $0x108;
	s8 =	sld [smem:$0x3FAA]  }
0x2e: {  	s3 =	simm.s32 @!p0 $0x1082;
	s9 =	sld [smem:$0x3FAB]  }
0x2f: {  	lr =	sadd.s32 s0, s3;
	s0 =	sld [smem:$0x3FA2]  }
0x30: {  	s3 =	sld [smem:$0x3FA5]  }
0x31: {  	[smem:$0x3FAE] =	sst s10  }
0x32: {  	s10 =	sld [smem:$0x3FAC];
	_ =	sdelay $0x3  }
0x33: {  	p0 =	seq.s32 s10, $0x1;
	s10 =	sld [smem:$0x3FAE];
	_ =	sdelay $0x3  }
0x34: {  	[smem:$0x3FAE] =	sst s10  }
0x35: {  	s10 =	sld [smem:$0x3FAD];
	_ =	sdelay $0x3  }
0x36: {  	p1 =	seq.s32 s10, $0x1;
	s10 =	sld [smem:$0x3FAE];
	_ =	sdelay $0x3  }
0x37: {  	[smem:$0x3FAE] =	sst s10  }
0x38: {  	s10 =	sld [smem:$0x3FAF]  }
0x39: {  	_ = 	snop;
	(pc) =	sbr.ind lr, $3  }
0x3a: {  	_ = 	snop  }
0x3b: {  	_ = 	snop  }
0x3c: {  	p2 =	seq.s32 s10, $0x1;
	s10 =	sld [smem:$0x3FAE]  }
0x3d: {  	_ =	shalt  }
0x3e: {  	_ =	shalt  }
0x3f: {  	_ =	shalt  }
0x40: {  	_ =	shalt  }
0x41: {  	_ =	shalt  }
0x42: {  	_ =	shalt  }
0x43: {  	_ =	shalt  }
0x44: {  	_ =	shalt  }
0x45: {  	_ =	shalt  }
0x46: {  	_ =	shalt  }
0x47: {  	_ =	shalt  }
0x48: {  	_ =	shalt  }
0x49: {  	_ =	shalt  }
0x4a: {  	_ =	shalt  }
0x4b: {  	_ =	shalt  }
0x4c: {  	_ =	shalt  }
0x4d: {  	_ =	shalt  }
0x4e: {  	_ =	shalt  }
0x4f: {  	_ =	shalt  }
0x50: {  	_ =	shalt  }
0x51: {  	_ =	shalt  }
0x52: {  	_ =	shalt  }
0x53: {  	_ =	shalt  }
0x54: {  	_ =	shalt  }
0x55: {  	_ =	shalt  }
0x56: {  	_ =	shalt  }
0x57: {  	_ =	shalt  }
0x58: {  	_ =	shalt  }
0x59: {  	_ =	shalt  }
0x5a: {  	_ =	shalt  }
0x5b: {  	_ =	shalt  }
0x5c: {  	_ =	shalt  }
0x5d: {  	_ =	shalt  }
0x5e: {  	_ =	shalt  }
0x5f: {  	_ =	shalt  }
0x60: {  	_ =	shalt  }
0x61: {  	_ =	shalt  }
0x62: {  	_ =	shalt  }
0x63: {  	_ =	shalt  }
0x64: {  	_ =	shalt  }
0x65: {  	_ =	shalt  }
0x66: {  	_ =	shalt  }
0x67: {  	_ =	shalt  }
0x68: {  	_ =	shalt  }
0x69: {  	_ =	shalt  }
0x6a: {  	_ =	shalt  }
0x6b: {  	_ =	shalt  }
0x6c: {  	_ =	shalt  }
0x6d: {  	_ =	shalt  }
0x6e: {  	_ =	shalt  }
0x6f: {  	_ =	shalt  }
0x70: {  	_ =	shalt  }
0x71: {  	_ =	shalt  }
0x72: {  	_ =	shalt  }
0x73: {  	_ =	shalt  }
0x74: {  	_ =	shalt  }
0x75: {  	_ =	shalt  }
0x76: {  	_ =	shalt  }
0x77: {  	_ =	shalt  }
0x78: {  	_ =	shalt  }
0x79: {  	_ =	shalt  }
0x7a: {  	_ =	shalt  }
0x7b: {  	_ =	shalt  }
0x7c: {  	_ =	shalt  }
0x7d: {  	_ =	shalt  }
0x7e: {  	_ =	shalt  }
0x7f: {  	_ =	shalt  }
0x80: {  	_ =	shalt  }
0x81: {  	_ =	shalt  }
0x82: {  	_ =	shalt  }
0x83: {  	_ =	shalt  }
0x84: {  	_ =	shalt  }
0x85: {  	_ =	shalt  }
0x86: {  	_ =	shalt  }
0x87: {  	_ =	shalt  }
.Lfunc_end0:
.L_simem_size_0:
called_computation.1_lowered:
.L_overlay_start_0:
0x88: {  	s2 =	sld [smem:$0x3FD9]  }
0x89: {  	s3 =	sld [smem:$0x3FFE];
	_ =	sdelay $0x1  }
0x8a: {  	s1 =	srdreg.scid  }
0x8b: {  	s0 =	sand.u32 $0x1, s1  }
0x8c: {  	s17 =	sshll.u32 s0, $0xA;
	s2 =	sadd.s32 s3, s2  }
0x8d: {  	s2 =	sadd.s32 s2, s17  }
0x8e: {  	[smem:$0x3FBA] =	sst s2  }
0x8f: {  	_ = 	snop  }
0x90: {  	(tm) =	ssettm $0x1  }
0x91: {  	s18 =	sld [smem:$0x3FFB];
	_ =	sdelay $0x3  }
0x92: {  	_ =	strace s18  }
0x93: {  	s2 =	sld [smem:$0x3FFC];
	_ =	sdelay $0x3  }
0x94: {  	_ =	strace s2  }
0x95: {  	s2 =	sld [smem:$0x3FFD];
	_ =	sdelay $0x3  }
0x96: {  	_ =	strace s2  }
0x97: {  	_ =	strace $0x8FFFFFFF  }
0x98: {  	s19 =	sld [smem:$0x3FDB];
	_ =	sdelay $0x1  }
0x99: {  	s20 =	simm.s32 $_scs_section_size  }
0x9a: {  	s4 =	simm.s32 $_size__tile_overlayer_lowered;
	s5 =	simm.s32 $_tile_overlayer_lowered  }
0x9b: {  	s6 =	simm.s32 $0x1BFF;
	s21 =	sshll.u32 s5, $0x1;
	s3 =	sadd.s32 s20, s19  }
0x9c: {  	s22 =	simm.s32 $0x0;
	s4 =	sshll.u32 s4, $0x1;
	s5 =	sadd.s32 s21, s3  }
0x9d: {  	[timem:s22], [sflag:s6] =	dma.local [hbm:s5], s4  }
0x9e: {  	_ =	swait.ge [sflag:s6], s4  }
0x9f: {  	s4 =	ssub.s32 $0x0, s4;
	[sflag:s6] =	ssyncset.done $0x0  }
0xa0: {  	[sflag:s6] =	ssyncadd.s32 s4;
	_ =	sdelay $0x1  }
0xa1: {  	s23 =	simm.s32 $0x1B8B  }
0xa2: {  	_ =	swait.ge [sflag:s23], $0x1  }
0xa3: {  	[sflag:s23] =	ssyncset.done $0x0  }
0xa4: {  	[sflag:s23] =	ssyncadd.s32 $0xFFFFFFFF  }
0xa5: {  	s4 =	sld [smem:$0x0]  }
0xa6: {  	s5 =	sand.u32 $0xFFFFFFFE, s1  }
0xa7: {  	p0 =	sne.s32 s1, s5  }
0xa8: {  	s5 =	sshll.u32 @p0 s5, $0xE  }
0xa9: {  	s5 =	sadd.s32 @p0 $0x11B8D, s5;
	s6 =	sshll.u32 @p0 s4, $0x11  }
0xaa: {  	s5 =	sor.u32 @p0 s6, s5  }
0xab: {  	[sflag:s5] =	ssyncadd.remote.s32 @p0 $0x1;
	_ =	sdelay $0x1  }
0xac: {  	s5 =	simm.s32 @p0 $0x1B8D  }
0xad: {  	_ =	swait.eq @p0 [sflag:s5], $0x1  }
0xae: {  	[sflag:s5] =	ssyncadd.s32 @p0 $0xFFFFFFFF  }
0xaf: {  	s6 =	sshll.u32 @!p0 s1, $0xE  }
0xb0: {  	s6 =	sor.u32 @!p0 $0x4000, s6;
	s5 =	simm.s32 @!p0 $0x1B8D  }
0xb1: {  	s4 =	sshll.u32 @!p0 s4, $0x11;
	s6 =	sadd.s32 @!p0 $0x11B8D, s6;
	_ =	swait.eq @!p0 [sflag:s5], $0x1  }
0xb2: {  	s4 =	sor.u32 @!p0 s4, s6;
	[sflag:s5] =	ssyncadd.s32 @!p0 $0xFFFFFFFF  }
0xb3: {  	s25 =	simm.s32 $0x1B8E;
	s24 =	sld [smem:$0x3FFE];
	[sflag:s4] =	ssyncadd.remote.s32 @!p0 $0x1  }
0xb4: {  	s26 =	simm.s32 $execute0_lowered;
	[smem:$0x3FD2] =	sst s25  }
0xb5: {  	s5 =	sshll.u32 s26, $0x1;
	_ =	strace $0x80000049;
	[dreg:$0x1] =	wrdreg $0xFFFFFFFF  }
0xb6: {  	s28 =	simm.s32 $_size_execute0_lowered;
	s3 =	sadd.s32 s3, s5;
	[dreg:$0x0] =	wrdreg $0x0  }
0xb7: {  	s5 =	sshll.u32 s28, $0x1;
	[dreg:$0x2] =	wrdreg s3  }
0xb8: {  	[dreg:$0x3] =	wrdreg s5  }
0xb9: {  	[dreg:$0x4] =	wrdreg $0xC0  }
0xba: {  	_ =	task [dreg:s22], $0x5FFFF  }
0xbb: {  	[dreg:$0x1] =	wrdreg $0xFFFFFFFF  }
0xbc: {  	[dreg:$0x0] =	wrdreg $0x60  }
0xbd: {  	[dreg:$0x2] =	wrdreg s24  }
0xbe: {  	[dreg:$0x3] =	wrdreg $0x88000  }
0xbf: {  	[dreg:$0x4] =	wrdreg $0xA  }
0xc0: {  	_ =	task.clear_ibuf [dreg:s22], $0x5FFFF;
	_ =	strace $0x90000049  }
0xc1: {  	s29 =	simm.s32 $0xA;
	_ =	strace $0x8000004B  }
0xc2: {  	_ =	swait.ge [sflag:s29], $0x1  }
0xc3: {  	[sflag:s29] =	ssyncadd.s32 $0xFFFFFFFF  }
0xc4: {  	_ =	strace $0x9000004B  }
0xc5: {  	_ =	sfence  }
0xc6: {  	s30 =	sld [smem:$0x0];
	_ =	sdelay $0x2  }
0xc7: {  	s31 =	sshll.u32 s1, $0xD;
	s1 =	sshrl.u32 s1, $0x2  }
0xc8: {  	s4 =	sand.u32 $0x4000, s31;
	s1 =	sadd.s32 s1, s30  }
0xc9: {  	s0 =	sor.u32 s4, s0;
	s1 =	sshll.u32 s1, $0x11  }
0xca: {  	s0 =	sor.u32 s1, s0  }
0xcb: {  	s0 =	sadd.s32 $0x8F2B, s0  }
0xcc: {  	[sflag:s0] =	ssyncadd.remote.s32 $0x1  }
0xcd: {  	_ =	sfence.sel $0xFFFF  }
0xce: {  	[dreg:$0x0] =	wrdreg $0xFFFFFFFF;
	(pc) =	sbr.abs _section_cstart, $3  }
0xcf: {  	[dreg:$0x1] =	wrdreg $0xFFFFFFFF  }
0xd0: {  	_ =	task.clear_ibuf [dreg:s22], $0x2FFFF;
	_ =	strace $0x9FFFFFFF  }
0xd1: {  	(tm) =	ssettm $0x7FFFFFFF  }
tec
execute0_lowered:
.L_overlay_start_1:
0x0: {  	(tag) =	ssettag $0x1  }
0x1: {  	s0 =	srdreg.scid;
	s1 =	rddreg [dreg:$0x0]  }
0x2: {  	s8 =	stileid.u32;
	s2 =	rddreg [dreg:$0x1]  }
0x3: {  	s3 =	simm.s32 $0x0;
	s11 =	simm.s32 $0x3;
	s12 =	simm.s32 $0x80  }
0x4: {  	s13 =	simm.s32 $0x800;
	s14 =	simm.s32 $0x100;
	s15 =	simm.s32 $0x4800  }
0x5: {  	s16 =	simm.s32 $0x1;
	s17 =	simm.s32 $0x200;
	s18 =	simm.s32 $0x2  }
0x6: {  	s19 =	simm.s32 $0x180;
	s20 =	simm.s32 $0x300;
	s5 =	smul.u32 $0x5000, s8  }
0x7: {  	s28 =	simm.s32 $0x580;
	s29 =	simm.s32 $0x700;
	s21 =	smul.u32 $0x14000, s8  }
0x8: {  	s30 =	simm.s32 $0x680;
	s0 =	sand.u32 $0x1, s0;
	s23 =	smul.u32 $0x50000, s8  }
0x9: {  	s31 =	simm.s32 $0x780;
	[smem:$0x7FF] =	sst s3;
	s4 =	smul.u32 $0x50000, s0  }
0xa: {  	s26 =	sshll.u32 s8, $0x6;
	s7 =	smul.u32 $0x140000, s0;
	s0 =	ssub.s32 $0x2, s0  }
0xb: {  	_ =	strace $0x8000004A;
	s22 =	sshrl.u32 s21, $0x3;
	s24 =	sshrl.u32 s0, $0x1  }
0xc: {  	s4 =	sadd.s32 s5, s4;
	s5 =	sadd.s32 s21, s7;
	s7 =	sshrl.u32 s23, $0x2  }
0xd: {  	s0 =	ssub.s32 s0, s24;
	s21 =	simm.s32 $0x280;
	s23 =	simm.s32 $0x380  }
0xe: {  	s24 =	simm.s32 $0x500;
	s6 =	sshrl.u32 s4, $0x3;
	s4 =	sadd.s32 $0x90800, s1  }
0xf: {  	s5 =	sshrl.u32 s5, $0x3;
	s25 =	sadd.s32 s7, s2;
	s0 =	smax.u32 s0, $0x1  }
0x10: {  	s9 =	sadd.s32 s6, s1;
	s6 =	sadd.s32 s22, s1;
	s1 =	sadd.s32 s5, s1  }
0x11: {  	[dreg:$0x5] =	wrdreg s0;
	s10 =	sshrl.u32 s25, $0x3;
	s22 =	simm.s32 $0x400  }
0x12: {  	s25 =	simm.s32 $0x480;
	s6 =	sadd.s32 $0x18800, s6;
	s1 =	sadd.s32 $0xB7A00, s1  }
0x13: {  	s9 =	sadd.s32 $0x4800, s9;
	[dreg:$0x3] =	wrdreg s6;
	s6 =	sor.u32 $0x1C03, s26  }
0x14: {  	[dreg:$0x4] =	wrdreg s1;
	s26 =	simm.s32 $0x600;
	s1 =	simm.s32 $0x0  }
.LBB2_1:
0x15: {  	s0 =	rddreg [dreg:$0x3]  }
0x16: {  	[spmem:s10], [sflag:s6] =	dma.local [hbm:s0], $0x2800  }
0x17: {  	_ =	swait.ge [sflag:s11], $0x2800  }
0x18: {  	[sflag:s11] =	ssyncset.done $0x0  }
0x19: {  	[sflag:s11] =	ssyncadd.s32 $0xFFFFD800  }
0x1a: {  	s8 =	sadd.s32 $0x0, s9;
	[bflag:$0x0] =	sbarrier.arrive $0xFFFF  }
0x1b: {  	[tilespmem:s3], [sflag:$0x3] =	stream.linear.gather [hbm4b:s8+s3], $0x800, $0x38;
	[tilespmem:$0x1C800] =	vst v63  }
0x1c: {  	_ =	swait.ge [sflag:s11], $0x800  }
0x1d: {  	[sflag:s11] =	ssyncset.done $0x0  }
0x1e: {  	[sflag:s11] =	ssyncadd.s32 $0xFFFFF800  }
0x1f: {  	[tilespmem:s13], [sflag:$0x1] =	stream.indirect.gather [hbm4b:s4+s12], $0x80, s3, s12, $0xb8;
	[tilespmem:$0x1C800] =	vst v63  }
0x20: {  	_ = 	snop  }
0x21: {  	[tilespmem:s15], [sflag:$0x2] =	stream.indirect.gather [hbm4b:s4+s12], $0x80, s14, s12, $0xb8;
	[tilespmem:$0x1C800] =	vst v63  }
0x22: {  	_ =	swait.ge [sflag:s16], $0x4000  }
0x23: {  	[sflag:s16] =	ssyncset.done $0x0  }
0x24: {  	[sflag:s16] =	ssyncadd.s32 $0xFFFFC000  }
0x25: {  	[spmem:s2] =	stream.indirect.scatter.add.f32 [tilespmem:s13], [sflag:$0x3], $0x80, s12, s12, $0xb8;
	[tilespmem:$0x1C800] =	vst v63  }
0x26: {  	_ =	swait.ge [sflag:s11], $0x4000  }
0x27: {  	[sflag:s11] =	ssyncset.done $0x0  }
0x28: {  	[sflag:s11] =	ssyncadd.s32 $0xFFFFC000  }
0x29: {  	[tilespmem:s13], [sflag:$0x1] =	stream.indirect.gather [hbm4b:s4+s12], $0x80, s17, s12, $0xb8;
	[tilespmem:$0x1C800] =	vst v63  }
0x2a: {  	_ =	swait.ge [sflag:s18], $0x4000  }
0x2b: {  	[sflag:s18] =	ssyncset.done $0x0  }
0x2c: {  	[sflag:s18] =	ssyncadd.s32 $0xFFFFC000  }
0x2d: {  	[spmem:s2] =	stream.indirect.scatter.add.f32 [tilespmem:s15], [sflag:$0x3], $0x80, s19, s12, $0xb8;
	[tilespmem:$0x1C800] =	vst v63  }
0x2e: {  	_ =	swait.ge [sflag:s11], $0x4000  }
0x2f: {  	[sflag:s11] =	ssyncset.done $0x0  }
0x30: {  	[sflag:s11] =	ssyncadd.s32 $0xFFFFC000  }
0x31: {  	[tilespmem:s15], [sflag:$0x2] =	stream.indirect.gather [hbm4b:s4+s12], $0x80, s20, s12, $0xb8;
	[tilespmem:$0x1C800] =	vst v63  }
0x32: {  	_ =	swait.ge [sflag:s16], $0x4000  }
0x33: {  	[sflag:s16] =	ssyncset.done $0x0  }
0x34: {  	[sflag:s16] =	ssyncadd.s32 $0xFFFFC000  }
0x35: {  	[spmem:s2] =	stream.indirect.scatter.add.f32 [tilespmem:s13], [sflag:$0x3], $0x80, s21, s12, $0xb8;
	[tilespmem:$0x1C800] =	vst v63  }
0x36: {  	_ =	swait.ge [sflag:s11], $0x4000  }
0x37: {  	[sflag:s11] =	ssyncset.done $0x0  }
0x38: {  	[sflag:s11] =	ssyncadd.s32 $0xFFFFC000  }
0x39: {  	[tilespmem:s13], [sflag:$0x1] =	stream.indirect.gather [hbm4b:s4+s12], $0x80, s22, s12, $0xb8;
	[tilespmem:$0x1C800] =	vst v63  }
0x3a: {  	_ =	swait.ge [sflag:s18], $0x4000  }
0x3b: {  	[sflag:s18] =	ssyncset.done $0x0  }
0x3c: {  	[sflag:s18] =	ssyncadd.s32 $0xFFFFC000  }
0x3d: {  	[spmem:s2] =	stream.indirect.scatter.add.f32 [tilespmem:s15], [sflag:$0x3], $0x80, s23, s12, $0xb8;
	[tilespmem:$0x1C800] =	vst v63  }
0x3e: {  	_ =	swait.ge [sflag:s11], $0x4000  }
0x3f: {  	[sflag:s11] =	ssyncset.done $0x0  }
0x40: {  	[sflag:s11] =	ssyncadd.s32 $0xFFFFC000  }
0x41: {  	[tilespmem:s15], [sflag:$0x2] =	stream.indirect.gather [hbm4b:s4+s12], $0x80, s24, s12, $0xb8;
	[tilespmem:$0x1C800] =	vst v63  }
0x42: {  	_ =	swait.ge [sflag:s16], $0x4000  }
0x43: {  	[sflag:s16] =	ssyncset.done $0x0  }
0x44: {  	[sflag:s16] =	ssyncadd.s32 $0xFFFFC000  }
0x45: {  	[spmem:s2] =	stream.indirect.scatter.add.f32 [tilespmem:s13], [sflag:$0x3], $0x80, s25, s12, $0xb8;
	[tilespmem:$0x1C800] =	vst v63  }
0x46: {  	_ =	swait.ge [sflag:s11], $0x4000  }
0x47: {  	[sflag:s11] =	ssyncset.done $0x0  }
0x48: {  	[sflag:s11] =	ssyncadd.s32 $0xFFFFC000  }
0x49: {  	[tilespmem:s13], [sflag:$0x1] =	stream.indirect.gather [hbm4b:s4+s12], $0x80, s26, s12, $0xb8;
	[tilespmem:$0x1C800] =	vst v63  }
0x4a: {  	_ =	swait.ge [sflag:s18], $0x4000  }
0x4b: {  	[sflag:s18] =	ssyncset.done $0x0  }
0x4c: {  	[sflag:s18] =	ssyncadd.s32 $0xFFFFC000  }
0x4d: {  	[spmem:s2] =	stream.indirect.scatter.add.f32 [tilespmem:s15], [sflag:$0x3], $0x80, s28, s12, $0xb8;
	[tilespmem:$0x1C800] =	vst v63  }
0x4e: {  	_ =	swait.ge [sflag:s11], $0x4000  }
0x4f: {  	[sflag:s11] =	ssyncset.done $0x0  }
0x50: {  	[sflag:s11] =	ssyncadd.s32 $0xFFFFC000  }
0x51: {  	[tilespmem:s15], [sflag:$0x2] =	stream.indirect.gather [hbm4b:s4+s12], $0x80, s29, s12, $0xb8;
	[tilespmem:$0x1C800] =	vst v63  }
0x52: {  	_ =	swait.ge [sflag:s16], $0x4000  }
0x53: {  	[sflag:s16] =	ssyncset.done $0x0  }
0x54: {  	[sflag:s16] =	ssyncadd.s32 $0xFFFFC000  }
0x55: {  	[spmem:s2] =	stream.indirect.scatter.add.f32 [tilespmem:s13], [sflag:$0x3], $0x80, s30, s12, $0xb8;
	[tilespmem:$0x1C800] =	vst v63  }
0x56: {  	_ =	swait.ge [sflag:s11], $0x4000  }
0x57: {  	[sflag:s11] =	ssyncset.done $0x0  }
0x58: {  	[sflag:s11] =	ssyncadd.s32 $0xFFFFC000  }
0x59: {  	_ =	swait.ge [sflag:s18], $0x4000  }
0x5a: {  	[sflag:s18] =	ssyncset.done $0x0  }
0x5b: {  	[sflag:s18] =	ssyncadd.s32 $0xFFFFC000  }
0x5c: {  	[spmem:s2] =	stream.indirect.scatter.add.f32 [tilespmem:s15], [sflag:$0x3], $0x80, s31, s12, $0xb8;
	[tilespmem:$0x1C800] =	vst v63  }
0x5d: {  	_ =	swait.ge [sflag:s11], $0x4000  }
0x5e: {  	s5 =	simm.s32 $0x200;
	s0 =	simm.s32 $0x100;
	[sflag:s11] =	ssyncset.done $0x0  }
.LBB2_2:
0x5f: {  	s8 =	sadd.s32 s0, s9  }
0x60: {  	[sflag:s11] =	ssyncadd.s32 $0xFFFFC000;
	s0 =	smov.u32 s5;
	s7 =	sadd.s32 $0x100, s5  }
0x61: {  	[tilespmem:s3], [sflag:$0x3] =	stream.linear.gather [hbm4b:s8+s3], $0x800, $0x38;
	[tilespmem:$0x1C800] =	vst v63  }
0x62: {  	p0 =	sne.s32 s5, $0x900;
	_ =	swait.ge [sflag:s11], $0x800  }
0x63: {  	[sflag:s11] =	ssyncset.done $0x0  }
0x64: {  	[sflag:s11] =	ssyncadd.s32 $0xFFFFF800  }
0x65: {  	[tilespmem:s13], [sflag:$0x1] =	stream.indirect.gather [hbm4b:s4+s12], $0x80, s3, s12, $0xb8;
	[tilespmem:$0x1C800] =	vst v63  }
0x66: {  	_ = 	snop  }
0x67: {  	[tilespmem:s15], [sflag:$0x2] =	stream.indirect.gather [hbm4b:s4+s12], $0x80, s14, s12, $0xb8;
	[tilespmem:$0x1C800] =	vst v63  }
0x68: {  	_ =	swait.ge [sflag:s16], $0x4000  }
0x69: {  	[sflag:s16] =	ssyncset.done $0x0  }
0x6a: {  	[sflag:s16] =	ssyncadd.s32 $0xFFFFC000  }
0x6b: {  	[spmem:s2] =	stream.indirect.scatter.add.f32 [tilespmem:s13], [sflag:$0x3], $0x80, s12, s12, $0xb8;
	[tilespmem:$0x1C800] =	vst v63  }
0x6c: {  	_ =	swait.ge [sflag:s11], $0x4000  }
0x6d: {  	[sflag:s11] =	ssyncset.done $0x0  }
0x6e: {  	[sflag:s11] =	ssyncadd.s32 $0xFFFFC000  }
0x6f: {  	[tilespmem:s13], [sflag:$0x1] =	stream.indirect.gather [hbm4b:s4+s12], $0x80, s17, s12, $0xb8;
	[tilespmem:$0x1C800] =	vst v63  }
0x70: {  	_ =	swait.ge [sflag:s18], $0x4000  }
0x71: {  	[sflag:s18] =	ssyncset.done $0x0  }
0x72: {  	[sflag:s18] =	ssyncadd.s32 $0xFFFFC000  }
0x73: {  	[spmem:s2] =	stream.indirect.scatter.add.f32 [tilespmem:s15], [sflag:$0x3], $0x80, s19, s12, $0xb8;
	[tilespmem:$0x1C800] =	vst v63  }
0x74: {  	_ =	swait.ge [sflag:s11], $0x4000  }
0x75: {  	[sflag:s11] =	ssyncset.done $0x0  }
0x76: {  	[sflag:s11] =	ssyncadd.s32 $0xFFFFC000  }
0x77: {  	[tilespmem:s15], [sflag:$0x2] =	stream.indirect.gather [hbm4b:s4+s12], $0x80, s20, s12, $0xb8;
	[tilespmem:$0x1C800] =	vst v63  }
0x78: {  	_ =	swait.ge [sflag:s16], $0x4000  }
0x79: {  	[sflag:s16] =	ssyncset.done $0x0  }
0x7a: {  	[sflag:s16] =	ssyncadd.s32 $0xFFFFC000  }
0x7b: {  	[spmem:s2] =	stream.indirect.scatter.add.f32 [tilespmem:s13], [sflag:$0x3], $0x80, s21, s12, $0xb8;
	[tilespmem:$0x1C800] =	vst v63  }
0x7c: {  	_ =	swait.ge [sflag:s11], $0x4000  }
0x7d: {  	[sflag:s11] =	ssyncset.done $0x0  }
0x7e: {  	[sflag:s11] =	ssyncadd.s32 $0xFFFFC000  }
0x7f: {  	[tilespmem:s13], [sflag:$0x1] =	stream.indirect.gather [hbm4b:s4+s12], $0x80, s22, s12, $0xb8;
	[tilespmem:$0x1C800] =	vst v63  }
0x80: {  	_ =	swait.ge [sflag:s18], $0x4000  }
0x81: {  	[sflag:s18] =	ssyncset.done $0x0  }
0x82: {  	[sflag:s18] =	ssyncadd.s32 $0xFFFFC000  }
0x83: {  	[spmem:s2] =	stream.indirect.scatter.add.f32 [tilespmem:s15], [sflag:$0x3], $0x80, s23, s12, $0xb8;
	[tilespmem:$0x1C800] =	vst v63  }
0x84: {  	_ =	swait.ge [sflag:s11], $0x4000  }
0x85: {  	[sflag:s11] =	ssyncset.done $0x0  }
0x86: {  	[sflag:s11] =	ssyncadd.s32 $0xFFFFC000  }
0x87: {  	[tilespmem:s15], [sflag:$0x2] =	stream.indirect.gather [hbm4b:s4+s12], $0x80, s24, s12, $0xb8;
	[tilespmem:$0x1C800] =	vst v63  }
0x88: {  	_ =	swait.ge [sflag:s16], $0x4000  }
0x89: {  	[sflag:s16] =	ssyncset.done $0x0  }
0x8a: {  	[sflag:s16] =	ssyncadd.s32 $0xFFFFC000  }
0x8b: {  	[spmem:s2] =	stream.indirect.scatter.add.f32 [tilespmem:s13], [sflag:$0x3], $0x80, s25, s12, $0xb8;
	[tilespmem:$0x1C800] =	vst v63  }
0x8c: {  	_ =	swait.ge [sflag:s11], $0x4000  }
0x8d: {  	[sflag:s11] =	ssyncset.done $0x0  }
0x8e: {  	[sflag:s11] =	ssyncadd.s32 $0xFFFFC000  }
0x8f: {  	[tilespmem:s13], [sflag:$0x1] =	stream.indirect.gather [hbm4b:s4+s12], $0x80, s26, s12, $0xb8;
	[tilespmem:$0x1C800] =	vst v63  }
0x90: {  	_ =	swait.ge [sflag:s18], $0x4000  }
0x91: {  	[sflag:s18] =	ssyncset.done $0x0  }
0x92: {  	[sflag:s18] =	ssyncadd.s32 $0xFFFFC000  }
0x93: {  	[spmem:s2] =	stream.indirect.scatter.add.f32 [tilespmem:s15], [sflag:$0x3], $0x80, s28, s12, $0xb8;
	[tilespmem:$0x1C800] =	vst v63  }
0x94: {  	_ =	swait.ge [sflag:s11], $0x4000  }
0x95: {  	[sflag:s11] =	ssyncset.done $0x0  }
0x96: {  	[sflag:s11] =	ssyncadd.s32 $0xFFFFC000  }
0x97: {  	[tilespmem:s15], [sflag:$0x2] =	stream.indirect.gather [hbm4b:s4+s12], $0x80, s29, s12, $0xb8;
	[tilespmem:$0x1C800] =	vst v63  }
0x98: {  	_ =	swait.ge [sflag:s16], $0x4000  }
0x99: {  	[sflag:s16] =	ssyncset.done $0x0  }
0x9a: {  	[sflag:s16] =	ssyncadd.s32 $0xFFFFC000  }
0x9b: {  	[spmem:s2] =	stream.indirect.scatter.add.f32 [tilespmem:s13], [sflag:$0x3], $0x80, s30, s12, $0xb8;
	[tilespmem:$0x1C800] =	vst v63  }
0x9c: {  	_ =	swait.ge [sflag:s11], $0x4000  }
0x9d: {  	[sflag:s11] =	ssyncset.done $0x0  }
0x9e: {  	[sflag:s11] =	ssyncadd.s32 $0xFFFFC000  }
0x9f: {  	_ =	swait.ge [sflag:s18], $0x4000  }
.Ltmp0:
0xa0: {  	[sflag:s18] =	ssyncset.done $0x0;
	(pc) =	sbr.rel @p0 .LBB2_2-.Ltmp0, $4  }
0xa1: {  	[sflag:s18] =	ssyncadd.s32 $0xFFFFC000  }
0xa2: {  	[spmem:s2] =	stream.indirect.scatter.add.f32 [tilespmem:s15], [sflag:$0x3], $0x80, s31, s12, $0xb8;
	[tilespmem:$0x1C800] =	vst v63  }
0xa3: {  	_ =	swait.ge [sflag:s11], $0x4000  }
0xa4: {  	s5 =	smov.u32 s7;
	[sflag:s11] =	ssyncset.done $0x0  }
0xa5: {  	s0 =	sadd.s32 s0, s9;
	[sflag:s11] =	ssyncadd.s32 $0xFFFFC000  }
0xa6: {  	[tilespmem:s3], [sflag:$0x3] =	stream.linear.gather [hbm4b:s0+s3], $0x800, $0x38;
	[tilespmem:$0x1C800] =	vst v63  }
0xa7: {  	_ =	swait.ge [sflag:s11], $0x800  }
0xa8: {  	[sflag:s11] =	ssyncset.done $0x0  }
0xa9: {  	[sflag:s11] =	ssyncadd.s32 $0xFFFFF800  }
0xaa: {  	[tilespmem:s13], [sflag:$0x1] =	stream.indirect.gather [hbm4b:s4+s12], $0x80, s3, s12, $0xb8;
	[tilespmem:$0x1C800] =	vst v63  }
0xab: {  	_ = 	snop  }
0xac: {  	[tilespmem:s15], [sflag:$0x2] =	stream.indirect.gather [hbm4b:s4+s12], $0x80, s14, s12, $0xb8;
	[tilespmem:$0x1C800] =	vst v63  }
0xad: {  	_ =	swait.ge [sflag:s16], $0x4000  }
0xae: {  	[sflag:s16] =	ssyncset.done $0x0  }
0xaf: {  	[sflag:s16] =	ssyncadd.s32 $0xFFFFC000  }
0xb0: {  	[spmem:s2] =	stream.indirect.scatter.add.f32 [tilespmem:s13], [sflag:$0x3], $0x80, s12, s12, $0xb8;
	[tilespmem:$0x1C800] =	vst v63  }
0xb1: {  	_ =	swait.ge [sflag:s11], $0x4000  }
0xb2: {  	[sflag:s11] =	ssyncset.done $0x0  }
0xb3: {  	[sflag:s11] =	ssyncadd.s32 $0xFFFFC000  }
0xb4: {  	[tilespmem:s13], [sflag:$0x1] =	stream.indirect.gather [hbm4b:s4+s12], $0x80, s17, s12, $0xb8;
	[tilespmem:$0x1C800] =	vst v63  }
0xb5: {  	_ =	swait.ge [sflag:s18], $0x4000  }
0xb6: {  	[sflag:s18] =	ssyncset.done $0x0  }
0xb7: {  	[sflag:s18] =	ssyncadd.s32 $0xFFFFC000  }
0xb8: {  	[spmem:s2] =	stream.indirect.scatter.add.f32 [tilespmem:s15], [sflag:$0x3], $0x80, s19, s12, $0xb8;
	[tilespmem:$0x1C800] =	vst v63  }
0xb9: {  	_ =	swait.ge [sflag:s11], $0x4000  }
0xba: {  	[sflag:s11] =	ssyncset.done $0x0  }
0xbb: {  	[sflag:s11] =	ssyncadd.s32 $0xFFFFC000  }
0xbc: {  	[tilespmem:s15], [sflag:$0x2] =	stream.indirect.gather [hbm4b:s4+s12], $0x80, s20, s12, $0xb8;
	[tilespmem:$0x1C800] =	vst v63  }
0xbd: {  	_ =	swait.ge [sflag:s16], $0x4000  }
0xbe: {  	[sflag:s16] =	ssyncset.done $0x0  }
0xbf: {  	[sflag:s16] =	ssyncadd.s32 $0xFFFFC000  }
0xc0: {  	[spmem:s2] =	stream.indirect.scatter.add.f32 [tilespmem:s13], [sflag:$0x3], $0x80, s21, s12, $0xb8;
	[tilespmem:$0x1C800] =	vst v63  }
0xc1: {  	_ =	swait.ge [sflag:s11], $0x4000  }
0xc2: {  	[sflag:s11] =	ssyncset.done $0x0  }
0xc3: {  	[sflag:s11] =	ssyncadd.s32 $0xFFFFC000  }
0xc4: {  	[tilespmem:s13], [sflag:$0x1] =	stream.indirect.gather [hbm4b:s4+s12], $0x80, s22, s12, $0xb8;
	[tilespmem:$0x1C800] =	vst v63  }
0xc5: {  	_ =	swait.ge [sflag:s18], $0x4000  }
0xc6: {  	[sflag:s18] =	ssyncset.done $0x0  }
0xc7: {  	[sflag:s18] =	ssyncadd.s32 $0xFFFFC000  }
0xc8: {  	[spmem:s2] =	stream.indirect.scatter.add.f32 [tilespmem:s15], [sflag:$0x3], $0x80, s23, s12, $0xb8;
	[tilespmem:$0x1C800] =	vst v63  }
0xc9: {  	_ =	swait.ge [sflag:s11], $0x4000  }
0xca: {  	[sflag:s11] =	ssyncset.done $0x0  }
0xcb: {  	[sflag:s11] =	ssyncadd.s32 $0xFFFFC000  }
0xcc: {  	[tilespmem:s15], [sflag:$0x2] =	stream.indirect.gather [hbm4b:s4+s12], $0x80, s24, s12, $0xb8;
	[tilespmem:$0x1C800] =	vst v63  }
0xcd: {  	_ =	swait.ge [sflag:s16], $0x4000  }
0xce: {  	[sflag:s16] =	ssyncset.done $0x0  }
0xcf: {  	[sflag:s16] =	ssyncadd.s32 $0xFFFFC000  }
0xd0: {  	[spmem:s2] =	stream.indirect.scatter.add.f32 [tilespmem:s13], [sflag:$0x3], $0x80, s25, s12, $0xb8;
	[tilespmem:$0x1C800] =	vst v63  }
0xd1: {  	_ =	swait.ge [sflag:s11], $0x4000  }
0xd2: {  	[sflag:s11] =	ssyncset.done $0x0  }
0xd3: {  	[sflag:s11] =	ssyncadd.s32 $0xFFFFC000  }
0xd4: {  	[tilespmem:s13], [sflag:$0x1] =	stream.indirect.gather [hbm4b:s4+s12], $0x80, s26, s12, $0xb8;
	[tilespmem:$0x1C800] =	vst v63  }
0xd5: {  	_ =	swait.ge [sflag:s18], $0x4000  }
0xd6: {  	[sflag:s18] =	ssyncset.done $0x0  }
0xd7: {  	[sflag:s18] =	ssyncadd.s32 $0xFFFFC000  }
0xd8: {  	[spmem:s2] =	stream.indirect.scatter.add.f32 [tilespmem:s15], [sflag:$0x3], $0x80, s28, s12, $0xb8;
	[tilespmem:$0x1C800] =	vst v63  }
0xd9: {  	_ =	swait.ge [sflag:s11], $0x4000  }
0xda: {  	[sflag:s11] =	ssyncset.done $0x0  }
0xdb: {  	[sflag:s11] =	ssyncadd.s32 $0xFFFFC000  }
0xdc: {  	[tilespmem:s15], [sflag:$0x2] =	stream.indirect.gather [hbm4b:s4+s12], $0x80, s29, s12, $0xb8;
	[tilespmem:$0x1C800] =	vst v63  }
0xdd: {  	_ =	swait.ge [sflag:s16], $0x4000  }
0xde: {  	[sflag:s16] =	ssyncset.done $0x0  }
0xdf: {  	[sflag:s16] =	ssyncadd.s32 $0xFFFFC000  }
0xe0: {  	[spmem:s2] =	stream.indirect.scatter.add.f32 [tilespmem:s13], [sflag:$0x3], $0x80, s30, s12, $0xb8;
	[tilespmem:$0x1C800] =	vst v63  }
0xe1: {  	_ =	swait.ge [sflag:s11], $0x4000  }
0xe2: {  	[sflag:s11] =	ssyncset.done $0x0  }
0xe3: {  	[sflag:s11] =	ssyncadd.s32 $0xFFFFC000  }
0xe4: {  	_ =	swait.ge [sflag:s18], $0x4000  }
0xe5: {  	[sflag:s18] =	ssyncset.done $0x0  }
0xe6: {  	[sflag:s18] =	ssyncadd.s32 $0xFFFFC000  }
0xe7: {  	[spmem:s2] =	stream.indirect.scatter.add.f32 [tilespmem:s15], [sflag:$0x3], $0x80, s31, s12, $0xb8;
	[tilespmem:$0x1C800] =	vst v63  }
0xe8: {  	_ =	swait.ge [sflag:s11], $0x4000  }
0xe9: {  	[sflag:s11] =	ssyncset.done $0x0  }
0xea: {  	[sflag:s11] =	ssyncadd.s32 $0xFFFFC000  }
0xeb: {  	[bflag:$0x0] =	sbarrier.arrive $0xFFFF  }
0xec: {  	s7 =	rddreg [dreg:$0x4]  }
0xed: {  	[hbm:s7], [sflag:s6] =	dma.local [spmem:s10], $0x2800  }
0xee: {  	_ =	swait.ge [sflag:s11], $0x2800  }
0xef: {  	s1 =	sadd.s32 $0x1, s1;
	s8 =	rddreg [dreg:$0x5]  }
0xf0: {  	p0 =	sne.s32 s1, s8  }
.Ltmp1:
0xf1: {  	_ = 	snop;
	(pc) =	sbr.rel @p0 .LBB2_1-.Ltmp1, $3  }
0xf2: {  	_ =	sdelay $0x1  }
0xf3: {  	[sflag:s11] =	ssyncset.done $0x0  }
0xf4: {  	[sflag:s11] =	ssyncadd.s32 $0xFFFFD800  }
0xf5: {  	_ =	sfence.sel $0x180000  }
0xf6: {  	[bflag:$0x0] =	sbarrier.arrive $0xFFFF  }
0xf7: {  	_ =	strace $0x9000004A  }
0xf8: {  	s0 =	stileid.u32;
	[bflag:$0x2] =	sbarrier.arrive $0xFFFF  }
0xf9: {  	p0 =	sne.s32 s0, $0x0;
	s0 =	rddreg [dreg:$0x2]  }
0xfa: {  	s0 =	sadd.s32 @!p0 $0x100000, s0  }
0xfb: {  	[sflag:s0] =	ssyncadd.tile.s32 @!p0 $0x1;
	_ =	shalt  }
.Lfunc_end2:
_tile_overlayer_lowered:
.L_overlay_start_2:
0xfc: {  	(tag) =	ssettag $0x2  }
0xfd: {  	s0 =	rddreg [dreg:$0x0];
	s2 =	stileid.u32  }
0xfe: {  	s1 =	rddreg [dreg:$0x1];
	p0 =	sne.s32 s2, $0x0  }
0xff: {  	s3 =	rddreg [dreg:$0x2];
	[bflag:$0x3] =	sbarrier.arrive $0xFFFF;
	s2 =	simm.s32 @!p0 $0x1C03  }
0x100: {  	[timem:s3], [sflag:s2] =	dma.local @!p0 [hbm:s0], s1  }
0x101: {  	s0 =	simm.s32 @!p0 $0x3  }
0x102: {  	_ =	swait.ge @!p0 [sflag:s0], s1  }
0x103: {  	s1 =	ssub.s32 @!p0 $0x0, s1;
	[sflag:s0] =	ssyncset.done @!p0 $0x0  }
0x104: {  	[sflag:s0] =	ssyncadd.s32 @!p0 s1  }
0x105: {  	[bflag:$0x3] =	sbarrier.arrive $0xFFFF  }
0x106: {  	_ =	shalt  }

// kernel: kernel.16.cloned.1.call-start
scs
__scs_entry_jumppad:
0x0: {  	(pc) =	sbr.rel $0x88, $3  }
0x1: {  	(tag) =	ssettag $0x0;
	lr =	simm.s32 $0x1  }
0x2: {  	[smem:$0x3F93] =	sst lr;
	_ =	strace $0xD0000000  }
0x3: {  	_ = 	snop  }
0x4: {  	_ = 	snop  }
0x5: {  	_ = 	snop  }
0x6: {  	_ = 	snop  }
0x7: {  	_ = 	snop  }
__scs_overlays_trampoline_lowered:
0x8: {  	[smem:$0x3FA2] =	sst s0  }
0x9: {  	[smem:$0x3FA3] =	sst s1  }
0xa: {  	[smem:$0x3FA4] =	sst s2  }
0xb: {  	[smem:$0x3FA5] =	sst s3  }
0xc: {  	[smem:$0x3FA6] =	sst s4  }
0xd: {  	[smem:$0x3FA7] =	sst s5  }
0xe: {  	[smem:$0x3FA8] =	sst s6  }
0xf: {  	[smem:$0x3FA9] =	sst s7  }
0x10: {  	[smem:$0x3FAA] =	sst s8  }
0x11: {  	[smem:$0x3FAB] =	sst s9;
	s0 =	simm.s32 @!p0 $0x0  }
0x12: {  	s1 =	sld [smem:$0x3F91];
	s0 =	simm.s32 @p0 $0x1  }
0x13: {  	[smem:$0x3FAC] =	sst s0;
	s0 =	simm.s32 @!p1 $0x0  }
0x14: {  	s2 =	sld [smem:$0x3F90];
	s0 =	simm.s32 @p1 $0x1  }
0x15: {  	[smem:$0x3FAD] =	sst s0;
	s0 =	simm.s32 @!p2 $0x0  }
0x16: {  	s3 =	sld [smem:$0x3FDB];
	s0 =	simm.s32 @p2 $0x1  }
0x17: {  	s4 =	simm.s32 $0x1BF5;
	[smem:$0x3FAF] =	sst s0  }
0x18: {  	s0 =	sld [smem:$0x3F92];
	_ =	swait.ge [sflag:s4], $0x0  }
0x19: {  	s7 =	sld [smem:$0x3F93]  }
0x1a: {  	s8 =	sadd.s32 $0xFFFFE003, lr  }
0x1b: {  	s9 =	sadd.s32 $0xFFFFFEF7, lr;
	s5 =	simm.s32 $0xFFFFFFFF;
	p2 =	slt.u32 s8, $0xFFFFF086  }
0x1c: {  	p1 =	slt.u32 s9, $0xF7A;
	s5 =	simm.s32 @!p2 $0x0  }
0x1d: {  	s5 =	simm.s32 @p1 $0x1;
	p0 =	seq.s32 s7, s2  }
0x1e: {  	s7 =	smul.u32 @!p0 $0xF7A, s2;
	p2 =	seq.s32 @!p0 s5, $0x0  }
0x1f: {  	s9 =	smul.u32 $0xF7A, s1;
	s8 =	simm.s32 @!p0 $0x1BF5;
	p2 =	por !p2, p0  }
0x20: {  	[sflag:s8] =	ssyncset.s32 @!p0 $0xFFFFF086;
	s6 =	sadd.s32 @!p0 s3, s7;
	s7 =	simm.s32 @!p0 $0x108  }
0x21: {  	s3 =	sadd.s32 s3, s9;
	s6 =	sadd.s32 @!p0 $0x88, s6;
	s7 =	simm.s32 @p2 $0x1082  }
0x22: {  	[simem:s7], [sflag:s8] =	dma.local @!p0 [hbm:s6], $0xF7A  }
0x23: {  	s9 =	sor.u32 $0xD0000000, s2;
	s6 =	simm.s32 $0x108;
	_ =	swait.ge @!p0 [sflag:s8], $0x0  }
0x24: {  	s3 =	sadd.s32 $0x88, s3;
	s6 =	simm.s32 @!p1 $0x1082;
	[sflag:s4] =	ssyncset.s32 $0xFFFFF086  }
0x25: {  	[simem:s6], [sflag:s4] =	dma.local [hbm:s3], $0xF7A  }
0x26: {  	[smem:$0x3F93] =	sst s1;
	(tag) =	ssettag s2;
	_ =	strace s9  }
0x27: {  	s1 =	sld [smem:$0x3FA3]  }
0x28: {  	s2 =	sld [smem:$0x3FA4]  }
0x29: {  	s4 =	sld [smem:$0x3FA6]  }
0x2a: {  	p0 =	seq.s32 s5, $0x0;
	s5 =	sld [smem:$0x3FA7]  }
0x2b: {  	s6 =	sld [smem:$0x3FA8]  }
0x2c: {  	s7 =	sld [smem:$0x3FA9]  }
0x2d: {  	s3 =	simm.s32 $0x108;
	s8 =	sld [smem:$0x3FAA]  }
0x2e: {  	s3 =	simm.s32 @!p0 $0x1082;
	s9 =	sld [smem:$0x3FAB]  }
0x2f: {  	lr =	sadd.s32 s0, s3;
	s0 =	sld [smem:$0x3FA2]  }
0x30: {  	s3 =	sld [smem:$0x3FA5]  }
0x31: {  	[smem:$0x3FAE] =	sst s10  }
0x32: {  	s10 =	sld [smem:$0x3FAC];
	_ =	sdelay $0x3  }
0x33: {  	p0 =	seq.s32 s10, $0x1;
	s10 =	sld [smem:$0x3FAE];
	_ =	sdelay $0x3  }
0x34: {  	[smem:$0x3FAE] =	sst s10  }
0x35: {  	s10 =	sld [smem:$0x3FAD];
	_ =	sdelay $0x3  }
0x36: {  	p1 =	seq.s32 s10, $0x1;
	s10 =	sld [smem:$0x3FAE];
	_ =	sdelay $0x3  }
0x37: {  	[smem:$0x3FAE] =	sst s10  }
0x38: {  	s10 =	sld [smem:$0x3FAF]  }
0x39: {  	_ = 	snop;
	(pc) =	sbr.ind lr, $3  }
0x3a: {  	_ = 	snop  }
0x3b: {  	_ = 	snop  }
0x3c: {  	p2 =	seq.s32 s10, $0x1;
	s10 =	sld [smem:$0x3FAE]  }
0x3d: {  	_ =	shalt  }
0x3e: {  	_ =	shalt  }
0x3f: {  	_ =	shalt  }
0x40: {  	_ =	shalt  }
0x41: {  	_ =	shalt  }
0x42: {  	_ =	shalt  }
0x43: {  	_ =	shalt  }
0x44: {  	_ =	shalt  }
0x45: {  	_ =	shalt  }
0x46: {  	_ =	shalt  }
0x47: {  	_ =	shalt  }
0x48: {  	_ =	shalt  }
0x49: {  	_ =	shalt  }
0x4a: {  	_ =	shalt  }
0x4b: {  	_ =	shalt  }
0x4c: {  	_ =	shalt  }
0x4d: {  	_ =	shalt  }
0x4e: {  	_ =	shalt  }
0x4f: {  	_ =	shalt  }
0x50: {  	_ =	shalt  }
0x51: {  	_ =	shalt  }
0x52: {  	_ =	shalt  }
0x53: {  	_ =	shalt  }
0x54: {  	_ =	shalt  }
0x55: {  	_ =	shalt  }
0x56: {  	_ =	shalt  }
0x57: {  	_ =	shalt  }
0x58: {  	_ =	shalt  }
0x59: {  	_ =	shalt  }
0x5a: {  	_ =	shalt  }
0x5b: {  	_ =	shalt  }
0x5c: {  	_ =	shalt  }
0x5d: {  	_ =	shalt  }
0x5e: {  	_ =	shalt  }
0x5f: {  	_ =	shalt  }
0x60: {  	_ =	shalt  }
0x61: {  	_ =	shalt  }
0x62: {  	_ =	shalt  }
0x63: {  	_ =	shalt  }
0x64: {  	_ =	shalt  }
0x65: {  	_ =	shalt  }
0x66: {  	_ =	shalt  }
0x67: {  	_ =	shalt  }
0x68: {  	_ =	shalt  }
0x69: {  	_ =	shalt  }
0x6a: {  	_ =	shalt  }
0x6b: {  	_ =	shalt  }
0x6c: {  	_ =	shalt  }
0x6d: {  	_ =	shalt  }
0x6e: {  	_ =	shalt  }
0x6f: {  	_ =	shalt  }
0x70: {  	_ =	shalt  }
0x71: {  	_ =	shalt  }
0x72: {  	_ =	shalt  }
0x73: {  	_ =	shalt  }
0x74: {  	_ =	shalt  }
0x75: {  	_ =	shalt  }
0x76: {  	_ =	shalt  }
0x77: {  	_ =	shalt  }
0x78: {  	_ =	shalt  }
0x79: {  	_ =	shalt  }
0x7a: {  	_ =	shalt  }
0x7b: {  	_ =	shalt  }
0x7c: {  	_ =	shalt  }
0x7d: {  	_ =	shalt  }
0x7e: {  	_ =	shalt  }
0x7f: {  	_ =	shalt  }
0x80: {  	_ =	shalt  }
0x81: {  	_ =	shalt  }
0x82: {  	_ =	shalt  }
0x83: {  	_ =	shalt  }
0x84: {  	_ =	shalt  }
0x85: {  	_ =	shalt  }
0x86: {  	_ =	shalt  }
0x87: {  	_ =	shalt  }
.Lfunc_end0:
.L_simem_size_0:
called_computation.2_lowered:
.L_overlay_start_0:
0x88: {  	s2 =	sld [smem:$0x3FD9]  }
0x89: {  	s3 =	sld [smem:$0x3FFE];
	_ =	sdelay $0x1  }
0x8a: {  	s1 =	srdreg.scid  }
0x8b: {  	s0 =	sand.u32 $0x1, s1  }
0x8c: {  	s16 =	sshll.u32 s0, $0xA;
	s2 =	sadd.s32 s3, s2  }
0x8d: {  	s2 =	sadd.s32 s2, s16  }
0x8e: {  	[smem:$0x3FBA] =	sst s2  }
0x8f: {  	_ = 	snop  }
0x90: {  	(tm) =	ssettm $0x1  }
0x91: {  	s17 =	sld [smem:$0x3FFB];
	_ =	sdelay $0x3  }
0x92: {  	_ =	strace s17  }
0x93: {  	s2 =	sld [smem:$0x3FFC];
	_ =	sdelay $0x3  }
0x94: {  	_ =	strace s2  }
0x95: {  	s2 =	sld [smem:$0x3FFD];
	_ =	sdelay $0x3  }
0x96: {  	_ =	strace s2  }
0x97: {  	_ =	strace $0x8FFFFFFF  }
0x98: {  	s18 =	sld [smem:$0x3FDB];
	_ =	sdelay $0x1  }
0x99: {  	s19 =	simm.s32 $_scs_section_size  }
0x9a: {  	s4 =	simm.s32 $_size__tile_overlayer_lowered;
	s5 =	simm.s32 $_tile_overlayer_lowered  }
0x9b: {  	s22 =	simm.s32 $0x1BFF;
	s21 =	sshll.u32 s5, $0x1;
	s2 =	sadd.s32 s19, s18  }
0x9c: {  	s6 =	simm.s32 $0x0;
	s20 =	sshll.u32 s4, $0x1;
	s4 =	sadd.s32 s21, s2  }
0x9d: {  	[timem:s6], [sflag:s22] =	dma.local [hbm:s4], s20  }
0x9e: {  	_ =	swait.ge [sflag:s22], s20  }
0x9f: {  	s3 =	ssub.s32 $0x0, s20;
	[sflag:s22] =	ssyncset.done $0x0  }
0xa0: {  	[sflag:s22] =	ssyncadd.s32 s3;
	_ =	sdelay $0x1  }
0xa1: {  	s23 =	simm.s32 $0x1B8B  }
0xa2: {  	_ =	swait.ge [sflag:s23], $0x1  }
0xa3: {  	[sflag:s23] =	ssyncset.done $0x0  }
0xa4: {  	s25 =	simm.s32 $0x1B8E;
	s24 =	sld [smem:$0x3FFE];
	[sflag:s23] =	ssyncadd.s32 $0xFFFFFFFF  }
0xa5: {  	s26 =	simm.s32 $execute0_lowered;
	[smem:$0x3FD2] =	sst s25  }
0xa6: {  	s4 =	sshll.u32 s26, $0x1;
	_ =	strace $0x8000004C;
	[dreg:$0x1] =	wrdreg $0xFFFFFFFF  }
0xa7: {  	s28 =	simm.s32 $_size_execute0_lowered;
	s2 =	sadd.s32 s2, s4;
	[dreg:$0x0] =	wrdreg $0x0  }
0xa8: {  	s4 =	sshll.u32 s28, $0x1;
	[dreg:$0x2] =	wrdreg s2  }
0xa9: {  	[dreg:$0x3] =	wrdreg s4  }
0xaa: {  	[dreg:$0x4] =	wrdreg $0xC0  }
0xab: {  	_ =	task [dreg:s6], $0x5FFFF  }
0xac: {  	[dreg:$0x1] =	wrdreg $0xFFFFFFFF  }
0xad: {  	[dreg:$0x0] =	wrdreg $0x60  }
0xae: {  	[dreg:$0x2] =	wrdreg s24  }
0xaf: {  	[dreg:$0x3] =	wrdreg $0x88000  }
0xb0: {  	[dreg:$0x4] =	wrdreg $0x9  }
0xb1: {  	_ =	task.clear_ibuf [dreg:s6], $0x5FFFF;
	_ =	strace $0x9000004C  }
0xb2: {  	s29 =	simm.s32 $0x9;
	_ =	strace $0x8000004E  }
0xb3: {  	_ =	swait.ge [sflag:s29], $0x1  }
0xb4: {  	[sflag:s29] =	ssyncadd.s32 $0xFFFFFFFF  }
0xb5: {  	_ =	strace $0x9000004E  }
0xb6: {  	_ =	sfence  }
0xb7: {  	s30 =	sld [smem:$0x0];
	_ =	sdelay $0x2  }
0xb8: {  	s31 =	sshll.u32 s1, $0xD;
	s1 =	sshrl.u32 s1, $0x2  }
0xb9: {  	s3 =	sand.u32 $0x4000, s31;
	s1 =	sadd.s32 s1, s30  }
0xba: {  	s0 =	sor.u32 s3, s0;
	s1 =	sshll.u32 s1, $0x11  }
0xbb: {  	s0 =	sor.u32 s1, s0  }
0xbc: {  	s0 =	sadd.s32 $0x8F2B, s0  }
0xbd: {  	[sflag:s0] =	ssyncadd.remote.s32 $0x1  }
0xbe: {  	_ =	sfence.sel $0xFFFF  }
0xbf: {  	[dreg:$0x0] =	wrdreg $0xFFFFFFFF;
	(pc) =	sbr.abs _section_cstart, $3  }
0xc0: {  	[dreg:$0x1] =	wrdreg $0xFFFFFFFF  }
0xc1: {  	_ =	task.clear_ibuf [dreg:s6], $0x2FFFF;
	_ =	strace $0x9FFFFFFF  }
0xc2: {  	(tm) =	ssettm $0x7FFFFFFF  }
0xc3: {  	_ =	shalt  }
tec
execute0_lowered:
.L_overlay_start_1:
0x0: {  	(tag) =	ssettag $0x1  }
0x1: {  	s0 =	srdreg.scid;
	s1 =	rddreg [dreg:$0x0]  }
0x2: {  	s8 =	stileid.u32;
	s2 =	rddreg [dreg:$0x1]  }
0x3: {  	s3 =	simm.s32 $0x0;
	s11 =	simm.s32 $0x3;
	s12 =	simm.s32 $0x80  }
0x4: {  	s13 =	simm.s32 $0x800;
	s14 =	simm.s32 $0x100;
	s15 =	simm.s32 $0x4800  }
0x5: {  	s16 =	simm.s32 $0x1;
	s17 =	simm.s32 $0x200;
	s18 =	simm.s32 $0x2  }
0x6: {  	s19 =	simm.s32 $0x180;
	s20 =	simm.s32 $0x300;
	s5 =	smul.u32 $0x5000, s8  }
0x7: {  	s28 =	simm.s32 $0x580;
	s29 =	simm.s32 $0x700;
	s21 =	smul.u32 $0x14000, s8  }
0x8: {  	s30 =	simm.s32 $0x680;
	s0 =	sand.u32 $0x1, s0;
	s23 =	smul.u32 $0x50000, s8  }
0x9: {  	s31 =	simm.s32 $0x780;
	[smem:$0x7FF] =	sst s3;
	s4 =	smul.u32 $0x50000, s0  }
0xa: {  	s26 =	sshll.u32 s8, $0x6;
	s7 =	smul.u32 $0x140000, s0;
	s0 =	ssub.s32 $0x2, s0  }
0xb: {  	_ =	strace $0x8000004D;
	s22 =	sshrl.u32 s21, $0x3;
	s24 =	sshrl.u32 s0, $0x1  }
0xc: {  	s4 =	sadd.s32 s5, s4;
	s5 =	sadd.s32 s21, s7;
	s7 =	sshrl.u32 s23, $0x2  }
0xd: {  	s0 =	ssub.s32 s0, s24;
	s21 =	simm.s32 $0x280;
	s23 =	simm.s32 $0x380  }
0xe: {  	s24 =	simm.s32 $0x500;
	s6 =	sshrl.u32 s4, $0x3;
	s4 =	sadd.s32 $0xB7A00, s1  }
0xf: {  	s5 =	sshrl.u32 s5, $0x3;
	s25 =	sadd.s32 s7, s2;
	s0 =	smax.u32 s0, $0x1  }
0x10: {  	s9 =	sadd.s32 s6, s1;
	s6 =	sadd.s32 s22, s1;
	s1 =	sadd.s32 s5, s1  }
0x11: {  	[dreg:$0x5] =	wrdreg s0;
	s10 =	sshrl.u32 s25, $0x3;
	s22 =	simm.s32 $0x400  }
0x12: {  	s25 =	simm.s32 $0x480;
	s6 =	sadd.s32 $0x18800, s6;
	s1 =	sadd.s32 $0x10BA00, s1  }
0x13: {  	s9 =	sadd.s32 $0x4800, s9;
	[dreg:$0x3] =	wrdreg s6;
	s6 =	sor.u32 $0x1C03, s26  }
0x14: {  	[dreg:$0x4] =	wrdreg s1;
	s26 =	simm.s32 $0x600;
	s1 =	simm.s32 $0x0  }
.LBB2_1:
0x15: {  	s0 =	rddreg [dreg:$0x3]  }
0x16: {  	[spmem:s10], [sflag:s6] =	dma.local [hbm:s0], $0x2800  }
0x17: {  	_ =	swait.ge [sflag:s11], $0x2800  }
0x18: {  	[sflag:s11] =	ssyncset.done $0x0  }
0x19: {  	[sflag:s11] =	ssyncadd.s32 $0xFFFFD800  }
0x1a: {  	s8 =	sadd.s32 $0x0, s9;
	[bflag:$0x0] =	sbarrier.arrive $0xFFFF  }
0x1b: {  	[tilespmem:s3], [sflag:$0x3] =	stream.linear.gather [hbm4b:s8+s3], $0x800, $0x38;
	[tilespmem:$0x1C800] =	vst v63  }
0x1c: {  	_ =	swait.ge [sflag:s11], $0x800  }
0x1d: {  	[sflag:s11] =	ssyncset.done $0x0  }
0x1e: {  	[sflag:s11] =	ssyncadd.s32 $0xFFFFF800  }
0x1f: {  	[tilespmem:s13], [sflag:$0x1] =	stream.indirect.gather [hbm4b:s4+s12], $0x80, s3, s12, $0xb8;
	[tilespmem:$0x1C800] =	vst v63  }
0x20: {  	_ = 	snop  }
0x21: {  	[tilespmem:s15], [sflag:$0x2] =	stream.indirect.gather [hbm4b:s4+s12], $0x80, s14, s12, $0xb8;
	[tilespmem:$0x1C800] =	vst v63  }
0x22: {  	_ =	swait.ge [sflag:s16], $0x4000  }
0x23: {  	[sflag:s16] =	ssyncset.done $0x0  }
0x24: {  	[sflag:s16] =	ssyncadd.s32 $0xFFFFC000  }
0x25: {  	[spmem:s2] =	stream.indirect.scatter.add.f32 [tilespmem:s13], [sflag:$0x3], $0x80, s12, s12, $0xb8;
	[tilespmem:$0x1C800] =	vst v63  }
0x26: {  	_ =	swait.ge [sflag:s11], $0x4000  }
0x27: {  	[sflag:s11] =	ssyncset.done $0x0  }
0x28: {  	[sflag:s11] =	ssyncadd.s32 $0xFFFFC000  }
0x29: {  	[tilespmem:s13], [sflag:$0x1] =	stream.indirect.gather [hbm4b:s4+s12], $0x80, s17, s12, $0xb8;
	[tilespmem:$0x1C800] =	vst v63  }
0x2a: {  	_ =	swait.ge [sflag:s18], $0x4000  }
0x2b: {  	[sflag:s18] =	ssyncset.done $0x0  }
0x2c: {  	[sflag:s18] =	ssyncadd.s32 $0xFFFFC000  }
0x2d: {  	[spmem:s2] =	stream.indirect.scatter.add.f32 [tilespmem:s15], [sflag:$0x3], $0x80, s19, s12, $0xb8;
	[tilespmem:$0x1C800] =	vst v63  }
0x2e: {  	_ =	swait.ge [sflag:s11], $0x4000  }
0x2f: {  	[sflag:s11] =	ssyncset.done $0x0  }
0x30: {  	[sflag:s11] =	ssyncadd.s32 $0xFFFFC000  }
0x31: {  	[tilespmem:s15], [sflag:$0x2] =	stream.indirect.gather [hbm4b:s4+s12], $0x80, s20, s12, $0xb8;
	[tilespmem:$0x1C800] =	vst v63  }
0x32: {  	_ =	swait.ge [sflag:s16], $0x4000  }
0x33: {  	[sflag:s16] =	ssyncset.done $0x0  }
0x34: {  	[sflag:s16] =	ssyncadd.s32 $0xFFFFC000  }
0x35: {  	[spmem:s2] =	stream.indirect.scatter.add.f32 [tilespmem:s13], [sflag:$0x3], $0x80, s21, s12, $0xb8;
	[tilespmem:$0x1C800] =	vst v63  }
0x36: {  	_ =	swait.ge [sflag:s11], $0x4000  }
0x37: {  	[sflag:s11] =	ssyncset.done $0x0  }
0x38: {  	[sflag:s11] =	ssyncadd.s32 $0xFFFFC000  }
0x39: {  	[tilespmem:s13], [sflag:$0x1] =	stream.indirect.gather [hbm4b:s4+s12], $0x80, s22, s12, $0xb8;
	[tilespmem:$0x1C800] =	vst v63  }
0x3a: {  	_ =	swait.ge [sflag:s18], $0x4000  }
0x3b: {  	[sflag:s18] =	ssyncset.done $0x0  }
0x3c: {  	[sflag:s18] =	ssyncadd.s32 $0xFFFFC000  }
0x3d: {  	[spmem:s2] =	stream.indirect.scatter.add.f32 [tilespmem:s15], [sflag:$0x3], $0x80, s23, s12, $0xb8;
	[tilespmem:$0x1C800] =	vst v63  }
0x3e: {  	_ =	swait.ge [sflag:s11], $0x4000  }
0x3f: {  	[sflag:s11] =	ssyncset.done $0x0  }
0x40: {  	[sflag:s11] =	ssyncadd.s32 $0xFFFFC000  }
0x41: {  	[tilespmem:s15], [sflag:$0x2] =	stream.indirect.gather [hbm4b:s4+s12], $0x80, s24, s12, $0xb8;
	[tilespmem:$0x1C800] =	vst v63  }
0x42: {  	_ =	swait.ge [sflag:s16], $0x4000  }
0x43: {  	[sflag:s16] =	ssyncset.done $0x0  }
0x44: {  	[sflag:s16] =	ssyncadd.s32 $0xFFFFC000  }
0x45: {  	[spmem:s2] =	stream.indirect.scatter.add.f32 [tilespmem:s13], [sflag:$0x3], $0x80, s25, s12, $0xb8;
	[tilespmem:$0x1C800] =	vst v63  }
0x46: {  	_ =	swait.ge [sflag:s11], $0x4000  }
0x47: {  	[sflag:s11] =	ssyncset.done $0x0  }
0x48: {  	[sflag:s11] =	ssyncadd.s32 $0xFFFFC000  }
0x49: {  	[tilespmem:s13], [sflag:$0x1] =	stream.indirect.gather [hbm4b:s4+s12], $0x80, s26, s12, $0xb8;
	[tilespmem:$0x1C800] =	vst v63  }
0x4a: {  	_ =	swait.ge [sflag:s18], $0x4000  }
0x4b: {  	[sflag:s18] =	ssyncset.done $0x0  }
0x4c: {  	[sflag:s18] =	ssyncadd.s32 $0xFFFFC000  }
0x4d: {  	[spmem:s2] =	stream.indirect.scatter.add.f32 [tilespmem:s15], [sflag:$0x3], $0x80, s28, s12, $0xb8;
	[tilespmem:$0x1C800] =	vst v63  }
0x4e: {  	_ =	swait.ge [sflag:s11], $0x4000  }
0x4f: {  	[sflag:s11] =	ssyncset.done $0x0  }
0x50: {  	[sflag:s11] =	ssyncadd.s32 $0xFFFFC000  }
0x51: {  	[tilespmem:s15], [sflag:$0x2] =	stream.indirect.gather [hbm4b:s4+s12], $0x80, s29, s12, $0xb8;
	[tilespmem:$0x1C800] =	vst v63  }
0x52: {  	_ =	swait.ge [sflag:s16], $0x4000  }
0x53: {  	[sflag:s16] =	ssyncset.done $0x0  }
0x54: {  	[sflag:s16] =	ssyncadd.s32 $0xFFFFC000  }
0x55: {  	[spmem:s2] =	stream.indirect.scatter.add.f32 [tilespmem:s13], [sflag:$0x3], $0x80, s30, s12, $0xb8;
	[tilespmem:$0x1C800] =	vst v63  }
0x56: {  	_ =	swait.ge [sflag:s11], $0x4000  }
0x57: {  	[sflag:s11] =	ssyncset.done $0x0  }
0x58: {  	[sflag:s11] =	ssyncadd.s32 $0xFFFFC000  }
0x59: {  	_ =	swait.ge [sflag:s18], $0x4000  }
0x5a: {  	[sflag:s18] =	ssyncset.done $0x0  }
0x5b: {  	[sflag:s18] =	ssyncadd.s32 $0xFFFFC000  }
0x5c: {  	[spmem:s2] =	stream.indirect.scatter.add.f32 [tilespmem:s15], [sflag:$0x3], $0x80, s31, s12, $0xb8;
	[tilespmem:$0x1C800] =	vst v63  }
0x5d: {  	_ =	swait.ge [sflag:s11], $0x4000  }
0x5e: {  	s5 =	simm.s32 $0x200;
	s0 =	simm.s32 $0x100;
	[sflag:s11] =	ssyncset.done $0x0  }
.LBB2_2:
0x5f: {  	s8 =	sadd.s32 s0, s9  }
0x60: {  	[sflag:s11] =	ssyncadd.s32 $0xFFFFC000;
	s0 =	smov.u32 s5;
	s7 =	sadd.s32 $0x100, s5  }
0x61: {  	[tilespmem:s3], [sflag:$0x3] =	stream.linear.gather [hbm4b:s8+s3], $0x800, $0x38;
	[tilespmem:$0x1C800] =	vst v63  }
0x62: {  	p0 =	sne.s32 s5, $0x900;
	_ =	swait.ge [sflag:s11], $0x800  }
0x63: {  	[sflag:s11] =	ssyncset.done $0x0  }
0x64: {  	[sflag:s11] =	ssyncadd.s32 $0xFFFFF800  }
0x65: {  	[tilespmem:s13], [sflag:$0x1] =	stream.indirect.gather [hbm4b:s4+s12], $0x80, s3, s12, $0xb8;
	[tilespmem:$0x1C800] =	vst v63  }
0x66: {  	_ = 	snop  }
0x67: {  	[tilespmem:s15], [sflag:$0x2] =	stream.indirect.gather [hbm4b:s4+s12], $0x80, s14, s12, $0xb8;
	[tilespmem:$0x1C800] =	vst v63  }
0x68: {  	_ =	swait.ge [sflag:s16], $0x4000  }
0x69: {  	[sflag:s16] =	ssyncset.done $0x0  }
0x6a: {  	[sflag:s16] =	ssyncadd.s32 $0xFFFFC000  }
0x6b: {  	[spmem:s2] =	stream.indirect.scatter.add.f32 [tilespmem:s13], [sflag:$0x3], $0x80, s12, s12, $0xb8;
	[tilespmem:$0x1C800] =	vst v63  }
0x6c: {  	_ =	swait.ge [sflag:s11], $0x4000  }
0x6d: {  	[sflag:s11] =	ssyncset.done $0x0  }
0x6e: {  	[sflag:s11] =	ssyncadd.s32 $0xFFFFC000  }
0x6f: {  	[tilespmem:s13], [sflag:$0x1] =	stream.indirect.gather [hbm4b:s4+s12], $0x80, s17, s12, $0xb8;
	[tilespmem:$0x1C800] =	vst v63  }
0x70: {  	_ =	swait.ge [sflag:s18], $0x4000  }
0x71: {  	[sflag:s18] =	ssyncset.done $0x0  }
0x72: {  	[sflag:s18] =	ssyncadd.s32 $0xFFFFC000  }
0x73: {  	[spmem:s2] =	stream.indirect.scatter.add.f32 [tilespmem:s15], [sflag:$0x3], $0x80, s19, s12, $0xb8;
	[tilespmem:$0x1C800] =	vst v63  }
0x74: {  	_ =	swait.ge [sflag:s11], $0x4000  }
0x75: {  	[sflag:s11] =	ssyncset.done $0x0  }
0x76: {  	[sflag:s11] =	ssyncadd.s32 $0xFFFFC000  }
0x77: {  	[tilespmem:s15], [sflag:$0x2] =	stream.indirect.gather [hbm4b:s4+s12], $0x80, s20, s12, $0xb8;
	[tilespmem:$0x1C800] =	vst v63  }
0x78: {  	_ =	swait.ge [sflag:s16], $0x4000  }
0x79: {  	[sflag:s16] =	ssyncset.done $0x0  }
0x7a: {  	[sflag:s16] =	ssyncadd.s32 $0xFFFFC000  }
0x7b: {  	[spmem:s2] =	stream.indirect.scatter.add.f32 [tilespmem:s13], [sflag:$0x3], $0x80, s21, s12, $0xb8;
	[tilespmem:$0x1C800] =	vst v63  }
0x7c: {  	_ =	swait.ge [sflag:s11], $0x4000  }
0x7d: {  	[sflag:s11] =	ssyncset.done $0x0  }
0x7e: {  	[sflag:s11] =	ssyncadd.s32 $0xFFFFC000  }
0x7f: {  	[tilespmem:s13], [sflag:$0x1] =	stream.indirect.gather [hbm4b:s4+s12], $0x80, s22, s12, $0xb8;
	[tilespmem:$0x1C800] =	vst v63  }
0x80: {  	_ =	swait.ge [sflag:s18], $0x4000  }
0x81: {  	[sflag:s18] =	ssyncset.done $0x0  }
0x82: {  	[sflag:s18] =	ssyncadd.s32 $0xFFFFC000  }
0x83: {  	[spmem:s2] =	stream.indirect.scatter.add.f32 [tilespmem:s15], [sflag:$0x3], $0x80, s23, s12, $0xb8;
	[tilespmem:$0x1C800] =	vst v63  }
0x84: {  	_ =	swait.ge [sflag:s11], $0x4000  }
0x85: {  	[sflag:s11] =	ssyncset.done $0x0  }
0x86: {  	[sflag:s11] =	ssyncadd.s32 $0xFFFFC000  }
0x87: {  	[tilespmem:s15], [sflag:$0x2] =	stream.indirect.gather [hbm4b:s4+s12], $0x80, s24, s12, $0xb8;
	[tilespmem:$0x1C800] =	vst v63  }
0x88: {  	_ =	swait.ge [sflag:s16], $0x4000  }
0x89: {  	[sflag:s16] =	ssyncset.done $0x0  }
0x8a: {  	[sflag:s16] =	ssyncadd.s32 $0xFFFFC000  }
0x8b: {  	[spmem:s2] =	stream.indirect.scatter.add.f32 [tilespmem:s13], [sflag:$0x3], $0x80, s25, s12, $0xb8;
	[tilespmem:$0x1C800] =	vst v63  }
0x8c: {  	_ =	swait.ge [sflag:s11], $0x4000  }
0x8d: {  	[sflag:s11] =	ssyncset.done $0x0  }
0x8e: {  	[sflag:s11] =	ssyncadd.s32 $0xFFFFC000  }
0x8f: {  	[tilespmem:s13], [sflag:$0x1] =	stream.indirect.gather [hbm4b:s4+s12], $0x80, s26, s12, $0xb8;
	[tilespmem:$0x1C800] =	vst v63  }
0x90: {  	_ =	swait.ge [sflag:s18], $0x4000  }
0x91: {  	[sflag:s18] =	ssyncset.done $0x0  }
0x92: {  	[sflag:s18] =	ssyncadd.s32 $0xFFFFC000  }
0x93: {  	[spmem:s2] =	stream.indirect.scatter.add.f32 [tilespmem:s15], [sflag:$0x3], $0x80, s28, s12, $0xb8;
	[tilespmem:$0x1C800] =	vst v63  }
0x94: {  	_ =	swait.ge [sflag:s11], $0x4000  }
0x95: {  	[sflag:s11] =	ssyncset.done $0x0  }
0x96: {  	[sflag:s11] =	ssyncadd.s32 $0xFFFFC000  }
0x97: {  	[tilespmem:s15], [sflag:$0x2] =	stream.indirect.gather [hbm4b:s4+s12], $0x80, s29, s12, $0xb8;
	[tilespmem:$0x1C800] =	vst v63  }
0x98: {  	_ =	swait.ge [sflag:s16], $0x4000  }
0x99: {  	[sflag:s16] =	ssyncset.done $0x0  }
0x9a: {  	[sflag:s16] =	ssyncadd.s32 $0xFFFFC000  }
0x9b: {  	[spmem:s2] =	stream.indirect.scatter.add.f32 [tilespmem:s13], [sflag:$0x3], $0x80, s30, s12, $0xb8;
	[tilespmem:$0x1C800] =	vst v63  }
0x9c: {  	_ =	swait.ge [sflag:s11], $0x4000  }
0x9d: {  	[sflag:s11] =	ssyncset.done $0x0  }
0x9e: {  	[sflag:s11] =	ssyncadd.s32 $0xFFFFC000  }
0x9f: {  	_ =	swait.ge [sflag:s18], $0x4000  }
.Ltmp0:
0xa0: {  	[sflag:s18] =	ssyncset.done $0x0;
	(pc) =	sbr.rel @p0 .LBB2_2-.Ltmp0, $4  }
0xa1: {  	[sflag:s18] =	ssyncadd.s32 $0xFFFFC000  }
0xa2: {  	[spmem:s2] =	stream.indirect.scatter.add.f32 [tilespmem:s15], [sflag:$0x3], $0x80, s31, s12, $0xb8;
	[tilespmem:$0x1C800] =	vst v63  }
0xa3: {  	_ =	swait.ge [sflag:s11], $0x4000  }
0xa4: {  	s5 =	smov.u32 s7;
	[sflag:s11] =	ssyncset.done $0x0  }
0xa5: {  	s0 =	sadd.s32 s0, s9;
	[sflag:s11] =	ssyncadd.s32 $0xFFFFC000  }
0xa6: {  	[tilespmem:s3], [sflag:$0x3] =	stream.linear.gather [hbm4b:s0+s3], $0x800, $0x38;
	[tilespmem:$0x1C800] =	vst v63  }
0xa7: {  	_ =	swait.ge [sflag:s11], $0x800  }
0xa8: {  	[sflag:s11] =	ssyncset.done $0x0  }
0xa9: {  	[sflag:s11] =	ssyncadd.s32 $0xFFFFF800  }
0xaa: {  	[tilespmem:s13], [sflag:$0x1] =	stream.indirect.gather [hbm4b:s4+s12], $0x80, s3, s12, $0xb8;
	[tilespmem:$0x1C800] =	vst v63  }
0xab: {  	_ = 	snop  }
0xac: {  	[tilespmem:s15], [sflag:$0x2] =	stream.indirect.gather [hbm4b:s4+s12], $0x80, s14, s12, $0xb8;
	[tilespmem:$0x1C800] =	vst v63  }
0xad: {  	_ =	swait.ge [sflag:s16], $0x4000  }
0xae: {  	[sflag:s16] =	ssyncset.done $0x0  }
0xaf: {  	[sflag:s16] =	ssyncadd.s32 $0xFFFFC000  }
0xb0: {  	[spmem:s2] =	stream.indirect.scatter.add.f32 [tilespmem:s13], [sflag:$0x3], $0x80, s12, s12, $0xb8;
	[tilespmem:$0x1C800] =	vst v63  }
0xb1: {  	_ =	swait.ge [sflag:s11], $0x4000  }
0xb2: {  	[sflag:s11] =	ssyncset.done $0x0  }
0xb3: {  	[sflag:s11] =	ssyncadd.s32 $0xFFFFC000  }
0xb4: {  	[tilespmem:s13], [sflag:$0x1] =	stream.indirect.gather [hbm4b:s4+s12], $0x80, s17, s12, $0xb8;
	[tilespmem:$0x1C800] =	vst v63  }
0xb5: {  	_ =	swait.ge [sflag:s18], $0x4000  }
0xb6: {  	[sflag:s18] =	ssyncset.done $0x0  }
0xb7: {  	[sflag:s18] =	ssyncadd.s32 $0xFFFFC000  }
0xb8: {  	[spmem:s2] =	stream.indirect.scatter.add.f32 [tilespmem:s15], [sflag:$0x3], $0x80, s19, s12, $0xb8;
	[tilespmem:$0x1C800] =	vst v63  }
0xb9: {  	_ =	swait.ge [sflag:s11], $0x4000  }
0xba: {  	[sflag:s11] =	ssyncset.done $0x0  }
0xbb: {  	[sflag:s11] =	ssyncadd.s32 $0xFFFFC000  }
0xbc: {  	[tilespmem:s15], [sflag:$0x2] =	stream.indirect.gather [hbm4b:s4+s12], $0x80, s20, s12, $0xb8;
	[tilespmem:$0x1C800] =	vst v63  }
0xbd: {  	_ =	swait.ge [sflag:s16], $0x4000  }
0xbe: {  	[sflag:s16] =	ssyncset.done $0x0  }
0xbf: {  	[sflag:s16] =	ssyncadd.s32 $0xFFFFC000  }
0xc0: {  	[spmem:s2] =	stream.indirect.scatter.add.f32 [tilespmem:s13], [sflag:$0x3], $0x80, s21, s12, $0xb8;
	[tilespmem:$0x1C800] =	vst v63  }
0xc1: {  	_ =	swait.ge [sflag:s11], $0x4000  }
0xc2: {  	[sflag:s11] =	ssyncset.done $0x0  }
0xc3: {  	[sflag:s11] =	ssyncadd.s32 $0xFFFFC000  }
0xc4: {  	[tilespmem:s13], [sflag:$0x1] =	stream.indirect.gather [hbm4b:s4+s12], $0x80, s22, s12, $0xb8;
	[tilespmem:$0x1C800] =	vst v63  }
0xc5: {  	_ =	swait.ge [sflag:s18], $0x4000  }
0xc6: {  	[sflag:s18] =	ssyncset.done $0x0  }
0xc7: {  	[sflag:s18] =	ssyncadd.s32 $0xFFFFC000  }
0xc8: {  	[spmem:s2] =	stream.indirect.scatter.add.f32 [tilespmem:s15], [sflag:$0x3], $0x80, s23, s12, $0xb8;
	[tilespmem:$0x1C800] =	vst v63  }
0xc9: {  	_ =	swait.ge [sflag:s11], $0x4000  }
0xca: {  	[sflag:s11] =	ssyncset.done $0x0  }
0xcb: {  	[sflag:s11] =	ssyncadd.s32 $0xFFFFC000  }
0xcc: {  	[tilespmem:s15], [sflag:$0x2] =	stream.indirect.gather [hbm4b:s4+s12], $0x80, s24, s12, $0xb8;
	[tilespmem:$0x1C800] =	vst v63  }
0xcd: {  	_ =	swait.ge [sflag:s16], $0x4000  }
0xce: {  	[sflag:s16] =	ssyncset.done $0x0  }
0xcf: {  	[sflag:s16] =	ssyncadd.s32 $0xFFFFC000  }
0xd0: {  	[spmem:s2] =	stream.indirect.scatter.add.f32 [tilespmem:s13], [sflag:$0x3], $0x80, s25, s12, $0xb8;
	[tilespmem:$0x1C800] =	vst v63  }
0xd1: {  	_ =	swait.ge [sflag:s11], $0x4000  }
0xd2: {  	[sflag:s11] =	ssyncset.done $0x0  }
0xd3: {  	[sflag:s11] =	ssyncadd.s32 $0xFFFFC000  }
0xd4: {  	[tilespmem:s13], [sflag:$0x1] =	stream.indirect.gather [hbm4b:s4+s12], $0x80, s26, s12, $0xb8;
	[tilespmem:$0x1C800] =	vst v63  }
0xd5: {  	_ =	swait.ge [sflag:s18], $0x4000  }
0xd6: {  	[sflag:s18] =	ssyncset.done $0x0  }
0xd7: {  	[sflag:s18] =	ssyncadd.s32 $0xFFFFC000  }
0xd8: {  	[spmem:s2] =	stream.indirect.scatter.add.f32 [tilespmem:s15], [sflag:$0x3], $0x80, s28, s12, $0xb8;
	[tilespmem:$0x1C800] =	vst v63  }
0xd9: {  	_ =	swait.ge [sflag:s11], $0x4000  }
0xda: {  	[sflag:s11] =	ssyncset.done $0x0  }
0xdb: {  	[sflag:s11] =	ssyncadd.s32 $0xFFFFC000  }
0xdc: {  	[tilespmem:s15], [sflag:$0x2] =	stream.indirect.gather [hbm4b:s4+s12], $0x80, s29, s12, $0xb8;
	[tilespmem:$0x1C800] =	vst v63  }
0xdd: {  	_ =	swait.ge [sflag:s16], $0x4000  }
0xde: {  	[sflag:s16] =	ssyncset.done $0x0  }
0xdf: {  	[sflag:s16] =	ssyncadd.s32 $0xFFFFC000  }
0xe0: {  	[spmem:s2] =	stream.indirect.scatter.add.f32 [tilespmem:s13], [sflag:$0x3], $0x80, s30, s12, $0xb8;
	[tilespmem:$0x1C800] =	vst v63  }
0xe1: {  	_ =	swait.ge [sflag:s11], $0x4000  }
0xe2: {  	[sflag:s11] =	ssyncset.done $0x0  }
0xe3: {  	[sflag:s11] =	ssyncadd.s32 $0xFFFFC000  }
0xe4: {  	_ =	swait.ge [sflag:s18], $0x4000  }
0xe5: {  	[sflag:s18] =	ssyncset.done $0x0  }
0xe6: {  	[sflag:s18] =	ssyncadd.s32 $0xFFFFC000  }
0xe7: {  	[spmem:s2] =	stream.indirect.scatter.add.f32 [tilespmem:s15], [sflag:$0x3], $0x80, s31, s12, $0xb8;
	[tilespmem:$0x1C800] =	vst v63  }
0xe8: {  	_ =	swait.ge [sflag:s11], $0x4000  }
0xe9: {  	[sflag:s11] =	ssyncset.done $0x0  }
0xea: {  	[sflag:s11] =	ssyncadd.s32 $0xFFFFC000  }
0xeb: {  	[bflag:$0x0] =	sbarrier.arrive $0xFFFF  }
0xec: {  	s7 =	rddreg [dreg:$0x4]  }
0xed: {  	[hbm:s7], [sflag:s6] =	dma.local [spmem:s10], $0x2800  }
0xee: {  	_ =	swait.ge [sflag:s11], $0x2800  }
0xef: {  	s1 =	sadd.s32 $0x1, s1;
	s8 =	rddreg [dreg:$0x5]  }
0xf0: {  	p0 =	sne.s32 s1, s8  }
.Ltmp1:
0xf1: {  	_ = 	snop;
	(pc) =	sbr.rel @p0 .LBB2_1-.Ltmp1, $3  }
0xf2: {  	_ =	sdelay $0x1  }
0xf3: {  	[sflag:s11] =	ssyncset.done $0x0  }
0xf4: {  	[sflag:s11] =	ssyncadd.s32 $0xFFFFD800  }
0xf5: {  	_ =	sfence.sel $0x180000  }
0xf6: {  	[bflag:$0x0] =	sbarrier.arrive $0xFFFF  }
0xf7: {  	_ =	strace $0x9000004D  }
0xf8: {  	s0 =	stileid.u32;
	[bflag:$0x2] =	sbarrier.arrive $0xFFFF  }
0xf9: {  	p0 =	sne.s32 s0, $0x0;
	s0 =	rddreg [dreg:$0x2]  }
0xfa: {  	s0 =	sadd.s32 @!p0 $0x100000, s0  }
0xfb: {  	[sflag:s0] =	ssyncadd.tile.s32 @!p0 $0x1;
	_ =	shalt  }
.Lfunc_end2:
_tile_overlayer_lowered:
.L_overlay_start_2:
0xfc: {  	(tag) =	ssettag $0x2  }
0xfd: {  	s0 =	rddreg [dreg:$0x0];
	s2 =	stileid.u32  }
0xfe: {  	s1 =	rddreg [dreg:$0x1];
	p0 =	sne.s32 s2, $0x0  }
0xff: {  	s3 =	rddreg [dreg:$0x2];
	[bflag:$0x3] =	sbarrier.arrive $0xFFFF;
	s2 =	simm.s32 @!p0 $0x1C03  }
0x100: {  	[timem:s3], [sflag:s2] =	dma.local @!p0 [hbm:s0], s1  }
0x101: {  	s0 =	simm.s32 @!p0 $0x3  }
0x102: {  	_ =	swait.ge @!p0 [sflag:s0], s1  }
0x103: {  	s1 =	ssub.s32 @!p0 $0x0, s1;
	[sflag:s0] =	ssyncset.done @!p0 $0x0  }
0x104: {  	[sflag:s0] =	ssyncadd.s32 @!p0 s1  }
0x105: {  	[bflag:$0x3] =	sbarrier.arrive $0xFFFF  }
0x106: {  	_ =	shalt  }

</sc_bundles>
